<compile_context>
chip_gen: v7x
topology: tpu7x:2x2x1
jax: 0.10.2.dev20260603
libtpu: 0.0.44.dev20260713+nightly
codegen_flags: <defaults>
</compile_context>

<pallas_src>
import functools

import jax
import jax.numpy as jnp
from jax import lax
from jax.experimental import pallas as pl
from jax.experimental.pallas import tpu as pltpu
from jax.experimental.pallas import tpu_sc as plsc

B, T, NC, DC = 1024, 50, 26, 16
V, D = 1000000, 64
P = B * T
NW = 32
B_W = B // NW
P_W = P // NW
IDX_W = P_W * NC
CH = 16
N_CH = P_W // CH
ROWS = CH * NC


def _flatten_body(cat3, catf, v3, vf):
    wid = lax.axis_index("s") * 2 + lax.axis_index("c")
    b_base = wid * B_W

    @pl.loop(0, B_W // 2)
    def _(j):
        b = b_base + 2 * j
        pltpu.sync_copy(cat3.at[pl.ds(b, 2)], v3)
        for bb in range(2):
            @plsc.parallel_loop(0, T)
            def _(t):
                off = (bb * T + t) * NC
                vf[pl.ds(off, 16)] = v3[bb, t, pl.ds(0, 16)]
                vf[pl.ds(off + NC - 16, 16)] = v3[bb, t, pl.ds(NC - 16, 16)]
        pltpu.sync_copy(vf, catf.at[pl.ds(b * T * NC, 2 * T * NC)])


def _emb_body(table, idx, out, idx_v, rows0, rows1, out0, out1,
              g0, g1, w0, w1):
    wid = lax.axis_index("s") * 2 + lax.axis_index("c")
    pos_base = wid * P_W
    pltpu.sync_copy(idx.at[pl.ds(pos_base * NC, IDX_W)], idx_v)

    rows_b = (rows0, rows1)
    out_b = (out0, out1)
    gsem = (g0, g1)
    wsem = (w0, w1)

    def start_gather(c, par):
        pltpu.async_copy(
            table.at[idx_v.at[pl.ds(c * ROWS, ROWS)]], rows_b[par], gsem[par])

    start_gather(0, 0)
    start_gather(1, 1)

    @pl.loop(0, N_CH // 2)
    def _(g2):
        for par in range(2):
            c = g2 * 2 + par
            pos0 = pos_base + c * CH
            rows_v = rows_b[par]
            out_v = out_b[par]

            @pl.when(c >= 2)
            def _():
                pltpu.make_async_copy(
                    out_v, out.at[pl.ds(pos0, CH)], wsem[par]).wait()

            pltpu.make_async_copy(
                table.at[idx_v.at[pl.ds(c * ROWS, ROWS)]], rows_v,
                gsem[par]).wait()

            @plsc.parallel_loop(0, CH)
            def _(p):
                r0 = p * NC
                for v in range(D // 16):
                    sl = pl.ds(v * 16, 16)
                    acc = rows_v[r0, sl]
                    for cc in range(1, NC):
                        acc = acc + rows_v[r0 + cc, sl]
                    out_v[p, sl] = acc

            @pl.when(c + 2 < N_CH)
            def _():
                start_gather(c + 2, par)

            pltpu.async_copy(out_v, out.at[pl.ds(pos0, CH)], wsem[par])

    pltpu.make_async_copy(out0, out.at[pl.ds(pos_base, CH)], w0).wait()
    pltpu.make_async_copy(out1, out.at[pl.ds(pos_base, CH)], w1).wait()


@jax.jit
def _embed_sum(table, cat3):
    mesh = plsc.VectorSubcoreMesh(core_axis_name="c", subcore_axis_name="s")
    flatten = functools.partial(
        pl.kernel,
        mesh=mesh,
        out_type=jax.ShapeDtypeStruct((P * NC,), jnp.int32),
        scratch_types=[
            pltpu.VMEM((2, T, NC), jnp.int32),
            pltpu.VMEM((2 * T * NC,), jnp.int32),
        ],
        compiler_params=pltpu.CompilerParams(use_tc_tiling_on_sc=True),
    )(_flatten_body)
    catf = flatten(cat3)

    kern = functools.partial(
        pl.kernel,
        mesh=mesh,
        out_type=jax.ShapeDtypeStruct((P, D), jnp.float32),
        scratch_types=[
            pltpu.VMEM((IDX_W,), jnp.int32),
            pltpu.VMEM((ROWS, D), jnp.float32),
            pltpu.VMEM((ROWS, D), jnp.float32),
            pltpu.VMEM((CH, D), jnp.float32),
            pltpu.VMEM((CH, D), jnp.float32),
            pltpu.SemaphoreType.DMA,
            pltpu.SemaphoreType.DMA,
            pltpu.SemaphoreType.DMA,
            pltpu.SemaphoreType.DMA,
        ],
        compiler_params=pltpu.CompilerParams(use_tc_tiling_on_sc=False),
    )(_emb_body)
    return kern(table, catf)


def kernel(ContTensor, CatTensor, LabelTensor, DoseTensor, TimeDiffTensor,
           VTensor, VancoElTensor, PtList, LengList, embed_weight):
    sum2 = _embed_sum(embed_weight, CatTensor.astype(jnp.int32))
    outEmb = jnp.concatenate([sum2.reshape(B, T, D), ContTensor], axis=2)
    return (outEmb, LabelTensor, LengList, DoseTensor, TimeDiffTensor,
            VTensor, VancoElTensor, PtList)

# --- scband reference (transcript-rebuilt; emitter-appended) ---
"""Pipeline reference for scband-ehrembeddings-11287174053958 (READ-ONLY COPY).

The authoritative reference and input builder live on the scoring server;
editing this copy changes nothing except your own understanding.
"""

import jax, jax.numpy as jnp
import numpy as np

B, T, NC, DC = 1024, 50, 26, 16
V, D = 1000000, 64

def setup_inputs(seed: int = 0) -> dict:
    key = jax.random.key(seed)
    ks = jax.random.split(key, 10)
    return {
        "ContTensor": jax.random.normal(ks[0], (B, T, DC), dtype=jnp.float32),
        "CatTensor": jax.random.randint(ks[1], (B, T, NC), 0, V),
        "LabelTensor": jax.random.normal(ks[2], (B, T), dtype=jnp.float32),
        "DoseTensor": jax.random.uniform(ks[3], (B, T), dtype=jnp.float32),
        "TimeDiffTensor": jax.random.uniform(ks[4], (B, T), dtype=jnp.float32),
        "VTensor": jax.random.normal(ks[5], (B, T), dtype=jnp.float32),
        "VancoElTensor": jax.random.uniform(ks[6], (B, T), dtype=jnp.float32),
        "PtList": jax.random.randint(ks[7], (B,), 0, 100000),
        "LengList": jax.random.randint(ks[8], (B,), 1, T + 1),
        "embed_weight": jax.random.normal(ks[9], (V, D), dtype=jnp.float32) * 0.02,
    }

def reference(ContTensor, CatTensor, LabelTensor, DoseTensor, TimeDiffTensor, VTensor, VancoElTensor, PtList, LengList, embed_weight):
    # catEmb = self.embed(CatTensor): [B, T, NC, D]
    catEmb = jnp.take(embed_weight, CatTensor, axis=0)
    # sum over code dimension (dim=2): [B, T, D]
    outEmb = jnp.sum(catEmb, axis=2)
    # concat continuous features along feature axis: [B, T, D + DC]
    outEmb = jnp.concatenate((outEmb, ContTensor), axis=2)
    return (outEmb, LabelTensor, LengList, DoseTensor, TimeDiffTensor, VTensor, VancoElTensor, PtList)

if __name__ == "__main__":
    import jax
    _d = setup_inputs()
    print(jax.jit(kernel)(*tuple(_d.values())))

</pallas_src>

<mosaic_0001>
#map = affine_map<(d0, d1) -> (0, 0, 0)>
#map1 = affine_map<(d0, d1) -> (0)>
module attributes {stable_mosaic.version = 14 : i64} {
  func.func @_flatten_body(%arg0: i32, %arg1: i32, %arg2: memref<1024x50x26xi32, #tpu.memory_space<hbm>>, %arg3: memref<1331200xi32, #tpu.memory_space<hbm>>, %arg4: memref<2x50x26xi32, #tpu.memory_space<vmem>>, %arg5: memref<2600xi32, #tpu.memory_space<vmem>>) attributes {dimension_semantics = [#tpu.dimension_semantics<core_parallel>, #tpu.dimension_semantics<subcore_parallel>], iteration_bounds = array<i64: 2, 16>, scalar_prefetch = 0 : i64, scratch_operands = 2 : i64, tpu.core_type = #tpu.core_type<sc_vector_subcore>, window_params = [{transform_indices = #map}, {transform_indices = #map1}]} {
    %mul3A = arith.constant 2 : i32
    %mul3A_0 = arith.muli %arg1, %mul3A : i32
    %add3A = arith.addi %mul3A_0, %arg0 : i32
    %mul3A_1 = arith.constant 32 : i32
    %mul3A_2 = arith.muli %add3A, %mul3A_1 : i32
    %scan3A = arith.constant 0 : i32
    %scan3A_3 = arith.constant 16 : i32
    %scan3A_4 = arith.addi %scan3A, %scan3A_3 : i32
    %scan3A_5 = arith.constant 1 : i32
    scf.for %scan3A_7 = %scan3A to %scan3A_4 step %scan3A_5  : i32 {
      %mul3A_8 = arith.constant 1 : i32
      %mul3A_9 = arith.muli %scan3A_7, %mul3A_8 : i32
      %add3A_10 = arith.constant 0 : i32
      %add3A_11 = arith.addi %add3A_10, %mul3A_9 : i32
      %mul3A_12 = arith.constant 2 : i32
      %mul3A_13 = arith.muli %mul3A_12, %add3A_11 : i32
      %add3A_14 = arith.addi %mul3A_2, %mul3A_13 : i32
      "tpu.region"() ({
        %run_scoped3A = tpu.sem_alloc : memref<!tpu.dma_semaphore, #tpu.memory_space<semaphore_mem>>
        %dma_start3A = arith.constant 0 : i32
        %dma_start3A_24 = arith.constant 0 : i32
        %dma_start3A_25 = tpu.memref_slice %arg2[%add3A_14, %dma_start3A, %dma_start3A_24] : memref<1024x50x26xi32, #tpu.memory_space<hbm>> -> memref<2x50x26xi32, #tpu.memory_space<hbm>>
        %dma_start3A_26 = arith.constant 0 : i32
        %dma_start3A_27 = arith.constant 0 : i32
        %dma_start3A_28 = tpu.memref_slice %arg2[%add3A_14, %dma_start3A_26, %dma_start3A_27] : memref<1024x50x26xi32, #tpu.memory_space<hbm>> -> memref<2x50x26xi32, #tpu.memory_space<hbm>>
        tpu.enqueue_dma source(%dma_start3A_28 : memref<2x50x26xi32, #tpu.memory_space<hbm>>) target(%arg4 : memref<2x50x26xi32, #tpu.memory_space<vmem>>) target_semaphore(%run_scoped3A : memref<!tpu.dma_semaphore, #tpu.memory_space<semaphore_mem>>)
        %dma_wait3A = arith.constant 0 : i32
        %dma_wait3A_29 = arith.constant 0 : i32
        %dma_wait3A_30 = tpu.memref_slice %arg2[%add3A_14, %dma_wait3A, %dma_wait3A_29] : memref<1024x50x26xi32, #tpu.memory_space<hbm>> -> memref<2x50x26xi32, #tpu.memory_space<hbm>>
        %dma_wait3A_31 = arith.constant 0 : i32
        %dma_wait3A_32 = arith.constant 0 : i32
        %dma_wait3A_33 = tpu.memref_slice %arg2[%add3A_14, %dma_wait3A_31, %dma_wait3A_32] : memref<1024x50x26xi32, #tpu.memory_space<hbm>> -> memref<2x50x26xi32, #tpu.memory_space<hbm>>
        tpu.wait_dma2 semaphore(%run_scoped3A : memref<!tpu.dma_semaphore, #tpu.memory_space<semaphore_mem>>) src(%dma_wait3A_33 : memref<2x50x26xi32, #tpu.memory_space<hbm>>) dst(%arg4 : memref<2x50x26xi32, #tpu.memory_space<vmem>>)
        tpu.yield
      }) : () -> ()
      %parallel_loop3A = arith.constant 0 : i32
      %parallel_loop3A_15 = arith.constant 50 : i32
      %parallel_loop3A_16 = arith.constant 1 : i32
      scf.for %parallel_loop3A_24 = %parallel_loop3A to %parallel_loop3A_15 step %parallel_loop3A_16  : i32 {
        %parallel_loop3A_25 = arith.constant 0 : i32
        %parallel_loop3A_26 = arith.addi %parallel_loop3A_25, %parallel_loop3A_24 : i32
        %parallel_loop3A_27 = arith.constant 26 : i32
        %parallel_loop3A_28 = arith.muli %parallel_loop3A_26, %parallel_loop3A_27 : i32
        %parallel_loop3A_29 = arith.constant 0 : i32
        %parallel_loop3A_30 = arith.index_cast %parallel_loop3A_29 : i32 to index
        %parallel_loop3A_31 = arith.index_cast %parallel_loop3A_24 : i32 to index
        %parallel_loop3A_32 = arith.constant 0 : index
        %parallel_loop3A_33 = tpu.vector_load %arg4[%parallel_loop3A_30, %parallel_loop3A_31, %parallel_loop3A_32] {strides = array<i32>} : memref<2x50x26xi32, #tpu.memory_space<vmem>>, vector<1x1x16xi32>,
        %parallel_loop3A_34 = vector.shape_cast %parallel_loop3A_33 : vector<1x1x16xi32> to vector<16xi32>
        %parallel_loop3A_35 = arith.index_cast %parallel_loop3A_28 : i32 to index
        %parallel_loop3A_36 = tpu.vector_load %arg5[%parallel_loop3A_35] {strides = array<i32>} : memref<2600xi32, #tpu.memory_space<vmem>>, vector<16xi32>,
        %parallel_loop3A_37 = vector.shape_cast %parallel_loop3A_36 : vector<16xi32> to vector<16xi32>
        %parallel_loop3A_38 = vector.shape_cast %parallel_loop3A_34 : vector<16xi32> to vector<16xi32>
        tpu.vector_store %arg5[%parallel_loop3A_35], %parallel_loop3A_38 {strides = array<i32>} : memref<2600xi32, #tpu.memory_space<vmem>>, vector<16xi32>,
        %parallel_loop3A_39 = arith.constant 0 : i32
        %parallel_loop3A_40 = arith.index_cast %parallel_loop3A_39 : i32 to index
        %parallel_loop3A_41 = arith.index_cast %parallel_loop3A_24 : i32 to index
        %parallel_loop3A_42 = arith.constant 10 : index
        %parallel_loop3A_43 = tpu.vector_load %arg4[%parallel_loop3A_40, %parallel_loop3A_41, %parallel_loop3A_42] {strides = array<i32>} : memref<2x50x26xi32, #tpu.memory_space<vmem>>, vector<1x1x16xi32>,
        %parallel_loop3A_44 = vector.shape_cast %parallel_loop3A_43 : vector<1x1x16xi32> to vector<16xi32>
        %parallel_loop3A_45 = arith.constant 26 : i32
        %parallel_loop3A_46 = arith.addi %parallel_loop3A_28, %parallel_loop3A_45 : i32
        %parallel_loop3A_47 = arith.constant 16 : i32
        %parallel_loop3A_48 = arith.subi %parallel_loop3A_46, %parallel_loop3A_47 : i32
        %parallel_loop3A_49 = arith.index_cast %parallel_loop3A_48 : i32 to index
        %parallel_loop3A_50 = tpu.vector_load %arg5[%parallel_loop3A_49] {strides = array<i32>} : memref<2600xi32, #tpu.memory_space<vmem>>, vector<16xi32>,
        %parallel_loop3A_51 = vector.shape_cast %parallel_loop3A_50 : vector<16xi32> to vector<16xi32>
        %parallel_loop3A_52 = vector.shape_cast %parallel_loop3A_44 : vector<16xi32> to vector<16xi32>
        tpu.vector_store %arg5[%parallel_loop3A_49], %parallel_loop3A_52 {strides = array<i32>} : memref<2600xi32, #tpu.memory_space<vmem>>, vector<16xi32>,
      } {sc.loop_unroll_factor = 1 : i64, sc.parallel_access}
      %parallel_loop3A_17 = arith.constant 0 : i32
      %parallel_loop3A_18 = arith.constant 50 : i32
      %parallel_loop3A_19 = arith.constant 1 : i32
      scf.for %parallel_loop3A_24 = %parallel_loop3A_17 to %parallel_loop3A_18 step %parallel_loop3A_19  : i32 {
        %parallel_loop3A_25 = arith.constant 50 : i32
        %parallel_loop3A_26 = arith.addi %parallel_loop3A_25, %parallel_loop3A_24 : i32
        %parallel_loop3A_27 = arith.constant 26 : i32
        %parallel_loop3A_28 = arith.muli %parallel_loop3A_26, %parallel_loop3A_27 : i32
        %parallel_loop3A_29 = arith.constant 1 : i32
        %parallel_loop3A_30 = arith.index_cast %parallel_loop3A_29 : i32 to index
        %parallel_loop3A_31 = arith.index_cast %parallel_loop3A_24 : i32 to index
        %parallel_loop3A_32 = arith.constant 0 : index
        %parallel_loop3A_33 = tpu.vector_load %arg4[%parallel_loop3A_30, %parallel_loop3A_31, %parallel_loop3A_32] {strides = array<i32>} : memref<2x50x26xi32, #tpu.memory_space<vmem>>, vector<1x1x16xi32>,
        %parallel_loop3A_34 = vector.shape_cast %parallel_loop3A_33 : vector<1x1x16xi32> to vector<16xi32>
        %parallel_loop3A_35 = arith.index_cast %parallel_loop3A_28 : i32 to index
        %parallel_loop3A_36 = tpu.vector_load %arg5[%parallel_loop3A_35] {strides = array<i32>} : memref<2600xi32, #tpu.memory_space<vmem>>, vector<16xi32>,
        %parallel_loop3A_37 = vector.shape_cast %parallel_loop3A_36 : vector<16xi32> to vector<16xi32>
        %parallel_loop3A_38 = vector.shape_cast %parallel_loop3A_34 : vector<16xi32> to vector<16xi32>
        tpu.vector_store %arg5[%parallel_loop3A_35], %parallel_loop3A_38 {strides = array<i32>} : memref<2600xi32, #tpu.memory_space<vmem>>, vector<16xi32>,
        %parallel_loop3A_39 = arith.constant 1 : i32
        %parallel_loop3A_40 = arith.index_cast %parallel_loop3A_39 : i32 to index
        %parallel_loop3A_41 = arith.index_cast %parallel_loop3A_24 : i32 to index
        %parallel_loop3A_42 = arith.constant 10 : index
        %parallel_loop3A_43 = tpu.vector_load %arg4[%parallel_loop3A_40, %parallel_loop3A_41, %parallel_loop3A_42] {strides = array<i32>} : memref<2x50x26xi32, #tpu.memory_space<vmem>>, vector<1x1x16xi32>,
        %parallel_loop3A_44 = vector.shape_cast %parallel_loop3A_43 : vector<1x1x16xi32> to vector<16xi32>
        %parallel_loop3A_45 = arith.constant 26 : i32
        %parallel_loop3A_46 = arith.addi %parallel_loop3A_28, %parallel_loop3A_45 : i32
        %parallel_loop3A_47 = arith.constant 16 : i32
        %parallel_loop3A_48 = arith.subi %parallel_loop3A_46, %parallel_loop3A_47 : i32
        %parallel_loop3A_49 = arith.index_cast %parallel_loop3A_48 : i32 to index
        %parallel_loop3A_50 = tpu.vector_load %arg5[%parallel_loop3A_49] {strides = array<i32>} : memref<2600xi32, #tpu.memory_space<vmem>>, vector<16xi32>,
        %parallel_loop3A_51 = vector.shape_cast %parallel_loop3A_50 : vector<16xi32> to vector<16xi32>
        %parallel_loop3A_52 = vector.shape_cast %parallel_loop3A_44 : vector<16xi32> to vector<16xi32>
        tpu.vector_store %arg5[%parallel_loop3A_49], %parallel_loop3A_52 {strides = array<i32>} : memref<2600xi32, #tpu.memory_space<vmem>>, vector<16xi32>,
      } {sc.loop_unroll_factor = 1 : i64, sc.parallel_access}
      %mul3A_20 = arith.constant 50 : i32
      %mul3A_21 = arith.muli %add3A_14, %mul3A_20 : i32
      %mul3A_22 = arith.constant 26 : i32
      %mul3A_23 = arith.muli %mul3A_21, %mul3A_22 : i32
      "tpu.region"() ({
        %run_scoped3A = tpu.sem_alloc : memref<!tpu.dma_semaphore, #tpu.memory_space<semaphore_mem>>
        %dma_start3A = tpu.memref_slice %arg3[%mul3A_23] : memref<1331200xi32, #tpu.memory_space<hbm>> -> memref<2600xi32, #tpu.memory_space<hbm>>
        %dma_start3A_24 = tpu.memref_slice %arg3[%mul3A_23] : memref<1331200xi32, #tpu.memory_space<hbm>> -> memref<2600xi32, #tpu.memory_space<hbm>>
        tpu.enqueue_dma source(%arg5 : memref<2600xi32, #tpu.memory_space<vmem>>) target(%dma_start3A_24 : memref<2600xi32, #tpu.memory_space<hbm>>) target_semaphore(%run_scoped3A : memref<!tpu.dma_semaphore, #tpu.memory_space<semaphore_mem>>)
        %dma_wait3A = tpu.memref_slice %arg3[%mul3A_23] : memref<1331200xi32, #tpu.memory_space<hbm>> -> memref<2600xi32, #tpu.memory_space<hbm>>
        %dma_wait3A_25 = tpu.memref_slice %arg3[%mul3A_23] : memref<1331200xi32, #tpu.memory_space<hbm>> -> memref<2600xi32, #tpu.memory_space<hbm>>
        tpu.wait_dma2 semaphore(%run_scoped3A : memref<!tpu.dma_semaphore, #tpu.memory_space<semaphore_mem>>) src(%arg5 : memref<2600xi32, #tpu.memory_space<vmem>>) dst(%dma_wait3A_25 : memref<2600xi32, #tpu.memory_space<hbm>>)
        tpu.yield
      }) : () -> ()
    }
    %scan3A_6 = arith.constant 16 : i32
    return
  }
}

#map = affine_map<(d0, d1) -> (0, 0)>
#map1 = affine_map<(d0, d1) -> (0)>
module attributes {stable_mosaic.version = 14 : i64} {
  func.func @_emb_body(%arg0: i32, %arg1: i32, %arg2: memref<1000000x64xf32, #tpu.memory_space<hbm>>, %arg3: memref<1331200xi32, #tpu.memory_space<hbm>>, %arg4: memref<51200x64xf32, #tpu.memory_space<hbm>>, %arg5: memref<41600xi32, #tpu.memory_space<vmem>>, %arg6: memref<416x64xf32, #tpu.memory_space<vmem>>, %arg7: memref<416x64xf32, #tpu.memory_space<vmem>>, %arg8: memref<16x64xf32, #tpu.memory_space<vmem>>, %arg9: memref<16x64xf32, #tpu.memory_space<vmem>>, %arg10: memref<!tpu.dma_semaphore, #tpu.memory_space<semaphore_mem>>, %arg11: memref<!tpu.dma_semaphore, #tpu.memory_space<semaphore_mem>>, %arg12: memref<!tpu.dma_semaphore, #tpu.memory_space<semaphore_mem>>, %arg13: memref<!tpu.dma_semaphore, #tpu.memory_space<semaphore_mem>>) attributes {dimension_semantics = [#tpu.dimension_semantics<core_parallel>, #tpu.dimension_semantics<subcore_parallel>], iteration_bounds = array<i64: 2, 16>, scalar_prefetch = 0 : i64, scratch_operands = 9 : i64, tpu.core_type = #tpu.core_type<sc_vector_subcore>, window_params = [{transform_indices = #map}, {transform_indices = #map1}, {transform_indices = #map}]} {
    %mul3A = arith.constant 2 : i32
    %mul3A_0 = arith.muli %arg1, %mul3A : i32
    %add3A = arith.addi %mul3A_0, %arg0 : i32
    %mul3A_1 = arith.constant 1600 : i32
    %mul3A_2 = arith.muli %add3A, %mul3A_1 : i32
    %mul3A_3 = arith.constant 26 : i32
    %mul3A_4 = arith.muli %mul3A_2, %mul3A_3 : i32
    "tpu.region"() ({
      %run_scoped3A = tpu.sem_alloc : memref<!tpu.dma_semaphore, #tpu.memory_space<semaphore_mem>>
      %dma_start3A_25 = tpu.memref_slice %arg3[%mul3A_4] : memref<1331200xi32, #tpu.memory_space<hbm>> -> memref<41600xi32, #tpu.memory_space<hbm>>
      %dma_start3A_26 = tpu.memref_slice %arg3[%mul3A_4] : memref<1331200xi32, #tpu.memory_space<hbm>> -> memref<41600xi32, #tpu.memory_space<hbm>>
      tpu.enqueue_dma source(%dma_start3A_26 : memref<41600xi32, #tpu.memory_space<hbm>>) target(%arg5 : memref<41600xi32, #tpu.memory_space<vmem>>) target_semaphore(%run_scoped3A : memref<!tpu.dma_semaphore, #tpu.memory_space<semaphore_mem>>)
      %dma_wait3A_27 = tpu.memref_slice %arg3[%mul3A_4] : memref<1331200xi32, #tpu.memory_space<hbm>> -> memref<41600xi32, #tpu.memory_space<hbm>>
      %dma_wait3A_28 = tpu.memref_slice %arg3[%mul3A_4] : memref<1331200xi32, #tpu.memory_space<hbm>> -> memref<41600xi32, #tpu.memory_space<hbm>>
      tpu.wait_dma2 semaphore(%run_scoped3A : memref<!tpu.dma_semaphore, #tpu.memory_space<semaphore_mem>>) src(%dma_wait3A_28 : memref<41600xi32, #tpu.memory_space<hbm>>) dst(%arg5 : memref<41600xi32, #tpu.memory_space<vmem>>)
      tpu.yield
    }) : () -> ()
    %dma_start3A = arith.constant 0 : i32
    %dma_start3A_5 = tpu.memref_slice %arg5[%dma_start3A] : memref<41600xi32, #tpu.memory_space<vmem>> -> memref<416xi32, #tpu.memory_space<vmem>>
    %dma_start3A_6 = arith.constant 0 : i32
    %dma_start3A_7 = arith.constant 0 : i32
    %dma_start3A_8 = tpu.memref_slice %arg2[%dma_start3A_6, %dma_start3A_7] : memref<1000000x64xf32, #tpu.memory_space<hbm>> -> memref<1000000x64xf32, #tpu.memory_space<hbm>>
    tpu.enqueue_indirect_dma source(%dma_start3A_8 : memref<1000000x64xf32, #tpu.memory_space<hbm>>) target(%arg6 : memref<416x64xf32, #tpu.memory_space<vmem>>) offsets(%dma_start3A_5 : memref<416xi32, #tpu.memory_space<vmem>>) semaphore(%arg10 : memref<!tpu.dma_semaphore, #tpu.memory_space<semaphore_mem>>)
    %dma_start3A_9 = arith.constant 416 : i32
    %dma_start3A_10 = tpu.memref_slice %arg5[%dma_start3A_9] : memref<41600xi32, #tpu.memory_space<vmem>> -> memref<416xi32, #tpu.memory_space<vmem>>
    %dma_start3A_11 = arith.constant 0 : i32
    %dma_start3A_12 = arith.constant 0 : i32
    %dma_start3A_13 = tpu.memref_slice %arg2[%dma_start3A_11, %dma_start3A_12] : memref<1000000x64xf32, #tpu.memory_space<hbm>> -> memref<1000000x64xf32, #tpu.memory_space<hbm>>
    tpu.enqueue_indirect_dma source(%dma_start3A_13 : memref<1000000x64xf32, #tpu.memory_space<hbm>>) target(%arg7 : memref<416x64xf32, #tpu.memory_space<vmem>>) offsets(%dma_start3A_10 : memref<416xi32, #tpu.memory_space<vmem>>) semaphore(%arg11 : memref<!tpu.dma_semaphore, #tpu.memory_space<semaphore_mem>>)
    %scan3A = arith.constant 0 : i32
    %scan3A_14 = arith.constant 50 : i32
    %scan3A_15 = arith.addi %scan3A, %scan3A_14 : i32
    %scan3A_16 = arith.constant 1 : i32
    scf.for %scan3A_25 = %scan3A to %scan3A_15 step %scan3A_16  : i32 {
      %mul3A_26 = arith.constant 1 : i32
      %mul3A_27 = arith.muli %scan3A_25, %mul3A_26 : i32
      %add3A_28 = arith.constant 0 : i32
      %add3A_29 = arith.addi %add3A_28, %mul3A_27 : i32
      %mul3A_30 = arith.constant 2 : i32
      %mul3A_31 = arith.muli %add3A_29, %mul3A_30 : i32
      %add3A_32 = arith.constant 0 : i32
      %add3A_33 = arith.addi %mul3A_31, %add3A_32 : i32
      %mul3A_34 = arith.constant 16 : i32
      %mul3A_35 = arith.muli %add3A_33, %mul3A_34 : i32
      %add3A_36 = arith.addi %mul3A_2, %mul3A_35 : i32
      %ge3A = arith.constant 2 : i32
      %ge3A_37 = arith.cmpi sge, %add3A_33, %ge3A : i32
      %convert_element_type3A = arith.extui %ge3A_37 : i1 to i32
      %cond3A = arith.constant 0 : i32
      %cond3A_38 = arith.cmpi ne, %convert_element_type3A, %cond3A : i32
      scf.if %cond3A_38 {
        %dma_wait3A_89 = arith.constant 0 : i32
        %dma_wait3A_90 = tpu.memref_slice %arg4[%add3A_36, %dma_wait3A_89] : memref<51200x64xf32, #tpu.memory_space<hbm>> -> memref<16x64xf32, #tpu.memory_space<hbm>>
        %dma_wait3A_91 = arith.constant 0 : i32
        %dma_wait3A_92 = tpu.memref_slice %arg4[%add3A_36, %dma_wait3A_91] : memref<51200x64xf32, #tpu.memory_space<hbm>> -> memref<16x64xf32, #tpu.memory_space<hbm>>
        tpu.wait_dma2 semaphore(%arg12 : memref<!tpu.dma_semaphore, #tpu.memory_space<semaphore_mem>>) src(%arg8 : memref<16x64xf32, #tpu.memory_space<vmem>>) dst(%dma_wait3A_92 : memref<16x64xf32, #tpu.memory_space<hbm>>)
      } else {
      }
      %mul3A_39 = arith.constant 416 : i32
      %mul3A_40 = arith.muli %add3A_33, %mul3A_39 : i32
      %dma_wait3A_41 = tpu.memref_slice %arg5[%mul3A_40] : memref<41600xi32, #tpu.memory_space<vmem>> -> memref<416xi32, #tpu.memory_space<vmem>>
      %dma_wait3A_42 = arith.constant 0 : i32
      %dma_wait3A_43 = arith.constant 0 : i32
      %dma_wait3A_44 = tpu.memref_slice %arg2[%dma_wait3A_42, %dma_wait3A_43] : memref<1000000x64xf32, #tpu.memory_space<hbm>> -> memref<1000000x64xf32, #tpu.memory_space<hbm>>
      tpu.wait_indirect_dma semaphore(%arg10 : memref<!tpu.dma_semaphore, #tpu.memory_space<semaphore_mem>>) src(%dma_wait3A_44 : memref<1000000x64xf32, #tpu.memory_space<hbm>>) dst(%arg6 : memref<416x64xf32, #tpu.memory_space<vmem>>)
      %parallel_loop3A = arith.constant 0 : i32
      %parallel_loop3A_45 = arith.constant 16 : i32
      %parallel_loop3A_46 = arith.constant 1 : i32
      scf.for %parallel_loop3A_89 = %parallel_loop3A to %parallel_loop3A_45 step %parallel_loop3A_46  : i32 {
        %parallel_loop3A_90 = arith.constant 26 : i32
        %parallel_loop3A_91 = arith.muli %parallel_loop3A_89, %parallel_loop3A_90 : i32
        %parallel_loop3A_92 = arith.index_cast %parallel_loop3A_91 : i32 to index
        %parallel_loop3A_93 = arith.constant 0 : index
        %parallel_loop3A_94 = tpu.vector_load %arg6[%parallel_loop3A_92, %parallel_loop3A_93] {strides = array<i32>} : memref<416x64xf32, #tpu.memory_space<vmem>>, vector<1x16xf32>,
        %parallel_loop3A_95 = vector.shape_cast %parallel_loop3A_94 : vector<1x16xf32> to vector<16xf32>
        %parallel_loop3A_96 = arith.constant 1 : i32
        %parallel_loop3A_97 = arith.addi %parallel_loop3A_91, %parallel_loop3A_96 : i32
        %parallel_loop3A_98 = arith.index_cast %parallel_loop3A_97 : i32 to index
        %parallel_loop3A_99 = arith.constant 0 : index
        %parallel_loop3A_100 = tpu.vector_load %arg6[%parallel_loop3A_98, %parallel_loop3A_99] {strides = array<i32>} : memref<416x64xf32, #tpu.memory_space<vmem>>, vector<1x16xf32>,
        %parallel_loop3A_101 = vector.shape_cast %parallel_loop3A_100 : vector<1x16xf32> to vector<16xf32>
        %parallel_loop3A_102 = arith.addf %parallel_loop3A_95, %parallel_loop3A_101 : vector<16xf32>
        %parallel_loop3A_103 = arith.constant 2 : i32
        %parallel_loop3A_104 = arith.addi %parallel_loop3A_91, %parallel_loop3A_103 : i32
        %parallel_loop3A_105 = arith.index_cast %parallel_loop3A_104 : i32 to index
        %parallel_loop3A_106 = arith.constant 0 : index
        %parallel_loop3A_107 = tpu.vector_load %arg6[%parallel_loop3A_105, %parallel_loop3A_106] {strides = array<i32>} : memref<416x64xf32, #tpu.memory_space<vmem>>, vector<1x16xf32>,
        %parallel_loop3A_108 = vector.shape_cast %parallel_loop3A_107 : vector<1x16xf32> to vector<16xf32>
        %parallel_loop3A_109 = arith.addf %parallel_loop3A_102, %parallel_loop3A_108 : vector<16xf32>
        %parallel_loop3A_110 = arith.constant 3 : i32
        %parallel_loop3A_111 = arith.addi %parallel_loop3A_91, %parallel_loop3A_110 : i32
        %parallel_loop3A_112 = arith.index_cast %parallel_loop3A_111 : i32 to index
        %parallel_loop3A_113 = arith.constant 0 : index
        %parallel_loop3A_114 = tpu.vector_load %arg6[%parallel_loop3A_112, %parallel_loop3A_113] {strides = array<i32>} : memref<416x64xf32, #tpu.memory_space<vmem>>, vector<1x16xf32>,
        %parallel_loop3A_115 = vector.shape_cast %parallel_loop3A_114 : vector<1x16xf32> to vector<16xf32>
        %parallel_loop3A_116 = arith.addf %parallel_loop3A_109, %parallel_loop3A_115 : vector<16xf32>
        %parallel_loop3A_117 = arith.constant 4 : i32
        %parallel_loop3A_118 = arith.addi %parallel_loop3A_91, %parallel_loop3A_117 : i32
        %parallel_loop3A_119 = arith.index_cast %parallel_loop3A_118 : i32 to index
        %parallel_loop3A_120 = arith.constant 0 : index
        %parallel_loop3A_121 = tpu.vector_load %arg6[%parallel_loop3A_119, %parallel_loop3A_120] {strides = array<i32>} : memref<416x64xf32, #tpu.memory_space<vmem>>, vector<1x16xf32>,
        %parallel_loop3A_122 = vector.shape_cast %parallel_loop3A_121 : vector<1x16xf32> to vector<16xf32>
        %parallel_loop3A_123 = arith.addf %parallel_loop3A_116, %parallel_loop3A_122 : vector<16xf32>
        %parallel_loop3A_124 = arith.constant 5 : i32
        %parallel_loop3A_125 = arith.addi %parallel_loop3A_91, %parallel_loop3A_124 : i32
        %parallel_loop3A_126 = arith.index_cast %parallel_loop3A_125 : i32 to index
        %parallel_loop3A_127 = arith.constant 0 : index
        %parallel_loop3A_128 = tpu.vector_load %arg6[%parallel_loop3A_126, %parallel_loop3A_127] {strides = array<i32>} : memref<416x64xf32, #tpu.memory_space<vmem>>, vector<1x16xf32>,
        %parallel_loop3A_129 = vector.shape_cast %parallel_loop3A_128 : vector<1x16xf32> to vector<16xf32>
        %parallel_loop3A_130 = arith.addf %parallel_loop3A_123, %parallel_loop3A_129 : vector<16xf32>
        %parallel_loop3A_131 = arith.constant 6 : i32
        %parallel_loop3A_132 = arith.addi %parallel_loop3A_91, %parallel_loop3A_131 : i32
        %parallel_loop3A_133 = arith.index_cast %parallel_loop3A_132 : i32 to index
        %parallel_loop3A_134 = arith.constant 0 : index
        %parallel_loop3A_135 = tpu.vector_load %arg6[%parallel_loop3A_133, %parallel_loop3A_134] {strides = array<i32>} : memref<416x64xf32, #tpu.memory_space<vmem>>, vector<1x16xf32>,
        %parallel_loop3A_136 = vector.shape_cast %parallel_loop3A_135 : vector<1x16xf32> to vector<16xf32>
        %parallel_loop3A_137 = arith.addf %parallel_loop3A_130, %parallel_loop3A_136 : vector<16xf32>
        %parallel_loop3A_138 = arith.constant 7 : i32
        %parallel_loop3A_139 = arith.addi %parallel_loop3A_91, %parallel_loop3A_138 : i32
        %parallel_loop3A_140 = arith.index_cast %parallel_loop3A_139 : i32 to index
        %parallel_loop3A_141 = arith.constant 0 : index
        %parallel_loop3A_142 = tpu.vector_load %arg6[%parallel_loop3A_140, %parallel_loop3A_141] {strides = array<i32>} : memref<416x64xf32, #tpu.memory_space<vmem>>, vector<1x16xf32>,
        %parallel_loop3A_143 = vector.shape_cast %parallel_loop3A_142 : vector<1x16xf32> to vector<16xf32>
        %parallel_loop3A_144 = arith.addf %parallel_loop3A_137, %parallel_loop3A_143 : vector<16xf32>
        %parallel_loop3A_145 = arith.constant 8 : i32
        %parallel_loop3A_146 = arith.addi %parallel_loop3A_91, %parallel_loop3A_145 : i32
        %parallel_loop3A_147 = arith.index_cast %parallel_loop3A_146 : i32 to index
        %parallel_loop3A_148 = arith.constant 0 : index
        %parallel_loop3A_149 = tpu.vector_load %arg6[%parallel_loop3A_147, %parallel_loop3A_148] {strides = array<i32>} : memref<416x64xf32, #tpu.memory_space<vmem>>, vector<1x16xf32>,
        %parallel_loop3A_150 = vector.shape_cast %parallel_loop3A_149 : vector<1x16xf32> to vector<16xf32>
        %parallel_loop3A_151 = arith.addf %parallel_loop3A_144, %parallel_loop3A_150 : vector<16xf32>
        %parallel_loop3A_152 = arith.constant 9 : i32
        %parallel_loop3A_153 = arith.addi %parallel_loop3A_91, %parallel_loop3A_152 : i32
        %parallel_loop3A_154 = arith.index_cast %parallel_loop3A_153 : i32 to index
        %parallel_loop3A_155 = arith.constant 0 : index
        %parallel_loop3A_156 = tpu.vector_load %arg6[%parallel_loop3A_154, %parallel_loop3A_155] {strides = array<i32>} : memref<416x64xf32, #tpu.memory_space<vmem>>, vector<1x16xf32>,
        %parallel_loop3A_157 = vector.shape_cast %parallel_loop3A_156 : vector<1x16xf32> to vector<16xf32>
        %parallel_loop3A_158 = arith.addf %parallel_loop3A_151, %parallel_loop3A_157 : vector<16xf32>
        %parallel_loop3A_159 = arith.constant 10 : i32
        %parallel_loop3A_160 = arith.addi %parallel_loop3A_91, %parallel_loop3A_159 : i32
        %parallel_loop3A_161 = arith.index_cast %parallel_loop3A_160 : i32 to index
        %parallel_loop3A_162 = arith.constant 0 : index
        %parallel_loop3A_163 = tpu.vector_load %arg6[%parallel_loop3A_161, %parallel_loop3A_162] {strides = array<i32>} : memref<416x64xf32, #tpu.memory_space<vmem>>, vector<1x16xf32>,
        %parallel_loop3A_164 = vector.shape_cast %parallel_loop3A_163 : vector<1x16xf32> to vector<16xf32>
        %parallel_loop3A_165 = arith.addf %parallel_loop3A_158, %parallel_loop3A_164 : vector<16xf32>
        %parallel_loop3A_166 = arith.constant 11 : i32
        %parallel_loop3A_167 = arith.addi %parallel_loop3A_91, %parallel_loop3A_166 : i32
        %parallel_loop3A_168 = arith.index_cast %parallel_loop3A_167 : i32 to index
        %parallel_loop3A_169 = arith.constant 0 : index
        %parallel_loop3A_170 = tpu.vector_load %arg6[%parallel_loop3A_168, %parallel_loop3A_169] {strides = array<i32>} : memref<416x64xf32, #tpu.memory_space<vmem>>, vector<1x16xf32>,
        %parallel_loop3A_171 = vector.shape_cast %parallel_loop3A_170 : vector<1x16xf32> to vector<16xf32>
        %parallel_loop3A_172 = arith.addf %parallel_loop3A_165, %parallel_loop3A_171 : vector<16xf32>
        %parallel_loop3A_173 = arith.constant 12 : i32
        %parallel_loop3A_174 = arith.addi %parallel_loop3A_91, %parallel_loop3A_173 : i32
        %parallel_loop3A_175 = arith.index_cast %parallel_loop3A_174 : i32 to index
        %parallel_loop3A_176 = arith.constant 0 : index
        %parallel_loop3A_177 = tpu.vector_load %arg6[%parallel_loop3A_175, %parallel_loop3A_176] {strides = array<i32>} : memref<416x64xf32, #tpu.memory_space<vmem>>, vector<1x16xf32>,
        %parallel_loop3A_178 = vector.shape_cast %parallel_loop3A_177 : vector<1x16xf32> to vector<16xf32>
        %parallel_loop3A_179 = arith.addf %parallel_loop3A_172, %parallel_loop3A_178 : vector<16xf32>
        %parallel_loop3A_180 = arith.constant 13 : i32
        %parallel_loop3A_181 = arith.addi %parallel_loop3A_91, %parallel_loop3A_180 : i32
        %parallel_loop3A_182 = arith.index_cast %parallel_loop3A_181 : i32 to index
        %parallel_loop3A_183 = arith.constant 0 : index
        %parallel_loop3A_184 = tpu.vector_load %arg6[%parallel_loop3A_182, %parallel_loop3A_183] {strides = array<i32>} : memref<416x64xf32, #tpu.memory_space<vmem>>, vector<1x16xf32>,
        %parallel_loop3A_185 = vector.shape_cast %parallel_loop3A_184 : vector<1x16xf32> to vector<16xf32>
        %parallel_loop3A_186 = arith.addf %parallel_loop3A_179, %parallel_loop3A_185 : vector<16xf32>
        %parallel_loop3A_187 = arith.constant 14 : i32
        %parallel_loop3A_188 = arith.addi %parallel_loop3A_91, %parallel_loop3A_187 : i32
        %parallel_loop3A_189 = arith.index_cast %parallel_loop3A_188 : i32 to index
        %parallel_loop3A_190 = arith.constant 0 : index
        %parallel_loop3A_191 = tpu.vector_load %arg6[%parallel_loop3A_189, %parallel_loop3A_190] {strides = array<i32>} : memref<416x64xf32, #tpu.memory_space<vmem>>, vector<1x16xf32>,
        %parallel_loop3A_192 = vector.shape_cast %parallel_loop3A_191 : vector<1x16xf32> to vector<16xf32>
        %parallel_loop3A_193 = arith.addf %parallel_loop3A_186, %parallel_loop3A_192 : vector<16xf32>
        %parallel_loop3A_194 = arith.constant 15 : i32
        %parallel_loop3A_195 = arith.addi %parallel_loop3A_91, %parallel_loop3A_194 : i32
        %parallel_loop3A_196 = arith.index_cast %parallel_loop3A_195 : i32 to index
        %parallel_loop3A_197 = arith.constant 0 : index
        %parallel_loop3A_198 = tpu.vector_load %arg6[%parallel_loop3A_196, %parallel_loop3A_197] {strides = array<i32>} : memref<416x64xf32, #tpu.memory_space<vmem>>, vector<1x16xf32>,
        %parallel_loop3A_199 = vector.shape_cast %parallel_loop3A_198 : vector<1x16xf32> to vector<16xf32>
        %parallel_loop3A_200 = arith.addf %parallel_loop3A_193, %parallel_loop3A_199 : vector<16xf32>
        %parallel_loop3A_201 = arith.constant 16 : i32
        %parallel_loop3A_202 = arith.addi %parallel_loop3A_91, %parallel_loop3A_201 : i32
        %parallel_loop3A_203 = arith.index_cast %parallel_loop3A_202 : i32 to index
        %parallel_loop3A_204 = arith.constant 0 : index
        %parallel_loop3A_205 = tpu.vector_load %arg6[%parallel_loop3A_203, %parallel_loop3A_204] {strides = array<i32>} : memref<416x64xf32, #tpu.memory_space<vmem>>, vector<1x16xf32>,
        %parallel_loop3A_206 = vector.shape_cast %parallel_loop3A_205 : vector<1x16xf32> to vector<16xf32>
        %parallel_loop3A_207 = arith.addf %parallel_loop3A_200, %parallel_loop3A_206 : vector<16xf32>
        %parallel_loop3A_208 = arith.constant 17 : i32
        %parallel_loop3A_209 = arith.addi %parallel_loop3A_91, %parallel_loop3A_208 : i32
        %parallel_loop3A_210 = arith.index_cast %parallel_loop3A_209 : i32 to index
        %parallel_loop3A_211 = arith.constant 0 : index
        %parallel_loop3A_212 = tpu.vector_load %arg6[%parallel_loop3A_210, %parallel_loop3A_211] {strides = array<i32>} : memref<416x64xf32, #tpu.memory_space<vmem>>, vector<1x16xf32>,
        %parallel_loop3A_213 = vector.shape_cast %parallel_loop3A_212 : vector<1x16xf32> to vector<16xf32>
        %parallel_loop3A_214 = arith.addf %parallel_loop3A_207, %parallel_loop3A_213 : vector<16xf32>
        %parallel_loop3A_215 = arith.constant 18 : i32
        %parallel_loop3A_216 = arith.addi %parallel_loop3A_91, %parallel_loop3A_215 : i32
        %parallel_loop3A_217 = arith.index_cast %parallel_loop3A_216 : i32 to index
        %parallel_loop3A_218 = arith.constant 0 : index
        %parallel_loop3A_219 = tpu.vector_load %arg6[%parallel_loop3A_217, %parallel_loop3A_218] {strides = array<i32>} : memref<416x64xf32, #tpu.memory_space<vmem>>, vector<1x16xf32>,
        %parallel_loop3A_220 = vector.shape_cast %parallel_loop3A_219 : vector<1x16xf32> to vector<16xf32>
        %parallel_loop3A_221 = arith.addf %parallel_loop3A_214, %parallel_loop3A_220 : vector<16xf32>
        %parallel_loop3A_222 = arith.constant 19 : i32
        %parallel_loop3A_223 = arith.addi %parallel_loop3A_91, %parallel_loop3A_222 : i32
        %parallel_loop3A_224 = arith.index_cast %parallel_loop3A_223 : i32 to index
        %parallel_loop3A_225 = arith.constant 0 : index
        %parallel_loop3A_226 = tpu.vector_load %arg6[%parallel_loop3A_224, %parallel_loop3A_225] {strides = array<i32>} : memref<416x64xf32, #tpu.memory_space<vmem>>, vector<1x16xf32>,
        %parallel_loop3A_227 = vector.shape_cast %parallel_loop3A_226 : vector<1x16xf32> to vector<16xf32>
        %parallel_loop3A_228 = arith.addf %parallel_loop3A_221, %parallel_loop3A_227 : vector<16xf32>
        %parallel_loop3A_229 = arith.constant 20 : i32
        %parallel_loop3A_230 = arith.addi %parallel_loop3A_91, %parallel_loop3A_229 : i32
        %parallel_loop3A_231 = arith.index_cast %parallel_loop3A_230 : i32 to index
        %parallel_loop3A_232 = arith.constant 0 : index
        %parallel_loop3A_233 = tpu.vector_load %arg6[%parallel_loop3A_231, %parallel_loop3A_232] {strides = array<i32>} : memref<416x64xf32, #tpu.memory_space<vmem>>, vector<1x16xf32>,
        %parallel_loop3A_234 = vector.shape_cast %parallel_loop3A_233 : vector<1x16xf32> to vector<16xf32>
        %parallel_loop3A_235 = arith.addf %parallel_loop3A_228, %parallel_loop3A_234 : vector<16xf32>
        %parallel_loop3A_236 = arith.constant 21 : i32
        %parallel_loop3A_237 = arith.addi %parallel_loop3A_91, %parallel_loop3A_236 : i32
        %parallel_loop3A_238 = arith.index_cast %parallel_loop3A_237 : i32 to index
        %parallel_loop3A_239 = arith.constant 0 : index
        %parallel_loop3A_240 = tpu.vector_load %arg6[%parallel_loop3A_238, %parallel_loop3A_239] {strides = array<i32>} : memref<416x64xf32, #tpu.memory_space<vmem>>, vector<1x16xf32>,
        %parallel_loop3A_241 = vector.shape_cast %parallel_loop3A_240 : vector<1x16xf32> to vector<16xf32>
        %parallel_loop3A_242 = arith.addf %parallel_loop3A_235, %parallel_loop3A_241 : vector<16xf32>
        %parallel_loop3A_243 = arith.constant 22 : i32
        %parallel_loop3A_244 = arith.addi %parallel_loop3A_91, %parallel_loop3A_243 : i32
        %parallel_loop3A_245 = arith.index_cast %parallel_loop3A_244 : i32 to index
        %parallel_loop3A_246 = arith.constant 0 : index
        %parallel_loop3A_247 = tpu.vector_load %arg6[%parallel_loop3A_245, %parallel_loop3A_246] {strides = array<i32>} : memref<416x64xf32, #tpu.memory_space<vmem>>, vector<1x16xf32>,
        %parallel_loop3A_248 = vector.shape_cast %parallel_loop3A_247 : vector<1x16xf32> to vector<16xf32>
        %parallel_loop3A_249 = arith.addf %parallel_loop3A_242, %parallel_loop3A_248 : vector<16xf32>
        %parallel_loop3A_250 = arith.constant 23 : i32
        %parallel_loop3A_251 = arith.addi %parallel_loop3A_91, %parallel_loop3A_250 : i32
        %parallel_loop3A_252 = arith.index_cast %parallel_loop3A_251 : i32 to index
        %parallel_loop3A_253 = arith.constant 0 : index
        %parallel_loop3A_254 = tpu.vector_load %arg6[%parallel_loop3A_252, %parallel_loop3A_253] {strides = array<i32>} : memref<416x64xf32, #tpu.memory_space<vmem>>, vector<1x16xf32>,
        %parallel_loop3A_255 = vector.shape_cast %parallel_loop3A_254 : vector<1x16xf32> to vector<16xf32>
        %parallel_loop3A_256 = arith.addf %parallel_loop3A_249, %parallel_loop3A_255 : vector<16xf32>
        %parallel_loop3A_257 = arith.constant 24 : i32
        %parallel_loop3A_258 = arith.addi %parallel_loop3A_91, %parallel_loop3A_257 : i32
        %parallel_loop3A_259 = arith.index_cast %parallel_loop3A_258 : i32 to index
        %parallel_loop3A_260 = arith.constant 0 : index
        %parallel_loop3A_261 = tpu.vector_load %arg6[%parallel_loop3A_259, %parallel_loop3A_260] {strides = array<i32>} : memref<416x64xf32, #tpu.memory_space<vmem>>, vector<1x16xf32>,
        %parallel_loop3A_262 = vector.shape_cast %parallel_loop3A_261 : vector<1x16xf32> to vector<16xf32>
        %parallel_loop3A_263 = arith.addf %parallel_loop3A_256, %parallel_loop3A_262 : vector<16xf32>
        %parallel_loop3A_264 = arith.constant 25 : i32
        %parallel_loop3A_265 = arith.addi %parallel_loop3A_91, %parallel_loop3A_264 : i32
        %parallel_loop3A_266 = arith.index_cast %parallel_loop3A_265 : i32 to index
        %parallel_loop3A_267 = arith.constant 0 : index
        %parallel_loop3A_268 = tpu.vector_load %arg6[%parallel_loop3A_266, %parallel_loop3A_267] {strides = array<i32>} : memref<416x64xf32, #tpu.memory_space<vmem>>, vector<1x16xf32>,
        %parallel_loop3A_269 = vector.shape_cast %parallel_loop3A_268 : vector<1x16xf32> to vector<16xf32>
        %parallel_loop3A_270 = arith.addf %parallel_loop3A_263, %parallel_loop3A_269 : vector<16xf32>
        %parallel_loop3A_271 = arith.index_cast %parallel_loop3A_89 : i32 to index
        %parallel_loop3A_272 = arith.constant 0 : index
        %parallel_loop3A_273 = tpu.vector_load %arg8[%parallel_loop3A_271, %parallel_loop3A_272] {strides = array<i32>} : memref<16x64xf32, #tpu.memory_space<vmem>>, vector<1x16xf32>,
        %parallel_loop3A_274 = vector.shape_cast %parallel_loop3A_273 : vector<1x16xf32> to vector<16xf32>
        %parallel_loop3A_275 = vector.shape_cast %parallel_loop3A_270 : vector<16xf32> to vector<1x16xf32>
        tpu.vector_store %arg8[%parallel_loop3A_271, %parallel_loop3A_272], %parallel_loop3A_275 {strides = array<i32>} : memref<16x64xf32, #tpu.memory_space<vmem>>, vector<1x16xf32>,
        %parallel_loop3A_276 = arith.index_cast %parallel_loop3A_91 : i32 to index
        %parallel_loop3A_277 = arith.constant 16 : index
        %parallel_loop3A_278 = tpu.vector_load %arg6[%parallel_loop3A_276, %parallel_loop3A_277] {strides = array<i32>} : memref<416x64xf32, #tpu.memory_space<vmem>>, vector<1x16xf32>,
        %parallel_loop3A_279 = vector.shape_cast %parallel_loop3A_278 : vector<1x16xf32> to vector<16xf32>
        %parallel_loop3A_280 = arith.constant 1 : i32
        %parallel_loop3A_281 = arith.addi %parallel_loop3A_91, %parallel_loop3A_280 : i32
        %parallel_loop3A_282 = arith.index_cast %parallel_loop3A_281 : i32 to index
        %parallel_loop3A_283 = arith.constant 16 : index
        %parallel_loop3A_284 = tpu.vector_load %arg6[%parallel_loop3A_282, %parallel_loop3A_283] {strides = array<i32>} : memref<416x64xf32, #tpu.memory_space<vmem>>, vector<1x16xf32>,
        %parallel_loop3A_285 = vector.shape_cast %parallel_loop3A_284 : vector<1x16xf32> to vector<16xf32>
        %parallel_loop3A_286 = arith.addf %parallel_loop3A_279, %parallel_loop3A_285 : vector<16xf32>
        %parallel_loop3A_287 = arith.constant 2 : i32
        %parallel_loop3A_288 = arith.addi %parallel_loop3A_91, %parallel_loop3A_287 : i32
        %parallel_loop3A_289 = arith.index_cast %parallel_loop3A_288 : i32 to index
        %parallel_loop3A_290 = arith.constant 16 : index
        %parallel_loop3A_291 = tpu.vector_load %arg6[%parallel_loop3A_289, %parallel_loop3A_290] {strides = array<i32>} : memref<416x64xf32, #tpu.memory_space<vmem>>, vector<1x16xf32>,
        %parallel_loop3A_292 = vector.shape_cast %parallel_loop3A_291 : vector<1x16xf32> to vector<16xf32>
        %parallel_loop3A_293 = arith.addf %parallel_loop3A_286, %parallel_loop3A_292 : vector<16xf32>
        %parallel_loop3A_294 = arith.constant 3 : i32
        %parallel_loop3A_295 = arith.addi %parallel_loop3A_91, %parallel_loop3A_294 : i32
        %parallel_loop3A_296 = arith.index_cast %parallel_loop3A_295 : i32 to index
        %parallel_loop3A_297 = arith.constant 16 : index
        %parallel_loop3A_298 = tpu.vector_load %arg6[%parallel_loop3A_296, %parallel_loop3A_297] {strides = array<i32>} : memref<416x64xf32, #tpu.memory_space<vmem>>, vector<1x16xf32>,
        %parallel_loop3A_299 = vector.shape_cast %parallel_loop3A_298 : vector<1x16xf32> to vector<16xf32>
        %parallel_loop3A_300 = arith.addf %parallel_loop3A_293, %parallel_loop3A_299 : vector<16xf32>
        %parallel_loop3A_301 = arith.constant 4 : i32
        %parallel_loop3A_302 = arith.addi %parallel_loop3A_91, %parallel_loop3A_301 : i32
        %parallel_loop3A_303 = arith.index_cast %parallel_loop3A_302 : i32 to index
        %parallel_loop3A_304 = arith.constant 16 : index
        %parallel_loop3A_305 = tpu.vector_load %arg6[%parallel_loop3A_303, %parallel_loop3A_304] {strides = array<i32>} : memref<416x64xf32, #tpu.memory_space<vmem>>, vector<1x16xf32>,
        %parallel_loop3A_306 = vector.shape_cast %parallel_loop3A_305 : vector<1x16xf32> to vector<16xf32>
        %parallel_loop3A_307 = arith.addf %parallel_loop3A_300, %parallel_loop3A_306 : vector<16xf32>
        %parallel_loop3A_308 = arith.constant 5 : i32
        %parallel_loop3A_309 = arith.addi %parallel_loop3A_91, %parallel_loop3A_308 : i32
        %parallel_loop3A_310 = arith.index_cast %parallel_loop3A_309 : i32 to index
        %parallel_loop3A_311 = arith.constant 16 : index
        %parallel_loop3A_312 = tpu.vector_load %arg6[%parallel_loop3A_310, %parallel_loop3A_311] {strides = array<i32>} : memref<416x64xf32, #tpu.memory_space<vmem>>, vector<1x16xf32>,
        %parallel_loop3A_313 = vector.shape_cast %parallel_loop3A_312 : vector<1x16xf32> to vector<16xf32>
        %parallel_loop3A_314 = arith.addf %parallel_loop3A_307, %parallel_loop3A_313 : vector<16xf32>
        %parallel_loop3A_315 = arith.constant 6 : i32
        %parallel_loop3A_316 = arith.addi %parallel_loop3A_91, %parallel_loop3A_315 : i32
        %parallel_loop3A_317 = arith.index_cast %parallel_loop3A_316 : i32 to index
        %parallel_loop3A_318 = arith.constant 16 : index
        %parallel_loop3A_319 = tpu.vector_load %arg6[%parallel_loop3A_317, %parallel_loop3A_318] {strides = array<i32>} : memref<416x64xf32, #tpu.memory_space<vmem>>, vector<1x16xf32>,
        %parallel_loop3A_320 = vector.shape_cast %parallel_loop3A_319 : vector<1x16xf32> to vector<16xf32>
        %parallel_loop3A_321 = arith.addf %parallel_loop3A_314, %parallel_loop3A_320 : vector<16xf32>
        %parallel_loop3A_322 = arith.constant 7 : i32
        %parallel_loop3A_323 = arith.addi %parallel_loop3A_91, %parallel_loop3A_322 : i32
        %parallel_loop3A_324 = arith.index_cast %parallel_loop3A_323 : i32 to index
        %parallel_loop3A_325 = arith.constant 16 : index
        %parallel_loop3A_326 = tpu.vector_load %arg6[%parallel_loop3A_324, %parallel_loop3A_325] {strides = array<i32>} : memref<416x64xf32, #tpu.memory_space<vmem>>, vector<1x16xf32>,
        %parallel_loop3A_327 = vector.shape_cast %parallel_loop3A_326 : vector<1x16xf32> to vector<16xf32>
        %parallel_loop3A_328 = arith.addf %parallel_loop3A_321, %parallel_loop3A_327 : vector<16xf32>
        %parallel_loop3A_329 = arith.constant 8 : i32
        %parallel_loop3A_330 = arith.addi %parallel_loop3A_91, %parallel_loop3A_329 : i32
        %parallel_loop3A_331 = arith.index_cast %parallel_loop3A_330 : i32 to index
        %parallel_loop3A_332 = arith.constant 16 : index
        %parallel_loop3A_333 = tpu.vector_load %arg6[%parallel_loop3A_331, %parallel_loop3A_332] {strides = array<i32>} : memref<416x64xf32, #tpu.memory_space<vmem>>, vector<1x16xf32>,
        %parallel_loop3A_334 = vector.shape_cast %parallel_loop3A_333 : vector<1x16xf32> to vector<16xf32>
        %parallel_loop3A_335 = arith.addf %parallel_loop3A_328, %parallel_loop3A_334 : vector<16xf32>
        %parallel_loop3A_336 = arith.constant 9 : i32
        %parallel_loop3A_337 = arith.addi %parallel_loop3A_91, %parallel_loop3A_336 : i32
        %parallel_loop3A_338 = arith.index_cast %parallel_loop3A_337 : i32 to index
        %parallel_loop3A_339 = arith.constant 16 : index
        %parallel_loop3A_340 = tpu.vector_load %arg6[%parallel_loop3A_338, %parallel_loop3A_339] {strides = array<i32>} : memref<416x64xf32, #tpu.memory_space<vmem>>, vector<1x16xf32>,
        %parallel_loop3A_341 = vector.shape_cast %parallel_loop3A_340 : vector<1x16xf32> to vector<16xf32>
        %parallel_loop3A_342 = arith.addf %parallel_loop3A_335, %parallel_loop3A_341 : vector<16xf32>
        %parallel_loop3A_343 = arith.constant 10 : i32
        %parallel_loop3A_344 = arith.addi %parallel_loop3A_91, %parallel_loop3A_343 : i32
        %parallel_loop3A_345 = arith.index_cast %parallel_loop3A_344 : i32 to index
        %parallel_loop3A_346 = arith.constant 16 : index
        %parallel_loop3A_347 = tpu.vector_load %arg6[%parallel_loop3A_345, %parallel_loop3A_346] {strides = array<i32>} : memref<416x64xf32, #tpu.memory_space<vmem>>, vector<1x16xf32>,
        %parallel_loop3A_348 = vector.shape_cast %parallel_loop3A_347 : vector<1x16xf32> to vector<16xf32>
        %parallel_loop3A_349 = arith.addf %parallel_loop3A_342, %parallel_loop3A_348 : vector<16xf32>
        %parallel_loop3A_350 = arith.constant 11 : i32
        %parallel_loop3A_351 = arith.addi %parallel_loop3A_91, %parallel_loop3A_350 : i32
        %parallel_loop3A_352 = arith.index_cast %parallel_loop3A_351 : i32 to index
        %parallel_loop3A_353 = arith.constant 16 : index
        %parallel_loop3A_354 = tpu.vector_load %arg6[%parallel_loop3A_352, %parallel_loop3A_353] {strides = array<i32>} : memref<416x64xf32, #tpu.memory_space<vmem>>, vector<1x16xf32>,
        %parallel_loop3A_355 = vector.shape_cast %parallel_loop3A_354 : vector<1x16xf32> to vector<16xf32>
        %parallel_loop3A_356 = arith.addf %parallel_loop3A_349, %parallel_loop3A_355 : vector<16xf32>
        %parallel_loop3A_357 = arith.constant 12 : i32
        %parallel_loop3A_358 = arith.addi %parallel_loop3A_91, %parallel_loop3A_357 : i32
        %parallel_loop3A_359 = arith.index_cast %parallel_loop3A_358 : i32 to index
        %parallel_loop3A_360 = arith.constant 16 : index
        %parallel_loop3A_361 = tpu.vector_load %arg6[%parallel_loop3A_359, %parallel_loop3A_360] {strides = array<i32>} : memref<416x64xf32, #tpu.memory_space<vmem>>, vector<1x16xf32>,
        %parallel_loop3A_362 = vector.shape_cast %parallel_loop3A_361 : vector<1x16xf32> to vector<16xf32>
        %parallel_loop3A_363 = arith.addf %parallel_loop3A_356, %parallel_loop3A_362 : vector<16xf32>
        %parallel_loop3A_364 = arith.constant 13 : i32
        %parallel_loop3A_365 = arith.addi %parallel_loop3A_91, %parallel_loop3A_364 : i32
        %parallel_loop3A_366 = arith.index_cast %parallel_loop3A_365 : i32 to index
        %parallel_loop3A_367 = arith.constant 16 : index
        %parallel_loop3A_368 = tpu.vector_load %arg6[%parallel_loop3A_366, %parallel_loop3A_367] {strides = array<i32>} : memref<416x64xf32, #tpu.memory_space<vmem>>, vector<1x16xf32>,
        %parallel_loop3A_369 = vector.shape_cast %parallel_loop3A_368 : vector<1x16xf32> to vector<16xf32>
        %parallel_loop3A_370 = arith.addf %parallel_loop3A_363, %parallel_loop3A_369 : vector<16xf32>
        %parallel_loop3A_371 = arith.constant 14 : i32
        %parallel_loop3A_372 = arith.addi %parallel_loop3A_91, %parallel_loop3A_371 : i32
        %parallel_loop3A_373 = arith.index_cast %parallel_loop3A_372 : i32 to index
        %parallel_loop3A_374 = arith.constant 16 : index
        %parallel_loop3A_375 = tpu.vector_load %arg6[%parallel_loop3A_373, %parallel_loop3A_374] {strides = array<i32>} : memref<416x64xf32, #tpu.memory_space<vmem>>, vector<1x16xf32>,
        %parallel_loop3A_376 = vector.shape_cast %parallel_loop3A_375 : vector<1x16xf32> to vector<16xf32>
        %parallel_loop3A_377 = arith.addf %parallel_loop3A_370, %parallel_loop3A_376 : vector<16xf32>
        %parallel_loop3A_378 = arith.constant 15 : i32
        %parallel_loop3A_379 = arith.addi %parallel_loop3A_91, %parallel_loop3A_378 : i32
        %parallel_loop3A_380 = arith.index_cast %parallel_loop3A_379 : i32 to index
        %parallel_loop3A_381 = arith.constant 16 : index
        %parallel_loop3A_382 = tpu.vector_load %arg6[%parallel_loop3A_380, %parallel_loop3A_381] {strides = array<i32>} : memref<416x64xf32, #tpu.memory_space<vmem>>, vector<1x16xf32>,
        %parallel_loop3A_383 = vector.shape_cast %parallel_loop3A_382 : vector<1x16xf32> to vector<16xf32>
        %parallel_loop3A_384 = arith.addf %parallel_loop3A_377, %parallel_loop3A_383 : vector<16xf32>
        %parallel_loop3A_385 = arith.constant 16 : i32
        %parallel_loop3A_386 = arith.addi %parallel_loop3A_91, %parallel_loop3A_385 : i32
        %parallel_loop3A_387 = arith.index_cast %parallel_loop3A_386 : i32 to index
        %parallel_loop3A_388 = arith.constant 16 : index
        %parallel_loop3A_389 = tpu.vector_load %arg6[%parallel_loop3A_387, %parallel_loop3A_388] {strides = array<i32>} : memref<416x64xf32, #tpu.memory_space<vmem>>, vector<1x16xf32>,
        %parallel_loop3A_390 = vector.shape_cast %parallel_loop3A_389 : vector<1x16xf32> to vector<16xf32>
        %parallel_loop3A_391 = arith.addf %parallel_loop3A_384, %parallel_loop3A_390 : vector<16xf32>
        %parallel_loop3A_392 = arith.constant 17 : i32
        %parallel_loop3A_393 = arith.addi %parallel_loop3A_91, %parallel_loop3A_392 : i32
        %parallel_loop3A_394 = arith.index_cast %parallel_loop3A_393 : i32 to index
        %parallel_loop3A_395 = arith.constant 16 : index
        %parallel_loop3A_396 = tpu.vector_load %arg6[%parallel_loop3A_394, %parallel_loop3A_395] {strides = array<i32>} : memref<416x64xf32, #tpu.memory_space<vmem>>, vector<1x16xf32>,
        %parallel_loop3A_397 = vector.shape_cast %parallel_loop3A_396 : vector<1x16xf32> to vector<16xf32>
        %parallel_loop3A_398 = arith.addf %parallel_loop3A_391, %parallel_loop3A_397 : vector<16xf32>
        %parallel_loop3A_399 = arith.constant 18 : i32
        %parallel_loop3A_400 = arith.addi %parallel_loop3A_91, %parallel_loop3A_399 : i32
        %parallel_loop3A_401 = arith.index_cast %parallel_loop3A_400 : i32 to index
        %parallel_loop3A_402 = arith.constant 16 : index
        %parallel_loop3A_403 = tpu.vector_load %arg6[%parallel_loop3A_401, %parallel_loop3A_402] {strides = array<i32>} : memref<416x64xf32, #tpu.memory_space<vmem>>, vector<1x16xf32>,
        %parallel_loop3A_404 = vector.shape_cast %parallel_loop3A_403 : vector<1x16xf32> to vector<16xf32>
        %parallel_loop3A_405 = arith.addf %parallel_loop3A_398, %parallel_loop3A_404 : vector<16xf32>
        %parallel_loop3A_406 = arith.constant 19 : i32
        %parallel_loop3A_407 = arith.addi %parallel_loop3A_91, %parallel_loop3A_406 : i32
        %parallel_loop3A_408 = arith.index_cast %parallel_loop3A_407 : i32 to index
        %parallel_loop3A_409 = arith.constant 16 : index
        %parallel_loop3A_410 = tpu.vector_load %arg6[%parallel_loop3A_408, %parallel_loop3A_409] {strides = array<i32>} : memref<416x64xf32, #tpu.memory_space<vmem>>, vector<1x16xf32>,
        %parallel_loop3A_411 = vector.shape_cast %parallel_loop3A_410 : vector<1x16xf32> to vector<16xf32>
        %parallel_loop3A_412 = arith.addf %parallel_loop3A_405, %parallel_loop3A_411 : vector<16xf32>
        %parallel_loop3A_413 = arith.constant 20 : i32
        %parallel_loop3A_414 = arith.addi %parallel_loop3A_91, %parallel_loop3A_413 : i32
        %parallel_loop3A_415 = arith.index_cast %parallel_loop3A_414 : i32 to index
        %parallel_loop3A_416 = arith.constant 16 : index
        %parallel_loop3A_417 = tpu.vector_load %arg6[%parallel_loop3A_415, %parallel_loop3A_416] {strides = array<i32>} : memref<416x64xf32, #tpu.memory_space<vmem>>, vector<1x16xf32>,
        %parallel_loop3A_418 = vector.shape_cast %parallel_loop3A_417 : vector<1x16xf32> to vector<16xf32>
        %parallel_loop3A_419 = arith.addf %parallel_loop3A_412, %parallel_loop3A_418 : vector<16xf32>
        %parallel_loop3A_420 = arith.constant 21 : i32
        %parallel_loop3A_421 = arith.addi %parallel_loop3A_91, %parallel_loop3A_420 : i32
        %parallel_loop3A_422 = arith.index_cast %parallel_loop3A_421 : i32 to index
        %parallel_loop3A_423 = arith.constant 16 : index
        %parallel_loop3A_424 = tpu.vector_load %arg6[%parallel_loop3A_422, %parallel_loop3A_423] {strides = array<i32>} : memref<416x64xf32, #tpu.memory_space<vmem>>, vector<1x16xf32>,
        %parallel_loop3A_425 = vector.shape_cast %parallel_loop3A_424 : vector<1x16xf32> to vector<16xf32>
        %parallel_loop3A_426 = arith.addf %parallel_loop3A_419, %parallel_loop3A_425 : vector<16xf32>
        %parallel_loop3A_427 = arith.constant 22 : i32
        %parallel_loop3A_428 = arith.addi %parallel_loop3A_91, %parallel_loop3A_427 : i32
        %parallel_loop3A_429 = arith.index_cast %parallel_loop3A_428 : i32 to index
        %parallel_loop3A_430 = arith.constant 16 : index
        %parallel_loop3A_431 = tpu.vector_load %arg6[%parallel_loop3A_429, %parallel_loop3A_430] {strides = array<i32>} : memref<416x64xf32, #tpu.memory_space<vmem>>, vector<1x16xf32>,
        %parallel_loop3A_432 = vector.shape_cast %parallel_loop3A_431 : vector<1x16xf32> to vector<16xf32>
        %parallel_loop3A_433 = arith.addf %parallel_loop3A_426, %parallel_loop3A_432 : vector<16xf32>
        %parallel_loop3A_434 = arith.constant 23 : i32
        %parallel_loop3A_435 = arith.addi %parallel_loop3A_91, %parallel_loop3A_434 : i32
        %parallel_loop3A_436 = arith.index_cast %parallel_loop3A_435 : i32 to index
        %parallel_loop3A_437 = arith.constant 16 : index
        %parallel_loop3A_438 = tpu.vector_load %arg6[%parallel_loop3A_436, %parallel_loop3A_437] {strides = array<i32>} : memref<416x64xf32, #tpu.memory_space<vmem>>, vector<1x16xf32>,
        %parallel_loop3A_439 = vector.shape_cast %parallel_loop3A_438 : vector<1x16xf32> to vector<16xf32>
        %parallel_loop3A_440 = arith.addf %parallel_loop3A_433, %parallel_loop3A_439 : vector<16xf32>
        %parallel_loop3A_441 = arith.constant 24 : i32
        %parallel_loop3A_442 = arith.addi %parallel_loop3A_91, %parallel_loop3A_441 : i32
        %parallel_loop3A_443 = arith.index_cast %parallel_loop3A_442 : i32 to index
        %parallel_loop3A_444 = arith.constant 16 : index
        %parallel_loop3A_445 = tpu.vector_load %arg6[%parallel_loop3A_443, %parallel_loop3A_444] {strides = array<i32>} : memref<416x64xf32, #tpu.memory_space<vmem>>, vector<1x16xf32>,
        %parallel_loop3A_446 = vector.shape_cast %parallel_loop3A_445 : vector<1x16xf32> to vector<16xf32>
        %parallel_loop3A_447 = arith.addf %parallel_loop3A_440, %parallel_loop3A_446 : vector<16xf32>
        %parallel_loop3A_448 = arith.constant 25 : i32
        %parallel_loop3A_449 = arith.addi %parallel_loop3A_91, %parallel_loop3A_448 : i32
        %parallel_loop3A_450 = arith.index_cast %parallel_loop3A_449 : i32 to index
        %parallel_loop3A_451 = arith.constant 16 : index
        %parallel_loop3A_452 = tpu.vector_load %arg6[%parallel_loop3A_450, %parallel_loop3A_451] {strides = array<i32>} : memref<416x64xf32, #tpu.memory_space<vmem>>, vector<1x16xf32>,
        %parallel_loop3A_453 = vector.shape_cast %parallel_loop3A_452 : vector<1x16xf32> to vector<16xf32>
        %parallel_loop3A_454 = arith.addf %parallel_loop3A_447, %parallel_loop3A_453 : vector<16xf32>
        %parallel_loop3A_455 = arith.index_cast %parallel_loop3A_89 : i32 to index
        %parallel_loop3A_456 = arith.constant 16 : index
        %parallel_loop3A_457 = tpu.vector_load %arg8[%parallel_loop3A_455, %parallel_loop3A_456] {strides = array<i32>} : memref<16x64xf32, #tpu.memory_space<vmem>>, vector<1x16xf32>,
        %parallel_loop3A_458 = vector.shape_cast %parallel_loop3A_457 : vector<1x16xf32> to vector<16xf32>
        %parallel_loop3A_459 = vector.shape_cast %parallel_loop3A_454 : vector<16xf32> to vector<1x16xf32>
        tpu.vector_store %arg8[%parallel_loop3A_455, %parallel_loop3A_456], %parallel_loop3A_459 {strides = array<i32>} : memref<16x64xf32, #tpu.memory_space<vmem>>, vector<1x16xf32>,
        %parallel_loop3A_460 = arith.index_cast %parallel_loop3A_91 : i32 to index
        %parallel_loop3A_461 = arith.constant 32 : index
        %parallel_loop3A_462 = tpu.vector_load %arg6[%parallel_loop3A_460, %parallel_loop3A_461] {strides = array<i32>} : memref<416x64xf32, #tpu.memory_space<vmem>>, vector<1x16xf32>,
        %parallel_loop3A_463 = vector.shape_cast %parallel_loop3A_462 : vector<1x16xf32> to vector<16xf32>
        %parallel_loop3A_464 = arith.constant 1 : i32
        %parallel_loop3A_465 = arith.addi %parallel_loop3A_91, %parallel_loop3A_464 : i32
        %parallel_loop3A_466 = arith.index_cast %parallel_loop3A_465 : i32 to index
        %parallel_loop3A_467 = arith.constant 32 : index
        %parallel_loop3A_468 = tpu.vector_load %arg6[%parallel_loop3A_466, %parallel_loop3A_467] {strides = array<i32>} : memref<416x64xf32, #tpu.memory_space<vmem>>, vector<1x16xf32>,
        %parallel_loop3A_469 = vector.shape_cast %parallel_loop3A_468 : vector<1x16xf32> to vector<16xf32>
        %parallel_loop3A_470 = arith.addf %parallel_loop3A_463, %parallel_loop3A_469 : vector<16xf32>
        %parallel_loop3A_471 = arith.constant 2 : i32
        %parallel_loop3A_472 = arith.addi %parallel_loop3A_91, %parallel_loop3A_471 : i32
        %parallel_loop3A_473 = arith.index_cast %parallel_loop3A_472 : i32 to index
        %parallel_loop3A_474 = arith.constant 32 : index
        %parallel_loop3A_475 = tpu.vector_load %arg6[%parallel_loop3A_473, %parallel_loop3A_474] {strides = array<i32>} : memref<416x64xf32, #tpu.memory_space<vmem>>, vector<1x16xf32>,
        %parallel_loop3A_476 = vector.shape_cast %parallel_loop3A_475 : vector<1x16xf32> to vector<16xf32>
        %parallel_loop3A_477 = arith.addf %parallel_loop3A_470, %parallel_loop3A_476 : vector<16xf32>
        %parallel_loop3A_478 = arith.constant 3 : i32
        %parallel_loop3A_479 = arith.addi %parallel_loop3A_91, %parallel_loop3A_478 : i32
        %parallel_loop3A_480 = arith.index_cast %parallel_loop3A_479 : i32 to index
        %parallel_loop3A_481 = arith.constant 32 : index
        %parallel_loop3A_482 = tpu.vector_load %arg6[%parallel_loop3A_480, %parallel_loop3A_481] {strides = array<i32>} : memref<416x64xf32, #tpu.memory_space<vmem>>, vector<1x16xf32>,
        %parallel_loop3A_483 = vector.shape_cast %parallel_loop3A_482 : vector<1x16xf32> to vector<16xf32>
        %parallel_loop3A_484 = arith.addf %parallel_loop3A_477, %parallel_loop3A_483 : vector<16xf32>
        %parallel_loop3A_485 = arith.constant 4 : i32
        %parallel_loop3A_486 = arith.addi %parallel_loop3A_91, %parallel_loop3A_485 : i32
        %parallel_loop3A_487 = arith.index_cast %parallel_loop3A_486 : i32 to index
        %parallel_loop3A_488 = arith.constant 32 : index
        %parallel_loop3A_489 = tpu.vector_load %arg6[%parallel_loop3A_487, %parallel_loop3A_488] {strides = array<i32>} : memref<416x64xf32, #tpu.memory_space<vmem>>, vector<1x16xf32>,
        %parallel_loop3A_490 = vector.shape_cast %parallel_loop3A_489 : vector<1x16xf32> to vector<16xf32>
        %parallel_loop3A_491 = arith.addf %parallel_loop3A_484, %parallel_loop3A_490 : vector<16xf32>
        %parallel_loop3A_492 = arith.constant 5 : i32
        %parallel_loop3A_493 = arith.addi %parallel_loop3A_91, %parallel_loop3A_492 : i32
        %parallel_loop3A_494 = arith.index_cast %parallel_loop3A_493 : i32 to index
        %parallel_loop3A_495 = arith.constant 32 : index
        %parallel_loop3A_496 = tpu.vector_load %arg6[%parallel_loop3A_494, %parallel_loop3A_495] {strides = array<i32>} : memref<416x64xf32, #tpu.memory_space<vmem>>, vector<1x16xf32>,
        %parallel_loop3A_497 = vector.shape_cast %parallel_loop3A_496 : vector<1x16xf32> to vector<16xf32>
        %parallel_loop3A_498 = arith.addf %parallel_loop3A_491, %parallel_loop3A_497 : vector<16xf32>
        %parallel_loop3A_499 = arith.constant 6 : i32
        %parallel_loop3A_500 = arith.addi %parallel_loop3A_91, %parallel_loop3A_499 : i32
        %parallel_loop3A_501 = arith.index_cast %parallel_loop3A_500 : i32 to index
        %parallel_loop3A_502 = arith.constant 32 : index
        %parallel_loop3A_503 = tpu.vector_load %arg6[%parallel_loop3A_501, %parallel_loop3A_502] {strides = array<i32>} : memref<416x64xf32, #tpu.memory_space<vmem>>, vector<1x16xf32>,
        %parallel_loop3A_504 = vector.shape_cast %parallel_loop3A_503 : vector<1x16xf32> to vector<16xf32>
        %parallel_loop3A_505 = arith.addf %parallel_loop3A_498, %parallel_loop3A_504 : vector<16xf32>
        %parallel_loop3A_506 = arith.constant 7 : i32
        %parallel_loop3A_507 = arith.addi %parallel_loop3A_91, %parallel_loop3A_506 : i32
        %parallel_loop3A_508 = arith.index_cast %parallel_loop3A_507 : i32 to index
        %parallel_loop3A_509 = arith.constant 32 : index
        %parallel_loop3A_510 = tpu.vector_load %arg6[%parallel_loop3A_508, %parallel_loop3A_509] {strides = array<i32>} : memref<416x64xf32, #tpu.memory_space<vmem>>, vector<1x16xf32>,
        %parallel_loop3A_511 = vector.shape_cast %parallel_loop3A_510 : vector<1x16xf32> to vector<16xf32>
        %parallel_loop3A_512 = arith.addf %parallel_loop3A_505, %parallel_loop3A_511 : vector<16xf32>
        %parallel_loop3A_513 = arith.constant 8 : i32
        %parallel_loop3A_514 = arith.addi %parallel_loop3A_91, %parallel_loop3A_513 : i32
        %parallel_loop3A_515 = arith.index_cast %parallel_loop3A_514 : i32 to index
        %parallel_loop3A_516 = arith.constant 32 : index
        %parallel_loop3A_517 = tpu.vector_load %arg6[%parallel_loop3A_515, %parallel_loop3A_516] {strides = array<i32>} : memref<416x64xf32, #tpu.memory_space<vmem>>, vector<1x16xf32>,
        %parallel_loop3A_518 = vector.shape_cast %parallel_loop3A_517 : vector<1x16xf32> to vector<16xf32>
        %parallel_loop3A_519 = arith.addf %parallel_loop3A_512, %parallel_loop3A_518 : vector<16xf32>
        %parallel_loop3A_520 = arith.constant 9 : i32
        %parallel_loop3A_521 = arith.addi %parallel_loop3A_91, %parallel_loop3A_520 : i32
        %parallel_loop3A_522 = arith.index_cast %parallel_loop3A_521 : i32 to index
        %parallel_loop3A_523 = arith.constant 32 : index
        %parallel_loop3A_524 = tpu.vector_load %arg6[%parallel_loop3A_522, %parallel_loop3A_523] {strides = array<i32>} : memref<416x64xf32, #tpu.memory_space<vmem>>, vector<1x16xf32>,
        %parallel_loop3A_525 = vector.shape_cast %parallel_loop3A_524 : vector<1x16xf32> to vector<16xf32>
        %parallel_loop3A_526 = arith.addf %parallel_loop3A_519, %parallel_loop3A_525 : vector<16xf32>
        %parallel_loop3A_527 = arith.constant 10 : i32
        %parallel_loop3A_528 = arith.addi %parallel_loop3A_91, %parallel_loop3A_527 : i32
        %parallel_loop3A_529 = arith.index_cast %parallel_loop3A_528 : i32 to index
        %parallel_loop3A_530 = arith.constant 32 : index
        %parallel_loop3A_531 = tpu.vector_load %arg6[%parallel_loop3A_529, %parallel_loop3A_530] {strides = array<i32>} : memref<416x64xf32, #tpu.memory_space<vmem>>, vector<1x16xf32>,
        %parallel_loop3A_532 = vector.shape_cast %parallel_loop3A_531 : vector<1x16xf32> to vector<16xf32>
        %parallel_loop3A_533 = arith.addf %parallel_loop3A_526, %parallel_loop3A_532 : vector<16xf32>
        %parallel_loop3A_534 = arith.constant 11 : i32
        %parallel_loop3A_535 = arith.addi %parallel_loop3A_91, %parallel_loop3A_534 : i32
        %parallel_loop3A_536 = arith.index_cast %parallel_loop3A_535 : i32 to index
        %parallel_loop3A_537 = arith.constant 32 : index
        %parallel_loop3A_538 = tpu.vector_load %arg6[%parallel_loop3A_536, %parallel_loop3A_537] {strides = array<i32>} : memref<416x64xf32, #tpu.memory_space<vmem>>, vector<1x16xf32>,
        %parallel_loop3A_539 = vector.shape_cast %parallel_loop3A_538 : vector<1x16xf32> to vector<16xf32>
        %parallel_loop3A_540 = arith.addf %parallel_loop3A_533, %parallel_loop3A_539 : vector<16xf32>
        %parallel_loop3A_541 = arith.constant 12 : i32
        %parallel_loop3A_542 = arith.addi %parallel_loop3A_91, %parallel_loop3A_541 : i32
        %parallel_loop3A_543 = arith.index_cast %parallel_loop3A_542 : i32 to index
        %parallel_loop3A_544 = arith.constant 32 : index
        %parallel_loop3A_545 = tpu.vector_load %arg6[%parallel_loop3A_543, %parallel_loop3A_544] {strides = array<i32>} : memref<416x64xf32, #tpu.memory_space<vmem>>, vector<1x16xf32>,
        %parallel_loop3A_546 = vector.shape_cast %parallel_loop3A_545 : vector<1x16xf32> to vector<16xf32>
        %parallel_loop3A_547 = arith.addf %parallel_loop3A_540, %parallel_loop3A_546 : vector<16xf32>
        %parallel_loop3A_548 = arith.constant 13 : i32
        %parallel_loop3A_549 = arith.addi %parallel_loop3A_91, %parallel_loop3A_548 : i32
        %parallel_loop3A_550 = arith.index_cast %parallel_loop3A_549 : i32 to index
        %parallel_loop3A_551 = arith.constant 32 : index
        %parallel_loop3A_552 = tpu.vector_load %arg6[%parallel_loop3A_550, %parallel_loop3A_551] {strides = array<i32>} : memref<416x64xf32, #tpu.memory_space<vmem>>, vector<1x16xf32>,
        %parallel_loop3A_553 = vector.shape_cast %parallel_loop3A_552 : vector<1x16xf32> to vector<16xf32>
        %parallel_loop3A_554 = arith.addf %parallel_loop3A_547, %parallel_loop3A_553 : vector<16xf32>
        %parallel_loop3A_555 = arith.constant 14 : i32
        %parallel_loop3A_556 = arith.addi %parallel_loop3A_91, %parallel_loop3A_555 : i32
        %parallel_loop3A_557 = arith.index_cast %parallel_loop3A_556 : i32 to index
        %parallel_loop3A_558 = arith.constant 32 : index
        %parallel_loop3A_559 = tpu.vector_load %arg6[%parallel_loop3A_557, %parallel_loop3A_558] {strides = array<i32>} : memref<416x64xf32, #tpu.memory_space<vmem>>, vector<1x16xf32>,
        %parallel_loop3A_560 = vector.shape_cast %parallel_loop3A_559 : vector<1x16xf32> to vector<16xf32>
        %parallel_loop3A_561 = arith.addf %parallel_loop3A_554, %parallel_loop3A_560 : vector<16xf32>
        %parallel_loop3A_562 = arith.constant 15 : i32
        %parallel_loop3A_563 = arith.addi %parallel_loop3A_91, %parallel_loop3A_562 : i32
        %parallel_loop3A_564 = arith.index_cast %parallel_loop3A_563 : i32 to index
        %parallel_loop3A_565 = arith.constant 32 : index
        %parallel_loop3A_566 = tpu.vector_load %arg6[%parallel_loop3A_564, %parallel_loop3A_565] {strides = array<i32>} : memref<416x64xf32, #tpu.memory_space<vmem>>, vector<1x16xf32>,
        %parallel_loop3A_567 = vector.shape_cast %parallel_loop3A_566 : vector<1x16xf32> to vector<16xf32>
        %parallel_loop3A_568 = arith.addf %parallel_loop3A_561, %parallel_loop3A_567 : vector<16xf32>
        %parallel_loop3A_569 = arith.constant 16 : i32
        %parallel_loop3A_570 = arith.addi %parallel_loop3A_91, %parallel_loop3A_569 : i32
        %parallel_loop3A_571 = arith.index_cast %parallel_loop3A_570 : i32 to index
        %parallel_loop3A_572 = arith.constant 32 : index
        %parallel_loop3A_573 = tpu.vector_load %arg6[%parallel_loop3A_571, %parallel_loop3A_572] {strides = array<i32>} : memref<416x64xf32, #tpu.memory_space<vmem>>, vector<1x16xf32>,
        %parallel_loop3A_574 = vector.shape_cast %parallel_loop3A_573 : vector<1x16xf32> to vector<16xf32>
        %parallel_loop3A_575 = arith.addf %parallel_loop3A_568, %parallel_loop3A_574 : vector<16xf32>
        %parallel_loop3A_576 = arith.constant 17 : i32
        %parallel_loop3A_577 = arith.addi %parallel_loop3A_91, %parallel_loop3A_576 : i32
        %parallel_loop3A_578 = arith.index_cast %parallel_loop3A_577 : i32 to index
        %parallel_loop3A_579 = arith.constant 32 : index
        %parallel_loop3A_580 = tpu.vector_load %arg6[%parallel_loop3A_578, %parallel_loop3A_579] {strides = array<i32>} : memref<416x64xf32, #tpu.memory_space<vmem>>, vector<1x16xf32>,
        %parallel_loop3A_581 = vector.shape_cast %parallel_loop3A_580 : vector<1x16xf32> to vector<16xf32>
        %parallel_loop3A_582 = arith.addf %parallel_loop3A_575, %parallel_loop3A_581 : vector<16xf32>
        %parallel_loop3A_583 = arith.constant 18 : i32
        %parallel_loop3A_584 = arith.addi %parallel_loop3A_91, %parallel_loop3A_583 : i32
        %parallel_loop3A_585 = arith.index_cast %parallel_loop3A_584 : i32 to index
        %parallel_loop3A_586 = arith.constant 32 : index
        %parallel_loop3A_587 = tpu.vector_load %arg6[%parallel_loop3A_585, %parallel_loop3A_586] {strides = array<i32>} : memref<416x64xf32, #tpu.memory_space<vmem>>, vector<1x16xf32>,
        %parallel_loop3A_588 = vector.shape_cast %parallel_loop3A_587 : vector<1x16xf32> to vector<16xf32>
        %parallel_loop3A_589 = arith.addf %parallel_loop3A_582, %parallel_loop3A_588 : vector<16xf32>
        %parallel_loop3A_590 = arith.constant 19 : i32
        %parallel_loop3A_591 = arith.addi %parallel_loop3A_91, %parallel_loop3A_590 : i32
        %parallel_loop3A_592 = arith.index_cast %parallel_loop3A_591 : i32 to index
        %parallel_loop3A_593 = arith.constant 32 : index
        %parallel_loop3A_594 = tpu.vector_load %arg6[%parallel_loop3A_592, %parallel_loop3A_593] {strides = array<i32>} : memref<416x64xf32, #tpu.memory_space<vmem>>, vector<1x16xf32>,
        %parallel_loop3A_595 = vector.shape_cast %parallel_loop3A_594 : vector<1x16xf32> to vector<16xf32>
        %parallel_loop3A_596 = arith.addf %parallel_loop3A_589, %parallel_loop3A_595 : vector<16xf32>
        %parallel_loop3A_597 = arith.constant 20 : i32
        %parallel_loop3A_598 = arith.addi %parallel_loop3A_91, %parallel_loop3A_597 : i32
        %parallel_loop3A_599 = arith.index_cast %parallel_loop3A_598 : i32 to index
        %parallel_loop3A_600 = arith.constant 32 : index
        %parallel_loop3A_601 = tpu.vector_load %arg6[%parallel_loop3A_599, %parallel_loop3A_600] {strides = array<i32>} : memref<416x64xf32, #tpu.memory_space<vmem>>, vector<1x16xf32>,
        %parallel_loop3A_602 = vector.shape_cast %parallel_loop3A_601 : vector<1x16xf32> to vector<16xf32>
        %parallel_loop3A_603 = arith.addf %parallel_loop3A_596, %parallel_loop3A_602 : vector<16xf32>
        %parallel_loop3A_604 = arith.constant 21 : i32
        %parallel_loop3A_605 = arith.addi %parallel_loop3A_91, %parallel_loop3A_604 : i32
        %parallel_loop3A_606 = arith.index_cast %parallel_loop3A_605 : i32 to index
        %parallel_loop3A_607 = arith.constant 32 : index
        %parallel_loop3A_608 = tpu.vector_load %arg6[%parallel_loop3A_606, %parallel_loop3A_607] {strides = array<i32>} : memref<416x64xf32, #tpu.memory_space<vmem>>, vector<1x16xf32>,
        %parallel_loop3A_609 = vector.shape_cast %parallel_loop3A_608 : vector<1x16xf32> to vector<16xf32>
        %parallel_loop3A_610 = arith.addf %parallel_loop3A_603, %parallel_loop3A_609 : vector<16xf32>
        %parallel_loop3A_611 = arith.constant 22 : i32
        %parallel_loop3A_612 = arith.addi %parallel_loop3A_91, %parallel_loop3A_611 : i32
        %parallel_loop3A_613 = arith.index_cast %parallel_loop3A_612 : i32 to index
        %parallel_loop3A_614 = arith.constant 32 : index
        %parallel_loop3A_615 = tpu.vector_load %arg6[%parallel_loop3A_613, %parallel_loop3A_614] {strides = array<i32>} : memref<416x64xf32, #tpu.memory_space<vmem>>, vector<1x16xf32>,
        %parallel_loop3A_616 = vector.shape_cast %parallel_loop3A_615 : vector<1x16xf32> to vector<16xf32>
        %parallel_loop3A_617 = arith.addf %parallel_loop3A_610, %parallel_loop3A_616 : vector<16xf32>
        %parallel_loop3A_618 = arith.constant 23 : i32
        %parallel_loop3A_619 = arith.addi %parallel_loop3A_91, %parallel_loop3A_618 : i32
        %parallel_loop3A_620 = arith.index_cast %parallel_loop3A_619 : i32 to index
        %parallel_loop3A_621 = arith.constant 32 : index
        %parallel_loop3A_622 = tpu.vector_load %arg6[%parallel_loop3A_620, %parallel_loop3A_621] {strides = array<i32>} : memref<416x64xf32, #tpu.memory_space<vmem>>, vector<1x16xf32>,
        %parallel_loop3A_623 = vector.shape_cast %parallel_loop3A_622 : vector<1x16xf32> to vector<16xf32>
        %parallel_loop3A_624 = arith.addf %parallel_loop3A_617, %parallel_loop3A_623 : vector<16xf32>
        %parallel_loop3A_625 = arith.constant 24 : i32
        %parallel_loop3A_626 = arith.addi %parallel_loop3A_91, %parallel_loop3A_625 : i32
        %parallel_loop3A_627 = arith.index_cast %parallel_loop3A_626 : i32 to index
        %parallel_loop3A_628 = arith.constant 32 : index
        %parallel_loop3A_629 = tpu.vector_load %arg6[%parallel_loop3A_627, %parallel_loop3A_628] {strides = array<i32>} : memref<416x64xf32, #tpu.memory_space<vmem>>, vector<1x16xf32>,
        %parallel_loop3A_630 = vector.shape_cast %parallel_loop3A_629 : vector<1x16xf32> to vector<16xf32>
        %parallel_loop3A_631 = arith.addf %parallel_loop3A_624, %parallel_loop3A_630 : vector<16xf32>
        %parallel_loop3A_632 = arith.constant 25 : i32
        %parallel_loop3A_633 = arith.addi %parallel_loop3A_91, %parallel_loop3A_632 : i32
        %parallel_loop3A_634 = arith.index_cast %parallel_loop3A_633 : i32 to index
        %parallel_loop3A_635 = arith.constant 32 : index
        %parallel_loop3A_636 = tpu.vector_load %arg6[%parallel_loop3A_634, %parallel_loop3A_635] {strides = array<i32>} : memref<416x64xf32, #tpu.memory_space<vmem>>, vector<1x16xf32>,
        %parallel_loop3A_637 = vector.shape_cast %parallel_loop3A_636 : vector<1x16xf32> to vector<16xf32>
        %parallel_loop3A_638 = arith.addf %parallel_loop3A_631, %parallel_loop3A_637 : vector<16xf32>
        %parallel_loop3A_639 = arith.index_cast %parallel_loop3A_89 : i32 to index
        %parallel_loop3A_640 = arith.constant 32 : index
        %parallel_loop3A_641 = tpu.vector_load %arg8[%parallel_loop3A_639, %parallel_loop3A_640] {strides = array<i32>} : memref<16x64xf32, #tpu.memory_space<vmem>>, vector<1x16xf32>,
        %parallel_loop3A_642 = vector.shape_cast %parallel_loop3A_641 : vector<1x16xf32> to vector<16xf32>
        %parallel_loop3A_643 = vector.shape_cast %parallel_loop3A_638 : vector<16xf32> to vector<1x16xf32>
        tpu.vector_store %arg8[%parallel_loop3A_639, %parallel_loop3A_640], %parallel_loop3A_643 {strides = array<i32>} : memref<16x64xf32, #tpu.memory_space<vmem>>, vector<1x16xf32>,
        %parallel_loop3A_644 = arith.index_cast %parallel_loop3A_91 : i32 to index
        %parallel_loop3A_645 = arith.constant 48 : index
        %parallel_loop3A_646 = tpu.vector_load %arg6[%parallel_loop3A_644, %parallel_loop3A_645] {strides = array<i32>} : memref<416x64xf32, #tpu.memory_space<vmem>>, vector<1x16xf32>,
        %parallel_loop3A_647 = vector.shape_cast %parallel_loop3A_646 : vector<1x16xf32> to vector<16xf32>
        %parallel_loop3A_648 = arith.constant 1 : i32
        %parallel_loop3A_649 = arith.addi %parallel_loop3A_91, %parallel_loop3A_648 : i32
        %parallel_loop3A_650 = arith.index_cast %parallel_loop3A_649 : i32 to index
        %parallel_loop3A_651 = arith.constant 48 : index
        %parallel_loop3A_652 = tpu.vector_load %arg6[%parallel_loop3A_650, %parallel_loop3A_651] {strides = array<i32>} : memref<416x64xf32, #tpu.memory_space<vmem>>, vector<1x16xf32>,
        %parallel_loop3A_653 = vector.shape_cast %parallel_loop3A_652 : vector<1x16xf32> to vector<16xf32>
        %parallel_loop3A_654 = arith.addf %parallel_loop3A_647, %parallel_loop3A_653 : vector<16xf32>
        %parallel_loop3A_655 = arith.constant 2 : i32
        %parallel_loop3A_656 = arith.addi %parallel_loop3A_91, %parallel_loop3A_655 : i32
        %parallel_loop3A_657 = arith.index_cast %parallel_loop3A_656 : i32 to index
        %parallel_loop3A_658 = arith.constant 48 : index
        %parallel_loop3A_659 = tpu.vector_load %arg6[%parallel_loop3A_657, %parallel_loop3A_658] {strides = array<i32>} : memref<416x64xf32, #tpu.memory_space<vmem>>, vector<1x16xf32>,
        %parallel_loop3A_660 = vector.shape_cast %parallel_loop3A_659 : vector<1x16xf32> to vector<16xf32>
        %parallel_loop3A_661 = arith.addf %parallel_loop3A_654, %parallel_loop3A_660 : vector<16xf32>
        %parallel_loop3A_662 = arith.constant 3 : i32
        %parallel_loop3A_663 = arith.addi %parallel_loop3A_91, %parallel_loop3A_662 : i32
        %parallel_loop3A_664 = arith.index_cast %parallel_loop3A_663 : i32 to index
        %parallel_loop3A_665 = arith.constant 48 : index
        %parallel_loop3A_666 = tpu.vector_load %arg6[%parallel_loop3A_664, %parallel_loop3A_665] {strides = array<i32>} : memref<416x64xf32, #tpu.memory_space<vmem>>, vector<1x16xf32>,
        %parallel_loop3A_667 = vector.shape_cast %parallel_loop3A_666 : vector<1x16xf32> to vector<16xf32>
        %parallel_loop3A_668 = arith.addf %parallel_loop3A_661, %parallel_loop3A_667 : vector<16xf32>
        %parallel_loop3A_669 = arith.constant 4 : i32
        %parallel_loop3A_670 = arith.addi %parallel_loop3A_91, %parallel_loop3A_669 : i32
        %parallel_loop3A_671 = arith.index_cast %parallel_loop3A_670 : i32 to index
        %parallel_loop3A_672 = arith.constant 48 : index
        %parallel_loop3A_673 = tpu.vector_load %arg6[%parallel_loop3A_671, %parallel_loop3A_672] {strides = array<i32>} : memref<416x64xf32, #tpu.memory_space<vmem>>, vector<1x16xf32>,
        %parallel_loop3A_674 = vector.shape_cast %parallel_loop3A_673 : vector<1x16xf32> to vector<16xf32>
        %parallel_loop3A_675 = arith.addf %parallel_loop3A_668, %parallel_loop3A_674 : vector<16xf32>
        %parallel_loop3A_676 = arith.constant 5 : i32
        %parallel_loop3A_677 = arith.addi %parallel_loop3A_91, %parallel_loop3A_676 : i32
        %parallel_loop3A_678 = arith.index_cast %parallel_loop3A_677 : i32 to index
        %parallel_loop3A_679 = arith.constant 48 : index
        %parallel_loop3A_680 = tpu.vector_load %arg6[%parallel_loop3A_678, %parallel_loop3A_679] {strides = array<i32>} : memref<416x64xf32, #tpu.memory_space<vmem>>, vector<1x16xf32>,
        %parallel_loop3A_681 = vector.shape_cast %parallel_loop3A_680 : vector<1x16xf32> to vector<16xf32>
        %parallel_loop3A_682 = arith.addf %parallel_loop3A_675, %parallel_loop3A_681 : vector<16xf32>
        %parallel_loop3A_683 = arith.constant 6 : i32
        %parallel_loop3A_684 = arith.addi %parallel_loop3A_91, %parallel_loop3A_683 : i32
        %parallel_loop3A_685 = arith.index_cast %parallel_loop3A_684 : i32 to index
        %parallel_loop3A_686 = arith.constant 48 : index
        %parallel_loop3A_687 = tpu.vector_load %arg6[%parallel_loop3A_685, %parallel_loop3A_686] {strides = array<i32>} : memref<416x64xf32, #tpu.memory_space<vmem>>, vector<1x16xf32>,
        %parallel_loop3A_688 = vector.shape_cast %parallel_loop3A_687 : vector<1x16xf32> to vector<16xf32>
        %parallel_loop3A_689 = arith.addf %parallel_loop3A_682, %parallel_loop3A_688 : vector<16xf32>
        %parallel_loop3A_690 = arith.constant 7 : i32
        %parallel_loop3A_691 = arith.addi %parallel_loop3A_91, %parallel_loop3A_690 : i32
        %parallel_loop3A_692 = arith.index_cast %parallel_loop3A_691 : i32 to index
        %parallel_loop3A_693 = arith.constant 48 : index
        %parallel_loop3A_694 = tpu.vector_load %arg6[%parallel_loop3A_692, %parallel_loop3A_693] {strides = array<i32>} : memref<416x64xf32, #tpu.memory_space<vmem>>, vector<1x16xf32>,
        %parallel_loop3A_695 = vector.shape_cast %parallel_loop3A_694 : vector<1x16xf32> to vector<16xf32>
        %parallel_loop3A_696 = arith.addf %parallel_loop3A_689, %parallel_loop3A_695 : vector<16xf32>
        %parallel_loop3A_697 = arith.constant 8 : i32
        %parallel_loop3A_698 = arith.addi %parallel_loop3A_91, %parallel_loop3A_697 : i32
        %parallel_loop3A_699 = arith.index_cast %parallel_loop3A_698 : i32 to index
        %parallel_loop3A_700 = arith.constant 48 : index
        %parallel_loop3A_701 = tpu.vector_load %arg6[%parallel_loop3A_699, %parallel_loop3A_700] {strides = array<i32>} : memref<416x64xf32, #tpu.memory_space<vmem>>, vector<1x16xf32>,
        %parallel_loop3A_702 = vector.shape_cast %parallel_loop3A_701 : vector<1x16xf32> to vector<16xf32>
        %parallel_loop3A_703 = arith.addf %parallel_loop3A_696, %parallel_loop3A_702 : vector<16xf32>
        %parallel_loop3A_704 = arith.constant 9 : i32
        %parallel_loop3A_705 = arith.addi %parallel_loop3A_91, %parallel_loop3A_704 : i32
        %parallel_loop3A_706 = arith.index_cast %parallel_loop3A_705 : i32 to index
        %parallel_loop3A_707 = arith.constant 48 : index
        %parallel_loop3A_708 = tpu.vector_load %arg6[%parallel_loop3A_706, %parallel_loop3A_707] {strides = array<i32>} : memref<416x64xf32, #tpu.memory_space<vmem>>, vector<1x16xf32>,
        %parallel_loop3A_709 = vector.shape_cast %parallel_loop3A_708 : vector<1x16xf32> to vector<16xf32>
        %parallel_loop3A_710 = arith.addf %parallel_loop3A_703, %parallel_loop3A_709 : vector<16xf32>
        %parallel_loop3A_711 = arith.constant 10 : i32
        %parallel_loop3A_712 = arith.addi %parallel_loop3A_91, %parallel_loop3A_711 : i32
        %parallel_loop3A_713 = arith.index_cast %parallel_loop3A_712 : i32 to index
        %parallel_loop3A_714 = arith.constant 48 : index
        %parallel_loop3A_715 = tpu.vector_load %arg6[%parallel_loop3A_713, %parallel_loop3A_714] {strides = array<i32>} : memref<416x64xf32, #tpu.memory_space<vmem>>, vector<1x16xf32>,
        %parallel_loop3A_716 = vector.shape_cast %parallel_loop3A_715 : vector<1x16xf32> to vector<16xf32>
        %parallel_loop3A_717 = arith.addf %parallel_loop3A_710, %parallel_loop3A_716 : vector<16xf32>
        %parallel_loop3A_718 = arith.constant 11 : i32
        %parallel_loop3A_719 = arith.addi %parallel_loop3A_91, %parallel_loop3A_718 : i32
        %parallel_loop3A_720 = arith.index_cast %parallel_loop3A_719 : i32 to index
        %parallel_loop3A_721 = arith.constant 48 : index
        %parallel_loop3A_722 = tpu.vector_load %arg6[%parallel_loop3A_720, %parallel_loop3A_721] {strides = array<i32>} : memref<416x64xf32, #tpu.memory_space<vmem>>, vector<1x16xf32>,
        %parallel_loop3A_723 = vector.shape_cast %parallel_loop3A_722 : vector<1x16xf32> to vector<16xf32>
        %parallel_loop3A_724 = arith.addf %parallel_loop3A_717, %parallel_loop3A_723 : vector<16xf32>
        %parallel_loop3A_725 = arith.constant 12 : i32
        %parallel_loop3A_726 = arith.addi %parallel_loop3A_91, %parallel_loop3A_725 : i32
        %parallel_loop3A_727 = arith.index_cast %parallel_loop3A_726 : i32 to index
        %parallel_loop3A_728 = arith.constant 48 : index
        %parallel_loop3A_729 = tpu.vector_load %arg6[%parallel_loop3A_727, %parallel_loop3A_728] {strides = array<i32>} : memref<416x64xf32, #tpu.memory_space<vmem>>, vector<1x16xf32>,
        %parallel_loop3A_730 = vector.shape_cast %parallel_loop3A_729 : vector<1x16xf32> to vector<16xf32>
        %parallel_loop3A_731 = arith.addf %parallel_loop3A_724, %parallel_loop3A_730 : vector<16xf32>
        %parallel_loop3A_732 = arith.constant 13 : i32
        %parallel_loop3A_733 = arith.addi %parallel_loop3A_91, %parallel_loop3A_732 : i32
        %parallel_loop3A_734 = arith.index_cast %parallel_loop3A_733 : i32 to index
        %parallel_loop3A_735 = arith.constant 48 : index
        %parallel_loop3A_736 = tpu.vector_load %arg6[%parallel_loop3A_734, %parallel_loop3A_735] {strides = array<i32>} : memref<416x64xf32, #tpu.memory_space<vmem>>, vector<1x16xf32>,
        %parallel_loop3A_737 = vector.shape_cast %parallel_loop3A_736 : vector<1x16xf32> to vector<16xf32>
        %parallel_loop3A_738 = arith.addf %parallel_loop3A_731, %parallel_loop3A_737 : vector<16xf32>
        %parallel_loop3A_739 = arith.constant 14 : i32
        %parallel_loop3A_740 = arith.addi %parallel_loop3A_91, %parallel_loop3A_739 : i32
        %parallel_loop3A_741 = arith.index_cast %parallel_loop3A_740 : i32 to index
        %parallel_loop3A_742 = arith.constant 48 : index
        %parallel_loop3A_743 = tpu.vector_load %arg6[%parallel_loop3A_741, %parallel_loop3A_742] {strides = array<i32>} : memref<416x64xf32, #tpu.memory_space<vmem>>, vector<1x16xf32>,
        %parallel_loop3A_744 = vector.shape_cast %parallel_loop3A_743 : vector<1x16xf32> to vector<16xf32>
        %parallel_loop3A_745 = arith.addf %parallel_loop3A_738, %parallel_loop3A_744 : vector<16xf32>
        %parallel_loop3A_746 = arith.constant 15 : i32
        %parallel_loop3A_747 = arith.addi %parallel_loop3A_91, %parallel_loop3A_746 : i32
        %parallel_loop3A_748 = arith.index_cast %parallel_loop3A_747 : i32 to index
        %parallel_loop3A_749 = arith.constant 48 : index
        %parallel_loop3A_750 = tpu.vector_load %arg6[%parallel_loop3A_748, %parallel_loop3A_749] {strides = array<i32>} : memref<416x64xf32, #tpu.memory_space<vmem>>, vector<1x16xf32>,
        %parallel_loop3A_751 = vector.shape_cast %parallel_loop3A_750 : vector<1x16xf32> to vector<16xf32>
        %parallel_loop3A_752 = arith.addf %parallel_loop3A_745, %parallel_loop3A_751 : vector<16xf32>
        %parallel_loop3A_753 = arith.constant 16 : i32
        %parallel_loop3A_754 = arith.addi %parallel_loop3A_91, %parallel_loop3A_753 : i32
        %parallel_loop3A_755 = arith.index_cast %parallel_loop3A_754 : i32 to index
        %parallel_loop3A_756 = arith.constant 48 : index
        %parallel_loop3A_757 = tpu.vector_load %arg6[%parallel_loop3A_755, %parallel_loop3A_756] {strides = array<i32>} : memref<416x64xf32, #tpu.memory_space<vmem>>, vector<1x16xf32>,
        %parallel_loop3A_758 = vector.shape_cast %parallel_loop3A_757 : vector<1x16xf32> to vector<16xf32>
        %parallel_loop3A_759 = arith.addf %parallel_loop3A_752, %parallel_loop3A_758 : vector<16xf32>
        %parallel_loop3A_760 = arith.constant 17 : i32
        %parallel_loop3A_761 = arith.addi %parallel_loop3A_91, %parallel_loop3A_760 : i32
        %parallel_loop3A_762 = arith.index_cast %parallel_loop3A_761 : i32 to index
        %parallel_loop3A_763 = arith.constant 48 : index
        %parallel_loop3A_764 = tpu.vector_load %arg6[%parallel_loop3A_762, %parallel_loop3A_763] {strides = array<i32>} : memref<416x64xf32, #tpu.memory_space<vmem>>, vector<1x16xf32>,
        %parallel_loop3A_765 = vector.shape_cast %parallel_loop3A_764 : vector<1x16xf32> to vector<16xf32>
        %parallel_loop3A_766 = arith.addf %parallel_loop3A_759, %parallel_loop3A_765 : vector<16xf32>
        %parallel_loop3A_767 = arith.constant 18 : i32
        %parallel_loop3A_768 = arith.addi %parallel_loop3A_91, %parallel_loop3A_767 : i32
        %parallel_loop3A_769 = arith.index_cast %parallel_loop3A_768 : i32 to index
        %parallel_loop3A_770 = arith.constant 48 : index
        %parallel_loop3A_771 = tpu.vector_load %arg6[%parallel_loop3A_769, %parallel_loop3A_770] {strides = array<i32>} : memref<416x64xf32, #tpu.memory_space<vmem>>, vector<1x16xf32>,
        %parallel_loop3A_772 = vector.shape_cast %parallel_loop3A_771 : vector<1x16xf32> to vector<16xf32>
        %parallel_loop3A_773 = arith.addf %parallel_loop3A_766, %parallel_loop3A_772 : vector<16xf32>
        %parallel_loop3A_774 = arith.constant 19 : i32
        %parallel_loop3A_775 = arith.addi %parallel_loop3A_91, %parallel_loop3A_774 : i32
        %parallel_loop3A_776 = arith.index_cast %parallel_loop3A_775 : i32 to index
        %parallel_loop3A_777 = arith.constant 48 : index
        %parallel_loop3A_778 = tpu.vector_load %arg6[%parallel_loop3A_776, %parallel_loop3A_777] {strides = array<i32>} : memref<416x64xf32, #tpu.memory_space<vmem>>, vector<1x16xf32>,
        %parallel_loop3A_779 = vector.shape_cast %parallel_loop3A_778 : vector<1x16xf32> to vector<16xf32>
        %parallel_loop3A_780 = arith.addf %parallel_loop3A_773, %parallel_loop3A_779 : vector<16xf32>
        %parallel_loop3A_781 = arith.constant 20 : i32
        %parallel_loop3A_782 = arith.addi %parallel_loop3A_91, %parallel_loop3A_781 : i32
        %parallel_loop3A_783 = arith.index_cast %parallel_loop3A_782 : i32 to index
        %parallel_loop3A_784 = arith.constant 48 : index
        %parallel_loop3A_785 = tpu.vector_load %arg6[%parallel_loop3A_783, %parallel_loop3A_784] {strides = array<i32>} : memref<416x64xf32, #tpu.memory_space<vmem>>, vector<1x16xf32>,
        %parallel_loop3A_786 = vector.shape_cast %parallel_loop3A_785 : vector<1x16xf32> to vector<16xf32>
        %parallel_loop3A_787 = arith.addf %parallel_loop3A_780, %parallel_loop3A_786 : vector<16xf32>
        %parallel_loop3A_788 = arith.constant 21 : i32
        %parallel_loop3A_789 = arith.addi %parallel_loop3A_91, %parallel_loop3A_788 : i32
        %parallel_loop3A_790 = arith.index_cast %parallel_loop3A_789 : i32 to index
        %parallel_loop3A_791 = arith.constant 48 : index
        %parallel_loop3A_792 = tpu.vector_load %arg6[%parallel_loop3A_790, %parallel_loop3A_791] {strides = array<i32>} : memref<416x64xf32, #tpu.memory_space<vmem>>, vector<1x16xf32>,
        %parallel_loop3A_793 = vector.shape_cast %parallel_loop3A_792 : vector<1x16xf32> to vector<16xf32>
        %parallel_loop3A_794 = arith.addf %parallel_loop3A_787, %parallel_loop3A_793 : vector<16xf32>
        %parallel_loop3A_795 = arith.constant 22 : i32
        %parallel_loop3A_796 = arith.addi %parallel_loop3A_91, %parallel_loop3A_795 : i32
        %parallel_loop3A_797 = arith.index_cast %parallel_loop3A_796 : i32 to index
        %parallel_loop3A_798 = arith.constant 48 : index
        %parallel_loop3A_799 = tpu.vector_load %arg6[%parallel_loop3A_797, %parallel_loop3A_798] {strides = array<i32>} : memref<416x64xf32, #tpu.memory_space<vmem>>, vector<1x16xf32>,
        %parallel_loop3A_800 = vector.shape_cast %parallel_loop3A_799 : vector<1x16xf32> to vector<16xf32>
        %parallel_loop3A_801 = arith.addf %parallel_loop3A_794, %parallel_loop3A_800 : vector<16xf32>
        %parallel_loop3A_802 = arith.constant 23 : i32
        %parallel_loop3A_803 = arith.addi %parallel_loop3A_91, %parallel_loop3A_802 : i32
        %parallel_loop3A_804 = arith.index_cast %parallel_loop3A_803 : i32 to index
        %parallel_loop3A_805 = arith.constant 48 : index
        %parallel_loop3A_806 = tpu.vector_load %arg6[%parallel_loop3A_804, %parallel_loop3A_805] {strides = array<i32>} : memref<416x64xf32, #tpu.memory_space<vmem>>, vector<1x16xf32>,
        %parallel_loop3A_807 = vector.shape_cast %parallel_loop3A_806 : vector<1x16xf32> to vector<16xf32>
        %parallel_loop3A_808 = arith.addf %parallel_loop3A_801, %parallel_loop3A_807 : vector<16xf32>
        %parallel_loop3A_809 = arith.constant 24 : i32
        %parallel_loop3A_810 = arith.addi %parallel_loop3A_91, %parallel_loop3A_809 : i32
        %parallel_loop3A_811 = arith.index_cast %parallel_loop3A_810 : i32 to index
        %parallel_loop3A_812 = arith.constant 48 : index
        %parallel_loop3A_813 = tpu.vector_load %arg6[%parallel_loop3A_811, %parallel_loop3A_812] {strides = array<i32>} : memref<416x64xf32, #tpu.memory_space<vmem>>, vector<1x16xf32>,
        %parallel_loop3A_814 = vector.shape_cast %parallel_loop3A_813 : vector<1x16xf32> to vector<16xf32>
        %parallel_loop3A_815 = arith.addf %parallel_loop3A_808, %parallel_loop3A_814 : vector<16xf32>
        %parallel_loop3A_816 = arith.constant 25 : i32
        %parallel_loop3A_817 = arith.addi %parallel_loop3A_91, %parallel_loop3A_816 : i32
        %parallel_loop3A_818 = arith.index_cast %parallel_loop3A_817 : i32 to index
        %parallel_loop3A_819 = arith.constant 48 : index
        %parallel_loop3A_820 = tpu.vector_load %arg6[%parallel_loop3A_818, %parallel_loop3A_819] {strides = array<i32>} : memref<416x64xf32, #tpu.memory_space<vmem>>, vector<1x16xf32>,
        %parallel_loop3A_821 = vector.shape_cast %parallel_loop3A_820 : vector<1x16xf32> to vector<16xf32>
        %parallel_loop3A_822 = arith.addf %parallel_loop3A_815, %parallel_loop3A_821 : vector<16xf32>
        %parallel_loop3A_823 = arith.index_cast %parallel_loop3A_89 : i32 to index
        %parallel_loop3A_824 = arith.constant 48 : index
        %parallel_loop3A_825 = tpu.vector_load %arg8[%parallel_loop3A_823, %parallel_loop3A_824] {strides = array<i32>} : memref<16x64xf32, #tpu.memory_space<vmem>>, vector<1x16xf32>,
        %parallel_loop3A_826 = vector.shape_cast %parallel_loop3A_825 : vector<1x16xf32> to vector<16xf32>
        %parallel_loop3A_827 = vector.shape_cast %parallel_loop3A_822 : vector<16xf32> to vector<1x16xf32>
        tpu.vector_store %arg8[%parallel_loop3A_823, %parallel_loop3A_824], %parallel_loop3A_827 {strides = array<i32>} : memref<16x64xf32, #tpu.memory_space<vmem>>, vector<1x16xf32>,
      } {sc.loop_unroll_factor = 1 : i64, sc.parallel_access}
      %add3A_47 = arith.constant 2 : i32
      %add3A_48 = arith.addi %add3A_33, %add3A_47 : i32
      %lt3A = arith.constant 100 : i32
      %lt3A_49 = arith.cmpi slt, %add3A_48, %lt3A : i32
      %convert_element_type3A_50 = arith.extui %lt3A_49 : i1 to i32
      %cond3A_51 = arith.constant 0 : i32
      %cond3A_52 = arith.cmpi ne, %convert_element_type3A_50, %cond3A_51 : i32
      scf.if %cond3A_52 {
        %add3A_89 = arith.constant 2 : i32
        %add3A_90 = arith.addi %add3A_33, %add3A_89 : i32
        %mul3A_91 = arith.constant 416 : i32
        %mul3A_92 = arith.muli %add3A_90, %mul3A_91 : i32
        %dma_start3A_93 = tpu.memref_slice %arg5[%mul3A_92] : memref<41600xi32, #tpu.memory_space<vmem>> -> memref<416xi32, #tpu.memory_space<vmem>>
        %dma_start3A_94 = arith.constant 0 : i32
        %dma_start3A_95 = arith.constant 0 : i32
        %dma_start3A_96 = tpu.memref_slice %arg2[%dma_start3A_94, %dma_start3A_95] : memref<1000000x64xf32, #tpu.memory_space<hbm>> -> memref<1000000x64xf32, #tpu.memory_space<hbm>>
        tpu.enqueue_indirect_dma source(%dma_start3A_96 : memref<1000000x64xf32, #tpu.memory_space<hbm>>) target(%arg6 : memref<416x64xf32, #tpu.memory_space<vmem>>) offsets(%dma_start3A_93 : memref<416xi32, #tpu.memory_space<vmem>>) semaphore(%arg10 : memref<!tpu.dma_semaphore, #tpu.memory_space<semaphore_mem>>)
      } else {
      }
      %dma_start3A_53 = arith.constant 0 : i32
      %dma_start3A_54 = tpu.memref_slice %arg4[%add3A_36, %dma_start3A_53] : memref<51200x64xf32, #tpu.memory_space<hbm>> -> memref<16x64xf32, #tpu.memory_space<hbm>>
      %dma_start3A_55 = arith.constant 0 : i32
      %dma_start3A_56 = tpu.memref_slice %arg4[%add3A_36, %dma_start3A_55] : memref<51200x64xf32, #tpu.memory_space<hbm>> -> memref<16x64xf32, #tpu.memory_space<hbm>>
      tpu.enqueue_dma source(%arg8 : memref<16x64xf32, #tpu.memory_space<vmem>>) target(%dma_start3A_56 : memref<16x64xf32, #tpu.memory_space<hbm>>) target_semaphore(%arg12 : memref<!tpu.dma_semaphore, #tpu.memory_space<semaphore_mem>>)
      %mul3A_57 = arith.constant 2 : i32
      %mul3A_58 = arith.muli %add3A_29, %mul3A_57 : i32
      %add3A_59 = arith.constant 1 : i32
      %add3A_60 = arith.addi %mul3A_58, %add3A_59 : i32
      %mul3A_61 = arith.constant 16 : i32
      %mul3A_62 = arith.muli %add3A_60, %mul3A_61 : i32
      %add3A_63 = arith.addi %mul3A_2, %mul3A_62 : i32
      %ge3A_64 = arith.constant 2 : i32
      %ge3A_65 = arith.cmpi sge, %add3A_60, %ge3A_64 : i32
      %convert_element_type3A_66 = arith.extui %ge3A_65 : i1 to i32
      %cond3A_67 = arith.constant 0 : i32
      %cond3A_68 = arith.cmpi ne, %convert_element_type3A_66, %cond3A_67 : i32
      scf.if %cond3A_68 {
        %dma_wait3A_89 = arith.constant 0 : i32
        %dma_wait3A_90 = tpu.memref_slice %arg4[%add3A_63, %dma_wait3A_89] : memref<51200x64xf32, #tpu.memory_space<hbm>> -> memref<16x64xf32, #tpu.memory_space<hbm>>
        %dma_wait3A_91 = arith.constant 0 : i32
        %dma_wait3A_92 = tpu.memref_slice %arg4[%add3A_63, %dma_wait3A_91] : memref<51200x64xf32, #tpu.memory_space<hbm>> -> memref<16x64xf32, #tpu.memory_space<hbm>>
        tpu.wait_dma2 semaphore(%arg13 : memref<!tpu.dma_semaphore, #tpu.memory_space<semaphore_mem>>) src(%arg9 : memref<16x64xf32, #tpu.memory_space<vmem>>) dst(%dma_wait3A_92 : memref<16x64xf32, #tpu.memory_space<hbm>>)
      } else {
      }
      %mul3A_69 = arith.constant 416 : i32
      %mul3A_70 = arith.muli %add3A_60, %mul3A_69 : i32
      %dma_wait3A_71 = tpu.memref_slice %arg5[%mul3A_70] : memref<41600xi32, #tpu.memory_space<vmem>> -> memref<416xi32, #tpu.memory_space<vmem>>
      %dma_wait3A_72 = arith.constant 0 : i32
      %dma_wait3A_73 = arith.constant 0 : i32
      %dma_wait3A_74 = tpu.memref_slice %arg2[%dma_wait3A_72, %dma_wait3A_73] : memref<1000000x64xf32, #tpu.memory_space<hbm>> -> memref<1000000x64xf32, #tpu.memory_space<hbm>>
      tpu.wait_indirect_dma semaphore(%arg11 : memref<!tpu.dma_semaphore, #tpu.memory_space<semaphore_mem>>) src(%dma_wait3A_74 : memref<1000000x64xf32, #tpu.memory_space<hbm>>) dst(%arg7 : memref<416x64xf32, #tpu.memory_space<vmem>>)
      %parallel_loop3A_75 = arith.constant 0 : i32
      %parallel_loop3A_76 = arith.constant 16 : i32
      %parallel_loop3A_77 = arith.constant 1 : i32
      scf.for %parallel_loop3A_89 = %parallel_loop3A_75 to %parallel_loop3A_76 step %parallel_loop3A_77  : i32 {
        %parallel_loop3A_90 = arith.constant 26 : i32
        %parallel_loop3A_91 = arith.muli %parallel_loop3A_89, %parallel_loop3A_90 : i32
        %parallel_loop3A_92 = arith.index_cast %parallel_loop3A_91 : i32 to index
        %parallel_loop3A_93 = arith.constant 0 : index
        %parallel_loop3A_94 = tpu.vector_load %arg7[%parallel_loop3A_92, %parallel_loop3A_93] {strides = array<i32>} : memref<416x64xf32, #tpu.memory_space<vmem>>, vector<1x16xf32>,
        %parallel_loop3A_95 = vector.shape_cast %parallel_loop3A_94 : vector<1x16xf32> to vector<16xf32>
        %parallel_loop3A_96 = arith.constant 1 : i32
        %parallel_loop3A_97 = arith.addi %parallel_loop3A_91, %parallel_loop3A_96 : i32
        %parallel_loop3A_98 = arith.index_cast %parallel_loop3A_97 : i32 to index
        %parallel_loop3A_99 = arith.constant 0 : index
        %parallel_loop3A_100 = tpu.vector_load %arg7[%parallel_loop3A_98, %parallel_loop3A_99] {strides = array<i32>} : memref<416x64xf32, #tpu.memory_space<vmem>>, vector<1x16xf32>,
        %parallel_loop3A_101 = vector.shape_cast %parallel_loop3A_100 : vector<1x16xf32> to vector<16xf32>
        %parallel_loop3A_102 = arith.addf %parallel_loop3A_95, %parallel_loop3A_101 : vector<16xf32>
        %parallel_loop3A_103 = arith.constant 2 : i32
        %parallel_loop3A_104 = arith.addi %parallel_loop3A_91, %parallel_loop3A_103 : i32
        %parallel_loop3A_105 = arith.index_cast %parallel_loop3A_104 : i32 to index
        %parallel_loop3A_106 = arith.constant 0 : index
        %parallel_loop3A_107 = tpu.vector_load %arg7[%parallel_loop3A_105, %parallel_loop3A_106] {strides = array<i32>} : memref<416x64xf32, #tpu.memory_space<vmem>>, vector<1x16xf32>,
        %parallel_loop3A_108 = vector.shape_cast %parallel_loop3A_107 : vector<1x16xf32> to vector<16xf32>
        %parallel_loop3A_109 = arith.addf %parallel_loop3A_102, %parallel_loop3A_108 : vector<16xf32>
        %parallel_loop3A_110 = arith.constant 3 : i32
        %parallel_loop3A_111 = arith.addi %parallel_loop3A_91, %parallel_loop3A_110 : i32
        %parallel_loop3A_112 = arith.index_cast %parallel_loop3A_111 : i32 to index
        %parallel_loop3A_113 = arith.constant 0 : index
        %parallel_loop3A_114 = tpu.vector_load %arg7[%parallel_loop3A_112, %parallel_loop3A_113] {strides = array<i32>} : memref<416x64xf32, #tpu.memory_space<vmem>>, vector<1x16xf32>,
        %parallel_loop3A_115 = vector.shape_cast %parallel_loop3A_114 : vector<1x16xf32> to vector<16xf32>
        %parallel_loop3A_116 = arith.addf %parallel_loop3A_109, %parallel_loop3A_115 : vector<16xf32>
        %parallel_loop3A_117 = arith.constant 4 : i32
        %parallel_loop3A_118 = arith.addi %parallel_loop3A_91, %parallel_loop3A_117 : i32
        %parallel_loop3A_119 = arith.index_cast %parallel_loop3A_118 : i32 to index
        %parallel_loop3A_120 = arith.constant 0 : index
        %parallel_loop3A_121 = tpu.vector_load %arg7[%parallel_loop3A_119, %parallel_loop3A_120] {strides = array<i32>} : memref<416x64xf32, #tpu.memory_space<vmem>>, vector<1x16xf32>,
        %parallel_loop3A_122 = vector.shape_cast %parallel_loop3A_121 : vector<1x16xf32> to vector<16xf32>
        %parallel_loop3A_123 = arith.addf %parallel_loop3A_116, %parallel_loop3A_122 : vector<16xf32>
        %parallel_loop3A_124 = arith.constant 5 : i32
        %parallel_loop3A_125 = arith.addi %parallel_loop3A_91, %parallel_loop3A_124 : i32
        %parallel_loop3A_126 = arith.index_cast %parallel_loop3A_125 : i32 to index
        %parallel_loop3A_127 = arith.constant 0 : index
        %parallel_loop3A_128 = tpu.vector_load %arg7[%parallel_loop3A_126, %parallel_loop3A_127] {strides = array<i32>} : memref<416x64xf32, #tpu.memory_space<vmem>>, vector<1x16xf32>,
        %parallel_loop3A_129 = vector.shape_cast %parallel_loop3A_128 : vector<1x16xf32> to vector<16xf32>
        %parallel_loop3A_130 = arith.addf %parallel_loop3A_123, %parallel_loop3A_129 : vector<16xf32>
        %parallel_loop3A_131 = arith.constant 6 : i32
        %parallel_loop3A_132 = arith.addi %parallel_loop3A_91, %parallel_loop3A_131 : i32
        %parallel_loop3A_133 = arith.index_cast %parallel_loop3A_132 : i32 to index
        %parallel_loop3A_134 = arith.constant 0 : index
        %parallel_loop3A_135 = tpu.vector_load %arg7[%parallel_loop3A_133, %parallel_loop3A_134] {strides = array<i32>} : memref<416x64xf32, #tpu.memory_space<vmem>>, vector<1x16xf32>,
        %parallel_loop3A_136 = vector.shape_cast %parallel_loop3A_135 : vector<1x16xf32> to vector<16xf32>
        %parallel_loop3A_137 = arith.addf %parallel_loop3A_130, %parallel_loop3A_136 : vector<16xf32>
        %parallel_loop3A_138 = arith.constant 7 : i32
        %parallel_loop3A_139 = arith.addi %parallel_loop3A_91, %parallel_loop3A_138 : i32
        %parallel_loop3A_140 = arith.index_cast %parallel_loop3A_139 : i32 to index
        %parallel_loop3A_141 = arith.constant 0 : index
        %parallel_loop3A_142 = tpu.vector_load %arg7[%parallel_loop3A_140, %parallel_loop3A_141] {strides = array<i32>} : memref<416x64xf32, #tpu.memory_space<vmem>>, vector<1x16xf32>,
        %parallel_loop3A_143 = vector.shape_cast %parallel_loop3A_142 : vector<1x16xf32> to vector<16xf32>
        %parallel_loop3A_144 = arith.addf %parallel_loop3A_137, %parallel_loop3A_143 : vector<16xf32>
        %parallel_loop3A_145 = arith.constant 8 : i32
        %parallel_loop3A_146 = arith.addi %parallel_loop3A_91, %parallel_loop3A_145 : i32
        %parallel_loop3A_147 = arith.index_cast %parallel_loop3A_146 : i32 to index
        %parallel_loop3A_148 = arith.constant 0 : index
        %parallel_loop3A_149 = tpu.vector_load %arg7[%parallel_loop3A_147, %parallel_loop3A_148] {strides = array<i32>} : memref<416x64xf32, #tpu.memory_space<vmem>>, vector<1x16xf32>,
        %parallel_loop3A_150 = vector.shape_cast %parallel_loop3A_149 : vector<1x16xf32> to vector<16xf32>
        %parallel_loop3A_151 = arith.addf %parallel_loop3A_144, %parallel_loop3A_150 : vector<16xf32>
        %parallel_loop3A_152 = arith.constant 9 : i32
        %parallel_loop3A_153 = arith.addi %parallel_loop3A_91, %parallel_loop3A_152 : i32
        %parallel_loop3A_154 = arith.index_cast %parallel_loop3A_153 : i32 to index
        %parallel_loop3A_155 = arith.constant 0 : index
        %parallel_loop3A_156 = tpu.vector_load %arg7[%parallel_loop3A_154, %parallel_loop3A_155] {strides = array<i32>} : memref<416x64xf32, #tpu.memory_space<vmem>>, vector<1x16xf32>,
        %parallel_loop3A_157 = vector.shape_cast %parallel_loop3A_156 : vector<1x16xf32> to vector<16xf32>
        %parallel_loop3A_158 = arith.addf %parallel_loop3A_151, %parallel_loop3A_157 : vector<16xf32>
        %parallel_loop3A_159 = arith.constant 10 : i32
        %parallel_loop3A_160 = arith.addi %parallel_loop3A_91, %parallel_loop3A_159 : i32
        %parallel_loop3A_161 = arith.index_cast %parallel_loop3A_160 : i32 to index
        %parallel_loop3A_162 = arith.constant 0 : index
        %parallel_loop3A_163 = tpu.vector_load %arg7[%parallel_loop3A_161, %parallel_loop3A_162] {strides = array<i32>} : memref<416x64xf32, #tpu.memory_space<vmem>>, vector<1x16xf32>,
        %parallel_loop3A_164 = vector.shape_cast %parallel_loop3A_163 : vector<1x16xf32> to vector<16xf32>
        %parallel_loop3A_165 = arith.addf %parallel_loop3A_158, %parallel_loop3A_164 : vector<16xf32>
        %parallel_loop3A_166 = arith.constant 11 : i32
        %parallel_loop3A_167 = arith.addi %parallel_loop3A_91, %parallel_loop3A_166 : i32
        %parallel_loop3A_168 = arith.index_cast %parallel_loop3A_167 : i32 to index
        %parallel_loop3A_169 = arith.constant 0 : index
        %parallel_loop3A_170 = tpu.vector_load %arg7[%parallel_loop3A_168, %parallel_loop3A_169] {strides = array<i32>} : memref<416x64xf32, #tpu.memory_space<vmem>>, vector<1x16xf32>,
        %parallel_loop3A_171 = vector.shape_cast %parallel_loop3A_170 : vector<1x16xf32> to vector<16xf32>
        %parallel_loop3A_172 = arith.addf %parallel_loop3A_165, %parallel_loop3A_171 : vector<16xf32>
        %parallel_loop3A_173 = arith.constant 12 : i32
        %parallel_loop3A_174 = arith.addi %parallel_loop3A_91, %parallel_loop3A_173 : i32
        %parallel_loop3A_175 = arith.index_cast %parallel_loop3A_174 : i32 to index
        %parallel_loop3A_176 = arith.constant 0 : index
        %parallel_loop3A_177 = tpu.vector_load %arg7[%parallel_loop3A_175, %parallel_loop3A_176] {strides = array<i32>} : memref<416x64xf32, #tpu.memory_space<vmem>>, vector<1x16xf32>,
        %parallel_loop3A_178 = vector.shape_cast %parallel_loop3A_177 : vector<1x16xf32> to vector<16xf32>
        %parallel_loop3A_179 = arith.addf %parallel_loop3A_172, %parallel_loop3A_178 : vector<16xf32>
        %parallel_loop3A_180 = arith.constant 13 : i32
        %parallel_loop3A_181 = arith.addi %parallel_loop3A_91, %parallel_loop3A_180 : i32
        %parallel_loop3A_182 = arith.index_cast %parallel_loop3A_181 : i32 to index
        %parallel_loop3A_183 = arith.constant 0 : index
        %parallel_loop3A_184 = tpu.vector_load %arg7[%parallel_loop3A_182, %parallel_loop3A_183] {strides = array<i32>} : memref<416x64xf32, #tpu.memory_space<vmem>>, vector<1x16xf32>,
        %parallel_loop3A_185 = vector.shape_cast %parallel_loop3A_184 : vector<1x16xf32> to vector<16xf32>
        %parallel_loop3A_186 = arith.addf %parallel_loop3A_179, %parallel_loop3A_185 : vector<16xf32>
        %parallel_loop3A_187 = arith.constant 14 : i32
        %parallel_loop3A_188 = arith.addi %parallel_loop3A_91, %parallel_loop3A_187 : i32
        %parallel_loop3A_189 = arith.index_cast %parallel_loop3A_188 : i32 to index
        %parallel_loop3A_190 = arith.constant 0 : index
        %parallel_loop3A_191 = tpu.vector_load %arg7[%parallel_loop3A_189, %parallel_loop3A_190] {strides = array<i32>} : memref<416x64xf32, #tpu.memory_space<vmem>>, vector<1x16xf32>,
        %parallel_loop3A_192 = vector.shape_cast %parallel_loop3A_191 : vector<1x16xf32> to vector<16xf32>
        %parallel_loop3A_193 = arith.addf %parallel_loop3A_186, %parallel_loop3A_192 : vector<16xf32>
        %parallel_loop3A_194 = arith.constant 15 : i32
        %parallel_loop3A_195 = arith.addi %parallel_loop3A_91, %parallel_loop3A_194 : i32
        %parallel_loop3A_196 = arith.index_cast %parallel_loop3A_195 : i32 to index
        %parallel_loop3A_197 = arith.constant 0 : index
        %parallel_loop3A_198 = tpu.vector_load %arg7[%parallel_loop3A_196, %parallel_loop3A_197] {strides = array<i32>} : memref<416x64xf32, #tpu.memory_space<vmem>>, vector<1x16xf32>,
        %parallel_loop3A_199 = vector.shape_cast %parallel_loop3A_198 : vector<1x16xf32> to vector<16xf32>
        %parallel_loop3A_200 = arith.addf %parallel_loop3A_193, %parallel_loop3A_199 : vector<16xf32>
        %parallel_loop3A_201 = arith.constant 16 : i32
        %parallel_loop3A_202 = arith.addi %parallel_loop3A_91, %parallel_loop3A_201 : i32
        %parallel_loop3A_203 = arith.index_cast %parallel_loop3A_202 : i32 to index
        %parallel_loop3A_204 = arith.constant 0 : index
        %parallel_loop3A_205 = tpu.vector_load %arg7[%parallel_loop3A_203, %parallel_loop3A_204] {strides = array<i32>} : memref<416x64xf32, #tpu.memory_space<vmem>>, vector<1x16xf32>,
        %parallel_loop3A_206 = vector.shape_cast %parallel_loop3A_205 : vector<1x16xf32> to vector<16xf32>
        %parallel_loop3A_207 = arith.addf %parallel_loop3A_200, %parallel_loop3A_206 : vector<16xf32>
        %parallel_loop3A_208 = arith.constant 17 : i32
        %parallel_loop3A_209 = arith.addi %parallel_loop3A_91, %parallel_loop3A_208 : i32
        %parallel_loop3A_210 = arith.index_cast %parallel_loop3A_209 : i32 to index
        %parallel_loop3A_211 = arith.constant 0 : index
        %parallel_loop3A_212 = tpu.vector_load %arg7[%parallel_loop3A_210, %parallel_loop3A_211] {strides = array<i32>} : memref<416x64xf32, #tpu.memory_space<vmem>>, vector<1x16xf32>,
        %parallel_loop3A_213 = vector.shape_cast %parallel_loop3A_212 : vector<1x16xf32> to vector<16xf32>
        %parallel_loop3A_214 = arith.addf %parallel_loop3A_207, %parallel_loop3A_213 : vector<16xf32>
        %parallel_loop3A_215 = arith.constant 18 : i32
        %parallel_loop3A_216 = arith.addi %parallel_loop3A_91, %parallel_loop3A_215 : i32
        %parallel_loop3A_217 = arith.index_cast %parallel_loop3A_216 : i32 to index
        %parallel_loop3A_218 = arith.constant 0 : index
        %parallel_loop3A_219 = tpu.vector_load %arg7[%parallel_loop3A_217, %parallel_loop3A_218] {strides = array<i32>} : memref<416x64xf32, #tpu.memory_space<vmem>>, vector<1x16xf32>,
        %parallel_loop3A_220 = vector.shape_cast %parallel_loop3A_219 : vector<1x16xf32> to vector<16xf32>
        %parallel_loop3A_221 = arith.addf %parallel_loop3A_214, %parallel_loop3A_220 : vector<16xf32>
        %parallel_loop3A_222 = arith.constant 19 : i32
        %parallel_loop3A_223 = arith.addi %parallel_loop3A_91, %parallel_loop3A_222 : i32
        %parallel_loop3A_224 = arith.index_cast %parallel_loop3A_223 : i32 to index
        %parallel_loop3A_225 = arith.constant 0 : index
        %parallel_loop3A_226 = tpu.vector_load %arg7[%parallel_loop3A_224, %parallel_loop3A_225] {strides = array<i32>} : memref<416x64xf32, #tpu.memory_space<vmem>>, vector<1x16xf32>,
        %parallel_loop3A_227 = vector.shape_cast %parallel_loop3A_226 : vector<1x16xf32> to vector<16xf32>
        %parallel_loop3A_228 = arith.addf %parallel_loop3A_221, %parallel_loop3A_227 : vector<16xf32>
        %parallel_loop3A_229 = arith.constant 20 : i32
        %parallel_loop3A_230 = arith.addi %parallel_loop3A_91, %parallel_loop3A_229 : i32
        %parallel_loop3A_231 = arith.index_cast %parallel_loop3A_230 : i32 to index
        %parallel_loop3A_232 = arith.constant 0 : index
        %parallel_loop3A_233 = tpu.vector_load %arg7[%parallel_loop3A_231, %parallel_loop3A_232] {strides = array<i32>} : memref<416x64xf32, #tpu.memory_space<vmem>>, vector<1x16xf32>,
        %parallel_loop3A_234 = vector.shape_cast %parallel_loop3A_233 : vector<1x16xf32> to vector<16xf32>
        %parallel_loop3A_235 = arith.addf %parallel_loop3A_228, %parallel_loop3A_234 : vector<16xf32>
        %parallel_loop3A_236 = arith.constant 21 : i32
        %parallel_loop3A_237 = arith.addi %parallel_loop3A_91, %parallel_loop3A_236 : i32
        %parallel_loop3A_238 = arith.index_cast %parallel_loop3A_237 : i32 to index
        %parallel_loop3A_239 = arith.constant 0 : index
        %parallel_loop3A_240 = tpu.vector_load %arg7[%parallel_loop3A_238, %parallel_loop3A_239] {strides = array<i32>} : memref<416x64xf32, #tpu.memory_space<vmem>>, vector<1x16xf32>,
        %parallel_loop3A_241 = vector.shape_cast %parallel_loop3A_240 : vector<1x16xf32> to vector<16xf32>
        %parallel_loop3A_242 = arith.addf %parallel_loop3A_235, %parallel_loop3A_241 : vector<16xf32>
        %parallel_loop3A_243 = arith.constant 22 : i32
        %parallel_loop3A_244 = arith.addi %parallel_loop3A_91, %parallel_loop3A_243 : i32
        %parallel_loop3A_245 = arith.index_cast %parallel_loop3A_244 : i32 to index
        %parallel_loop3A_246 = arith.constant 0 : index
        %parallel_loop3A_247 = tpu.vector_load %arg7[%parallel_loop3A_245, %parallel_loop3A_246] {strides = array<i32>} : memref<416x64xf32, #tpu.memory_space<vmem>>, vector<1x16xf32>,
        %parallel_loop3A_248 = vector.shape_cast %parallel_loop3A_247 : vector<1x16xf32> to vector<16xf32>
        %parallel_loop3A_249 = arith.addf %parallel_loop3A_242, %parallel_loop3A_248 : vector<16xf32>
        %parallel_loop3A_250 = arith.constant 23 : i32
        %parallel_loop3A_251 = arith.addi %parallel_loop3A_91, %parallel_loop3A_250 : i32
        %parallel_loop3A_252 = arith.index_cast %parallel_loop3A_251 : i32 to index
        %parallel_loop3A_253 = arith.constant 0 : index
        %parallel_loop3A_254 = tpu.vector_load %arg7[%parallel_loop3A_252, %parallel_loop3A_253] {strides = array<i32>} : memref<416x64xf32, #tpu.memory_space<vmem>>, vector<1x16xf32>,
        %parallel_loop3A_255 = vector.shape_cast %parallel_loop3A_254 : vector<1x16xf32> to vector<16xf32>
        %parallel_loop3A_256 = arith.addf %parallel_loop3A_249, %parallel_loop3A_255 : vector<16xf32>
        %parallel_loop3A_257 = arith.constant 24 : i32
        %parallel_loop3A_258 = arith.addi %parallel_loop3A_91, %parallel_loop3A_257 : i32
        %parallel_loop3A_259 = arith.index_cast %parallel_loop3A_258 : i32 to index
        %parallel_loop3A_260 = arith.constant 0 : index
        %parallel_loop3A_261 = tpu.vector_load %arg7[%parallel_loop3A_259, %parallel_loop3A_260] {strides = array<i32>} : memref<416x64xf32, #tpu.memory_space<vmem>>, vector<1x16xf32>,
        %parallel_loop3A_262 = vector.shape_cast %parallel_loop3A_261 : vector<1x16xf32> to vector<16xf32>
        %parallel_loop3A_263 = arith.addf %parallel_loop3A_256, %parallel_loop3A_262 : vector<16xf32>
        %parallel_loop3A_264 = arith.constant 25 : i32
        %parallel_loop3A_265 = arith.addi %parallel_loop3A_91, %parallel_loop3A_264 : i32
        %parallel_loop3A_266 = arith.index_cast %parallel_loop3A_265 : i32 to index
        %parallel_loop3A_267 = arith.constant 0 : index
        %parallel_loop3A_268 = tpu.vector_load %arg7[%parallel_loop3A_266, %parallel_loop3A_267] {strides = array<i32>} : memref<416x64xf32, #tpu.memory_space<vmem>>, vector<1x16xf32>,
        %parallel_loop3A_269 = vector.shape_cast %parallel_loop3A_268 : vector<1x16xf32> to vector<16xf32>
        %parallel_loop3A_270 = arith.addf %parallel_loop3A_263, %parallel_loop3A_269 : vector<16xf32>
        %parallel_loop3A_271 = arith.index_cast %parallel_loop3A_89 : i32 to index
        %parallel_loop3A_272 = arith.constant 0 : index
        %parallel_loop3A_273 = tpu.vector_load %arg9[%parallel_loop3A_271, %parallel_loop3A_272] {strides = array<i32>} : memref<16x64xf32, #tpu.memory_space<vmem>>, vector<1x16xf32>,
        %parallel_loop3A_274 = vector.shape_cast %parallel_loop3A_273 : vector<1x16xf32> to vector<16xf32>
        %parallel_loop3A_275 = vector.shape_cast %parallel_loop3A_270 : vector<16xf32> to vector<1x16xf32>
        tpu.vector_store %arg9[%parallel_loop3A_271, %parallel_loop3A_272], %parallel_loop3A_275 {strides = array<i32>} : memref<16x64xf32, #tpu.memory_space<vmem>>, vector<1x16xf32>,
        %parallel_loop3A_276 = arith.index_cast %parallel_loop3A_91 : i32 to index
        %parallel_loop3A_277 = arith.constant 16 : index
        %parallel_loop3A_278 = tpu.vector_load %arg7[%parallel_loop3A_276, %parallel_loop3A_277] {strides = array<i32>} : memref<416x64xf32, #tpu.memory_space<vmem>>, vector<1x16xf32>,
        %parallel_loop3A_279 = vector.shape_cast %parallel_loop3A_278 : vector<1x16xf32> to vector<16xf32>
        %parallel_loop3A_280 = arith.constant 1 : i32
        %parallel_loop3A_281 = arith.addi %parallel_loop3A_91, %parallel_loop3A_280 : i32
        %parallel_loop3A_282 = arith.index_cast %parallel_loop3A_281 : i32 to index
        %parallel_loop3A_283 = arith.constant 16 : index
        %parallel_loop3A_284 = tpu.vector_load %arg7[%parallel_loop3A_282, %parallel_loop3A_283] {strides = array<i32>} : memref<416x64xf32, #tpu.memory_space<vmem>>, vector<1x16xf32>,
        %parallel_loop3A_285 = vector.shape_cast %parallel_loop3A_284 : vector<1x16xf32> to vector<16xf32>
        %parallel_loop3A_286 = arith.addf %parallel_loop3A_279, %parallel_loop3A_285 : vector<16xf32>
        %parallel_loop3A_287 = arith.constant 2 : i32
        %parallel_loop3A_288 = arith.addi %parallel_loop3A_91, %parallel_loop3A_287 : i32
        %parallel_loop3A_289 = arith.index_cast %parallel_loop3A_288 : i32 to index
        %parallel_loop3A_290 = arith.constant 16 : index
        %parallel_loop3A_291 = tpu.vector_load %arg7[%parallel_loop3A_289, %parallel_loop3A_290] {strides = array<i32>} : memref<416x64xf32, #tpu.memory_space<vmem>>, vector<1x16xf32>,
        %parallel_loop3A_292 = vector.shape_cast %parallel_loop3A_291 : vector<1x16xf32> to vector<16xf32>
        %parallel_loop3A_293 = arith.addf %parallel_loop3A_286, %parallel_loop3A_292 : vector<16xf32>
        %parallel_loop3A_294 = arith.constant 3 : i32
        %parallel_loop3A_295 = arith.addi %parallel_loop3A_91, %parallel_loop3A_294 : i32
        %parallel_loop3A_296 = arith.index_cast %parallel_loop3A_295 : i32 to index
        %parallel_loop3A_297 = arith.constant 16 : index
        %parallel_loop3A_298 = tpu.vector_load %arg7[%parallel_loop3A_296, %parallel_loop3A_297] {strides = array<i32>} : memref<416x64xf32, #tpu.memory_space<vmem>>, vector<1x16xf32>,
        %parallel_loop3A_299 = vector.shape_cast %parallel_loop3A_298 : vector<1x16xf32> to vector<16xf32>
        %parallel_loop3A_300 = arith.addf %parallel_loop3A_293, %parallel_loop3A_299 : vector<16xf32>
        %parallel_loop3A_301 = arith.constant 4 : i32
        %parallel_loop3A_302 = arith.addi %parallel_loop3A_91, %parallel_loop3A_301 : i32
        %parallel_loop3A_303 = arith.index_cast %parallel_loop3A_302 : i32 to index
        %parallel_loop3A_304 = arith.constant 16 : index
        %parallel_loop3A_305 = tpu.vector_load %arg7[%parallel_loop3A_303, %parallel_loop3A_304] {strides = array<i32>} : memref<416x64xf32, #tpu.memory_space<vmem>>, vector<1x16xf32>,
        %parallel_loop3A_306 = vector.shape_cast %parallel_loop3A_305 : vector<1x16xf32> to vector<16xf32>
        %parallel_loop3A_307 = arith.addf %parallel_loop3A_300, %parallel_loop3A_306 : vector<16xf32>
        %parallel_loop3A_308 = arith.constant 5 : i32
        %parallel_loop3A_309 = arith.addi %parallel_loop3A_91, %parallel_loop3A_308 : i32
        %parallel_loop3A_310 = arith.index_cast %parallel_loop3A_309 : i32 to index
        %parallel_loop3A_311 = arith.constant 16 : index
        %parallel_loop3A_312 = tpu.vector_load %arg7[%parallel_loop3A_310, %parallel_loop3A_311] {strides = array<i32>} : memref<416x64xf32, #tpu.memory_space<vmem>>, vector<1x16xf32>,
        %parallel_loop3A_313 = vector.shape_cast %parallel_loop3A_312 : vector<1x16xf32> to vector<16xf32>
        %parallel_loop3A_314 = arith.addf %parallel_loop3A_307, %parallel_loop3A_313 : vector<16xf32>
        %parallel_loop3A_315 = arith.constant 6 : i32
        %parallel_loop3A_316 = arith.addi %parallel_loop3A_91, %parallel_loop3A_315 : i32
        %parallel_loop3A_317 = arith.index_cast %parallel_loop3A_316 : i32 to index
        %parallel_loop3A_318 = arith.constant 16 : index
        %parallel_loop3A_319 = tpu.vector_load %arg7[%parallel_loop3A_317, %parallel_loop3A_318] {strides = array<i32>} : memref<416x64xf32, #tpu.memory_space<vmem>>, vector<1x16xf32>,
        %parallel_loop3A_320 = vector.shape_cast %parallel_loop3A_319 : vector<1x16xf32> to vector<16xf32>
        %parallel_loop3A_321 = arith.addf %parallel_loop3A_314, %parallel_loop3A_320 : vector<16xf32>
        %parallel_loop3A_322 = arith.constant 7 : i32
        %parallel_loop3A_323 = arith.addi %parallel_loop3A_91, %parallel_loop3A_322 : i32
        %parallel_loop3A_324 = arith.index_cast %parallel_loop3A_323 : i32 to index
        %parallel_loop3A_325 = arith.constant 16 : index
        %parallel_loop3A_326 = tpu.vector_load %arg7[%parallel_loop3A_324, %parallel_loop3A_325] {strides = array<i32>} : memref<416x64xf32, #tpu.memory_space<vmem>>, vector<1x16xf32>,
        %parallel_loop3A_327 = vector.shape_cast %parallel_loop3A_326 : vector<1x16xf32> to vector<16xf32>
        %parallel_loop3A_328 = arith.addf %parallel_loop3A_321, %parallel_loop3A_327 : vector<16xf32>
        %parallel_loop3A_329 = arith.constant 8 : i32
        %parallel_loop3A_330 = arith.addi %parallel_loop3A_91, %parallel_loop3A_329 : i32
        %parallel_loop3A_331 = arith.index_cast %parallel_loop3A_330 : i32 to index
        %parallel_loop3A_332 = arith.constant 16 : index
        %parallel_loop3A_333 = tpu.vector_load %arg7[%parallel_loop3A_331, %parallel_loop3A_332] {strides = array<i32>} : memref<416x64xf32, #tpu.memory_space<vmem>>, vector<1x16xf32>,
        %parallel_loop3A_334 = vector.shape_cast %parallel_loop3A_333 : vector<1x16xf32> to vector<16xf32>
        %parallel_loop3A_335 = arith.addf %parallel_loop3A_328, %parallel_loop3A_334 : vector<16xf32>
        %parallel_loop3A_336 = arith.constant 9 : i32
        %parallel_loop3A_337 = arith.addi %parallel_loop3A_91, %parallel_loop3A_336 : i32
        %parallel_loop3A_338 = arith.index_cast %parallel_loop3A_337 : i32 to index
        %parallel_loop3A_339 = arith.constant 16 : index
        %parallel_loop3A_340 = tpu.vector_load %arg7[%parallel_loop3A_338, %parallel_loop3A_339] {strides = array<i32>} : memref<416x64xf32, #tpu.memory_space<vmem>>, vector<1x16xf32>,
        %parallel_loop3A_341 = vector.shape_cast %parallel_loop3A_340 : vector<1x16xf32> to vector<16xf32>
        %parallel_loop3A_342 = arith.addf %parallel_loop3A_335, %parallel_loop3A_341 : vector<16xf32>
        %parallel_loop3A_343 = arith.constant 10 : i32
        %parallel_loop3A_344 = arith.addi %parallel_loop3A_91, %parallel_loop3A_343 : i32
        %parallel_loop3A_345 = arith.index_cast %parallel_loop3A_344 : i32 to index
        %parallel_loop3A_346 = arith.constant 16 : index
        %parallel_loop3A_347 = tpu.vector_load %arg7[%parallel_loop3A_345, %parallel_loop3A_346] {strides = array<i32>} : memref<416x64xf32, #tpu.memory_space<vmem>>, vector<1x16xf32>,
        %parallel_loop3A_348 = vector.shape_cast %parallel_loop3A_347 : vector<1x16xf32> to vector<16xf32>
        %parallel_loop3A_349 = arith.addf %parallel_loop3A_342, %parallel_loop3A_348 : vector<16xf32>
        %parallel_loop3A_350 = arith.constant 11 : i32
        %parallel_loop3A_351 = arith.addi %parallel_loop3A_91, %parallel_loop3A_350 : i32
        %parallel_loop3A_352 = arith.index_cast %parallel_loop3A_351 : i32 to index
        %parallel_loop3A_353 = arith.constant 16 : index
        %parallel_loop3A_354 = tpu.vector_load %arg7[%parallel_loop3A_352, %parallel_loop3A_353] {strides = array<i32>} : memref<416x64xf32, #tpu.memory_space<vmem>>, vector<1x16xf32>,
        %parallel_loop3A_355 = vector.shape_cast %parallel_loop3A_354 : vector<1x16xf32> to vector<16xf32>
        %parallel_loop3A_356 = arith.addf %parallel_loop3A_349, %parallel_loop3A_355 : vector<16xf32>
        %parallel_loop3A_357 = arith.constant 12 : i32
        %parallel_loop3A_358 = arith.addi %parallel_loop3A_91, %parallel_loop3A_357 : i32
        %parallel_loop3A_359 = arith.index_cast %parallel_loop3A_358 : i32 to index
        %parallel_loop3A_360 = arith.constant 16 : index
        %parallel_loop3A_361 = tpu.vector_load %arg7[%parallel_loop3A_359, %parallel_loop3A_360] {strides = array<i32>} : memref<416x64xf32, #tpu.memory_space<vmem>>, vector<1x16xf32>,
        %parallel_loop3A_362 = vector.shape_cast %parallel_loop3A_361 : vector<1x16xf32> to vector<16xf32>
        %parallel_loop3A_363 = arith.addf %parallel_loop3A_356, %parallel_loop3A_362 : vector<16xf32>
        %parallel_loop3A_364 = arith.constant 13 : i32
        %parallel_loop3A_365 = arith.addi %parallel_loop3A_91, %parallel_loop3A_364 : i32
        %parallel_loop3A_366 = arith.index_cast %parallel_loop3A_365 : i32 to index
        %parallel_loop3A_367 = arith.constant 16 : index
        %parallel_loop3A_368 = tpu.vector_load %arg7[%parallel_loop3A_366, %parallel_loop3A_367] {strides = array<i32>} : memref<416x64xf32, #tpu.memory_space<vmem>>, vector<1x16xf32>,
        %parallel_loop3A_369 = vector.shape_cast %parallel_loop3A_368 : vector<1x16xf32> to vector<16xf32>
        %parallel_loop3A_370 = arith.addf %parallel_loop3A_363, %parallel_loop3A_369 : vector<16xf32>
        %parallel_loop3A_371 = arith.constant 14 : i32
        %parallel_loop3A_372 = arith.addi %parallel_loop3A_91, %parallel_loop3A_371 : i32
        %parallel_loop3A_373 = arith.index_cast %parallel_loop3A_372 : i32 to index
        %parallel_loop3A_374 = arith.constant 16 : index
        %parallel_loop3A_375 = tpu.vector_load %arg7[%parallel_loop3A_373, %parallel_loop3A_374] {strides = array<i32>} : memref<416x64xf32, #tpu.memory_space<vmem>>, vector<1x16xf32>,
        %parallel_loop3A_376 = vector.shape_cast %parallel_loop3A_375 : vector<1x16xf32> to vector<16xf32>
        %parallel_loop3A_377 = arith.addf %parallel_loop3A_370, %parallel_loop3A_376 : vector<16xf32>
        %parallel_loop3A_378 = arith.constant 15 : i32
        %parallel_loop3A_379 = arith.addi %parallel_loop3A_91, %parallel_loop3A_378 : i32
        %parallel_loop3A_380 = arith.index_cast %parallel_loop3A_379 : i32 to index
        %parallel_loop3A_381 = arith.constant 16 : index
        %parallel_loop3A_382 = tpu.vector_load %arg7[%parallel_loop3A_380, %parallel_loop3A_381] {strides = array<i32>} : memref<416x64xf32, #tpu.memory_space<vmem>>, vector<1x16xf32>,
        %parallel_loop3A_383 = vector.shape_cast %parallel_loop3A_382 : vector<1x16xf32> to vector<16xf32>
        %parallel_loop3A_384 = arith.addf %parallel_loop3A_377, %parallel_loop3A_383 : vector<16xf32>
        %parallel_loop3A_385 = arith.constant 16 : i32
        %parallel_loop3A_386 = arith.addi %parallel_loop3A_91, %parallel_loop3A_385 : i32
        %parallel_loop3A_387 = arith.index_cast %parallel_loop3A_386 : i32 to index
        %parallel_loop3A_388 = arith.constant 16 : index
        %parallel_loop3A_389 = tpu.vector_load %arg7[%parallel_loop3A_387, %parallel_loop3A_388] {strides = array<i32>} : memref<416x64xf32, #tpu.memory_space<vmem>>, vector<1x16xf32>,
        %parallel_loop3A_390 = vector.shape_cast %parallel_loop3A_389 : vector<1x16xf32> to vector<16xf32>
        %parallel_loop3A_391 = arith.addf %parallel_loop3A_384, %parallel_loop3A_390 : vector<16xf32>
        %parallel_loop3A_392 = arith.constant 17 : i32
        %parallel_loop3A_393 = arith.addi %parallel_loop3A_91, %parallel_loop3A_392 : i32
        %parallel_loop3A_394 = arith.index_cast %parallel_loop3A_393 : i32 to index
        %parallel_loop3A_395 = arith.constant 16 : index
        %parallel_loop3A_396 = tpu.vector_load %arg7[%parallel_loop3A_394, %parallel_loop3A_395] {strides = array<i32>} : memref<416x64xf32, #tpu.memory_space<vmem>>, vector<1x16xf32>,
        %parallel_loop3A_397 = vector.shape_cast %parallel_loop3A_396 : vector<1x16xf32> to vector<16xf32>
        %parallel_loop3A_398 = arith.addf %parallel_loop3A_391, %parallel_loop3A_397 : vector<16xf32>
        %parallel_loop3A_399 = arith.constant 18 : i32
        %parallel_loop3A_400 = arith.addi %parallel_loop3A_91, %parallel_loop3A_399 : i32
        %parallel_loop3A_401 = arith.index_cast %parallel_loop3A_400 : i32 to index
        %parallel_loop3A_402 = arith.constant 16 : index
        %parallel_loop3A_403 = tpu.vector_load %arg7[%parallel_loop3A_401, %parallel_loop3A_402] {strides = array<i32>} : memref<416x64xf32, #tpu.memory_space<vmem>>, vector<1x16xf32>,
        %parallel_loop3A_404 = vector.shape_cast %parallel_loop3A_403 : vector<1x16xf32> to vector<16xf32>
        %parallel_loop3A_405 = arith.addf %parallel_loop3A_398, %parallel_loop3A_404 : vector<16xf32>
        %parallel_loop3A_406 = arith.constant 19 : i32
        %parallel_loop3A_407 = arith.addi %parallel_loop3A_91, %parallel_loop3A_406 : i32
        %parallel_loop3A_408 = arith.index_cast %parallel_loop3A_407 : i32 to index
        %parallel_loop3A_409 = arith.constant 16 : index
        %parallel_loop3A_410 = tpu.vector_load %arg7[%parallel_loop3A_408, %parallel_loop3A_409] {strides = array<i32>} : memref<416x64xf32, #tpu.memory_space<vmem>>, vector<1x16xf32>,
        %parallel_loop3A_411 = vector.shape_cast %parallel_loop3A_410 : vector<1x16xf32> to vector<16xf32>
        %parallel_loop3A_412 = arith.addf %parallel_loop3A_405, %parallel_loop3A_411 : vector<16xf32>
        %parallel_loop3A_413 = arith.constant 20 : i32
        %parallel_loop3A_414 = arith.addi %parallel_loop3A_91, %parallel_loop3A_413 : i32
        %parallel_loop3A_415 = arith.index_cast %parallel_loop3A_414 : i32 to index
        %parallel_loop3A_416 = arith.constant 16 : index
        %parallel_loop3A_417 = tpu.vector_load %arg7[%parallel_loop3A_415, %parallel_loop3A_416] {strides = array<i32>} : memref<416x64xf32, #tpu.memory_space<vmem>>, vector<1x16xf32>,
        %parallel_loop3A_418 = vector.shape_cast %parallel_loop3A_417 : vector<1x16xf32> to vector<16xf32>
        %parallel_loop3A_419 = arith.addf %parallel_loop3A_412, %parallel_loop3A_418 : vector<16xf32>
        %parallel_loop3A_420 = arith.constant 21 : i32
        %parallel_loop3A_421 = arith.addi %parallel_loop3A_91, %parallel_loop3A_420 : i32
        %parallel_loop3A_422 = arith.index_cast %parallel_loop3A_421 : i32 to index
        %parallel_loop3A_423 = arith.constant 16 : index
        %parallel_loop3A_424 = tpu.vector_load %arg7[%parallel_loop3A_422, %parallel_loop3A_423] {strides = array<i32>} : memref<416x64xf32, #tpu.memory_space<vmem>>, vector<1x16xf32>,
        %parallel_loop3A_425 = vector.shape_cast %parallel_loop3A_424 : vector<1x16xf32> to vector<16xf32>
        %parallel_loop3A_426 = arith.addf %parallel_loop3A_419, %parallel_loop3A_425 : vector<16xf32>
        %parallel_loop3A_427 = arith.constant 22 : i32
        %parallel_loop3A_428 = arith.addi %parallel_loop3A_91, %parallel_loop3A_427 : i32
        %parallel_loop3A_429 = arith.index_cast %parallel_loop3A_428 : i32 to index
        %parallel_loop3A_430 = arith.constant 16 : index
        %parallel_loop3A_431 = tpu.vector_load %arg7[%parallel_loop3A_429, %parallel_loop3A_430] {strides = array<i32>} : memref<416x64xf32, #tpu.memory_space<vmem>>, vector<1x16xf32>,
        %parallel_loop3A_432 = vector.shape_cast %parallel_loop3A_431 : vector<1x16xf32> to vector<16xf32>
        %parallel_loop3A_433 = arith.addf %parallel_loop3A_426, %parallel_loop3A_432 : vector<16xf32>
        %parallel_loop3A_434 = arith.constant 23 : i32
        %parallel_loop3A_435 = arith.addi %parallel_loop3A_91, %parallel_loop3A_434 : i32
        %parallel_loop3A_436 = arith.index_cast %parallel_loop3A_435 : i32 to index
        %parallel_loop3A_437 = arith.constant 16 : index
        %parallel_loop3A_438 = tpu.vector_load %arg7[%parallel_loop3A_436, %parallel_loop3A_437] {strides = array<i32>} : memref<416x64xf32, #tpu.memory_space<vmem>>, vector<1x16xf32>,
        %parallel_loop3A_439 = vector.shape_cast %parallel_loop3A_438 : vector<1x16xf32> to vector<16xf32>
        %parallel_loop3A_440 = arith.addf %parallel_loop3A_433, %parallel_loop3A_439 : vector<16xf32>
        %parallel_loop3A_441 = arith.constant 24 : i32
        %parallel_loop3A_442 = arith.addi %parallel_loop3A_91, %parallel_loop3A_441 : i32
        %parallel_loop3A_443 = arith.index_cast %parallel_loop3A_442 : i32 to index
        %parallel_loop3A_444 = arith.constant 16 : index
        %parallel_loop3A_445 = tpu.vector_load %arg7[%parallel_loop3A_443, %parallel_loop3A_444] {strides = array<i32>} : memref<416x64xf32, #tpu.memory_space<vmem>>, vector<1x16xf32>,
        %parallel_loop3A_446 = vector.shape_cast %parallel_loop3A_445 : vector<1x16xf32> to vector<16xf32>
        %parallel_loop3A_447 = arith.addf %parallel_loop3A_440, %parallel_loop3A_446 : vector<16xf32>
        %parallel_loop3A_448 = arith.constant 25 : i32
        %parallel_loop3A_449 = arith.addi %parallel_loop3A_91, %parallel_loop3A_448 : i32
        %parallel_loop3A_450 = arith.index_cast %parallel_loop3A_449 : i32 to index
        %parallel_loop3A_451 = arith.constant 16 : index
        %parallel_loop3A_452 = tpu.vector_load %arg7[%parallel_loop3A_450, %parallel_loop3A_451] {strides = array<i32>} : memref<416x64xf32, #tpu.memory_space<vmem>>, vector<1x16xf32>,
        %parallel_loop3A_453 = vector.shape_cast %parallel_loop3A_452 : vector<1x16xf32> to vector<16xf32>
        %parallel_loop3A_454 = arith.addf %parallel_loop3A_447, %parallel_loop3A_453 : vector<16xf32>
        %parallel_loop3A_455 = arith.index_cast %parallel_loop3A_89 : i32 to index
        %parallel_loop3A_456 = arith.constant 16 : index
        %parallel_loop3A_457 = tpu.vector_load %arg9[%parallel_loop3A_455, %parallel_loop3A_456] {strides = array<i32>} : memref<16x64xf32, #tpu.memory_space<vmem>>, vector<1x16xf32>,
        %parallel_loop3A_458 = vector.shape_cast %parallel_loop3A_457 : vector<1x16xf32> to vector<16xf32>
        %parallel_loop3A_459 = vector.shape_cast %parallel_loop3A_454 : vector<16xf32> to vector<1x16xf32>
        tpu.vector_store %arg9[%parallel_loop3A_455, %parallel_loop3A_456], %parallel_loop3A_459 {strides = array<i32>} : memref<16x64xf32, #tpu.memory_space<vmem>>, vector<1x16xf32>,
        %parallel_loop3A_460 = arith.index_cast %parallel_loop3A_91 : i32 to index
        %parallel_loop3A_461 = arith.constant 32 : index
        %parallel_loop3A_462 = tpu.vector_load %arg7[%parallel_loop3A_460, %parallel_loop3A_461] {strides = array<i32>} : memref<416x64xf32, #tpu.memory_space<vmem>>, vector<1x16xf32>,
        %parallel_loop3A_463 = vector.shape_cast %parallel_loop3A_462 : vector<1x16xf32> to vector<16xf32>
        %parallel_loop3A_464 = arith.constant 1 : i32
        %parallel_loop3A_465 = arith.addi %parallel_loop3A_91, %parallel_loop3A_464 : i32
        %parallel_loop3A_466 = arith.index_cast %parallel_loop3A_465 : i32 to index
        %parallel_loop3A_467 = arith.constant 32 : index
        %parallel_loop3A_468 = tpu.vector_load %arg7[%parallel_loop3A_466, %parallel_loop3A_467] {strides = array<i32>} : memref<416x64xf32, #tpu.memory_space<vmem>>, vector<1x16xf32>,
        %parallel_loop3A_469 = vector.shape_cast %parallel_loop3A_468 : vector<1x16xf32> to vector<16xf32>
        %parallel_loop3A_470 = arith.addf %parallel_loop3A_463, %parallel_loop3A_469 : vector<16xf32>
        %parallel_loop3A_471 = arith.constant 2 : i32
        %parallel_loop3A_472 = arith.addi %parallel_loop3A_91, %parallel_loop3A_471 : i32
        %parallel_loop3A_473 = arith.index_cast %parallel_loop3A_472 : i32 to index
        %parallel_loop3A_474 = arith.constant 32 : index
        %parallel_loop3A_475 = tpu.vector_load %arg7[%parallel_loop3A_473, %parallel_loop3A_474] {strides = array<i32>} : memref<416x64xf32, #tpu.memory_space<vmem>>, vector<1x16xf32>,
        %parallel_loop3A_476 = vector.shape_cast %parallel_loop3A_475 : vector<1x16xf32> to vector<16xf32>
        %parallel_loop3A_477 = arith.addf %parallel_loop3A_470, %parallel_loop3A_476 : vector<16xf32>
        %parallel_loop3A_478 = arith.constant 3 : i32
        %parallel_loop3A_479 = arith.addi %parallel_loop3A_91, %parallel_loop3A_478 : i32
        %parallel_loop3A_480 = arith.index_cast %parallel_loop3A_479 : i32 to index
        %parallel_loop3A_481 = arith.constant 32 : index
        %parallel_loop3A_482 = tpu.vector_load %arg7[%parallel_loop3A_480, %parallel_loop3A_481] {strides = array<i32>} : memref<416x64xf32, #tpu.memory_space<vmem>>, vector<1x16xf32>,
        %parallel_loop3A_483 = vector.shape_cast %parallel_loop3A_482 : vector<1x16xf32> to vector<16xf32>
        %parallel_loop3A_484 = arith.addf %parallel_loop3A_477, %parallel_loop3A_483 : vector<16xf32>
        %parallel_loop3A_485 = arith.constant 4 : i32
        %parallel_loop3A_486 = arith.addi %parallel_loop3A_91, %parallel_loop3A_485 : i32
        %parallel_loop3A_487 = arith.index_cast %parallel_loop3A_486 : i32 to index
        %parallel_loop3A_488 = arith.constant 32 : index
        %parallel_loop3A_489 = tpu.vector_load %arg7[%parallel_loop3A_487, %parallel_loop3A_488] {strides = array<i32>} : memref<416x64xf32, #tpu.memory_space<vmem>>, vector<1x16xf32>,
        %parallel_loop3A_490 = vector.shape_cast %parallel_loop3A_489 : vector<1x16xf32> to vector<16xf32>
        %parallel_loop3A_491 = arith.addf %parallel_loop3A_484, %parallel_loop3A_490 : vector<16xf32>
        %parallel_loop3A_492 = arith.constant 5 : i32
        %parallel_loop3A_493 = arith.addi %parallel_loop3A_91, %parallel_loop3A_492 : i32
        %parallel_loop3A_494 = arith.index_cast %parallel_loop3A_493 : i32 to index
        %parallel_loop3A_495 = arith.constant 32 : index
        %parallel_loop3A_496 = tpu.vector_load %arg7[%parallel_loop3A_494, %parallel_loop3A_495] {strides = array<i32>} : memref<416x64xf32, #tpu.memory_space<vmem>>, vector<1x16xf32>,
        %parallel_loop3A_497 = vector.shape_cast %parallel_loop3A_496 : vector<1x16xf32> to vector<16xf32>
        %parallel_loop3A_498 = arith.addf %parallel_loop3A_491, %parallel_loop3A_497 : vector<16xf32>
        %parallel_loop3A_499 = arith.constant 6 : i32
        %parallel_loop3A_500 = arith.addi %parallel_loop3A_91, %parallel_loop3A_499 : i32
        %parallel_loop3A_501 = arith.index_cast %parallel_loop3A_500 : i32 to index
        %parallel_loop3A_502 = arith.constant 32 : index
        %parallel_loop3A_503 = tpu.vector_load %arg7[%parallel_loop3A_501, %parallel_loop3A_502] {strides = array<i32>} : memref<416x64xf32, #tpu.memory_space<vmem>>, vector<1x16xf32>,
        %parallel_loop3A_504 = vector.shape_cast %parallel_loop3A_503 : vector<1x16xf32> to vector<16xf32>
        %parallel_loop3A_505 = arith.addf %parallel_loop3A_498, %parallel_loop3A_504 : vector<16xf32>
        %parallel_loop3A_506 = arith.constant 7 : i32
        %parallel_loop3A_507 = arith.addi %parallel_loop3A_91, %parallel_loop3A_506 : i32
        %parallel_loop3A_508 = arith.index_cast %parallel_loop3A_507 : i32 to index
        %parallel_loop3A_509 = arith.constant 32 : index
        %parallel_loop3A_510 = tpu.vector_load %arg7[%parallel_loop3A_508, %parallel_loop3A_509] {strides = array<i32>} : memref<416x64xf32, #tpu.memory_space<vmem>>, vector<1x16xf32>,
        %parallel_loop3A_511 = vector.shape_cast %parallel_loop3A_510 : vector<1x16xf32> to vector<16xf32>
        %parallel_loop3A_512 = arith.addf %parallel_loop3A_505, %parallel_loop3A_511 : vector<16xf32>
        %parallel_loop3A_513 = arith.constant 8 : i32
        %parallel_loop3A_514 = arith.addi %parallel_loop3A_91, %parallel_loop3A_513 : i32
        %parallel_loop3A_515 = arith.index_cast %parallel_loop3A_514 : i32 to index
        %parallel_loop3A_516 = arith.constant 32 : index
        %parallel_loop3A_517 = tpu.vector_load %arg7[%parallel_loop3A_515, %parallel_loop3A_516] {strides = array<i32>} : memref<416x64xf32, #tpu.memory_space<vmem>>, vector<1x16xf32>,
        %parallel_loop3A_518 = vector.shape_cast %parallel_loop3A_517 : vector<1x16xf32> to vector<16xf32>
        %parallel_loop3A_519 = arith.addf %parallel_loop3A_512, %parallel_loop3A_518 : vector<16xf32>
        %parallel_loop3A_520 = arith.constant 9 : i32
        %parallel_loop3A_521 = arith.addi %parallel_loop3A_91, %parallel_loop3A_520 : i32
        %parallel_loop3A_522 = arith.index_cast %parallel_loop3A_521 : i32 to index
        %parallel_loop3A_523 = arith.constant 32 : index
        %parallel_loop3A_524 = tpu.vector_load %arg7[%parallel_loop3A_522, %parallel_loop3A_523] {strides = array<i32>} : memref<416x64xf32, #tpu.memory_space<vmem>>, vector<1x16xf32>,
        %parallel_loop3A_525 = vector.shape_cast %parallel_loop3A_524 : vector<1x16xf32> to vector<16xf32>
        %parallel_loop3A_526 = arith.addf %parallel_loop3A_519, %parallel_loop3A_525 : vector<16xf32>
        %parallel_loop3A_527 = arith.constant 10 : i32
        %parallel_loop3A_528 = arith.addi %parallel_loop3A_91, %parallel_loop3A_527 : i32
        %parallel_loop3A_529 = arith.index_cast %parallel_loop3A_528 : i32 to index
        %parallel_loop3A_530 = arith.constant 32 : index
        %parallel_loop3A_531 = tpu.vector_load %arg7[%parallel_loop3A_529, %parallel_loop3A_530] {strides = array<i32>} : memref<416x64xf32, #tpu.memory_space<vmem>>, vector<1x16xf32>,
        %parallel_loop3A_532 = vector.shape_cast %parallel_loop3A_531 : vector<1x16xf32> to vector<16xf32>
        %parallel_loop3A_533 = arith.addf %parallel_loop3A_526, %parallel_loop3A_532 : vector<16xf32>
        %parallel_loop3A_534 = arith.constant 11 : i32
        %parallel_loop3A_535 = arith.addi %parallel_loop3A_91, %parallel_loop3A_534 : i32
        %parallel_loop3A_536 = arith.index_cast %parallel_loop3A_535 : i32 to index
        %parallel_loop3A_537 = arith.constant 32 : index
        %parallel_loop3A_538 = tpu.vector_load %arg7[%parallel_loop3A_536, %parallel_loop3A_537] {strides = array<i32>} : memref<416x64xf32, #tpu.memory_space<vmem>>, vector<1x16xf32>,
        %parallel_loop3A_539 = vector.shape_cast %parallel_loop3A_538 : vector<1x16xf32> to vector<16xf32>
        %parallel_loop3A_540 = arith.addf %parallel_loop3A_533, %parallel_loop3A_539 : vector<16xf32>
        %parallel_loop3A_541 = arith.constant 12 : i32
        %parallel_loop3A_542 = arith.addi %parallel_loop3A_91, %parallel_loop3A_541 : i32
        %parallel_loop3A_543 = arith.index_cast %parallel_loop3A_542 : i32 to index
        %parallel_loop3A_544 = arith.constant 32 : index
        %parallel_loop3A_545 = tpu.vector_load %arg7[%parallel_loop3A_543, %parallel_loop3A_544] {strides = array<i32>} : memref<416x64xf32, #tpu.memory_space<vmem>>, vector<1x16xf32>,
        %parallel_loop3A_546 = vector.shape_cast %parallel_loop3A_545 : vector<1x16xf32> to vector<16xf32>
        %parallel_loop3A_547 = arith.addf %parallel_loop3A_540, %parallel_loop3A_546 : vector<16xf32>
        %parallel_loop3A_548 = arith.constant 13 : i32
        %parallel_loop3A_549 = arith.addi %parallel_loop3A_91, %parallel_loop3A_548 : i32
        %parallel_loop3A_550 = arith.index_cast %parallel_loop3A_549 : i32 to index
        %parallel_loop3A_551 = arith.constant 32 : index
        %parallel_loop3A_552 = tpu.vector_load %arg7[%parallel_loop3A_550, %parallel_loop3A_551] {strides = array<i32>} : memref<416x64xf32, #tpu.memory_space<vmem>>, vector<1x16xf32>,
        %parallel_loop3A_553 = vector.shape_cast %parallel_loop3A_552 : vector<1x16xf32> to vector<16xf32>
        %parallel_loop3A_554 = arith.addf %parallel_loop3A_547, %parallel_loop3A_553 : vector<16xf32>
        %parallel_loop3A_555 = arith.constant 14 : i32
        %parallel_loop3A_556 = arith.addi %parallel_loop3A_91, %parallel_loop3A_555 : i32
        %parallel_loop3A_557 = arith.index_cast %parallel_loop3A_556 : i32 to index
        %parallel_loop3A_558 = arith.constant 32 : index
        %parallel_loop3A_559 = tpu.vector_load %arg7[%parallel_loop3A_557, %parallel_loop3A_558] {strides = array<i32>} : memref<416x64xf32, #tpu.memory_space<vmem>>, vector<1x16xf32>,
        %parallel_loop3A_560 = vector.shape_cast %parallel_loop3A_559 : vector<1x16xf32> to vector<16xf32>
        %parallel_loop3A_561 = arith.addf %parallel_loop3A_554, %parallel_loop3A_560 : vector<16xf32>
        %parallel_loop3A_562 = arith.constant 15 : i32
        %parallel_loop3A_563 = arith.addi %parallel_loop3A_91, %parallel_loop3A_562 : i32
        %parallel_loop3A_564 = arith.index_cast %parallel_loop3A_563 : i32 to index
        %parallel_loop3A_565 = arith.constant 32 : index
        %parallel_loop3A_566 = tpu.vector_load %arg7[%parallel_loop3A_564, %parallel_loop3A_565] {strides = array<i32>} : memref<416x64xf32, #tpu.memory_space<vmem>>, vector<1x16xf32>,
        %parallel_loop3A_567 = vector.shape_cast %parallel_loop3A_566 : vector<1x16xf32> to vector<16xf32>
        %parallel_loop3A_568 = arith.addf %parallel_loop3A_561, %parallel_loop3A_567 : vector<16xf32>
        %parallel_loop3A_569 = arith.constant 16 : i32
        %parallel_loop3A_570 = arith.addi %parallel_loop3A_91, %parallel_loop3A_569 : i32
        %parallel_loop3A_571 = arith.index_cast %parallel_loop3A_570 : i32 to index
        %parallel_loop3A_572 = arith.constant 32 : index
        %parallel_loop3A_573 = tpu.vector_load %arg7[%parallel_loop3A_571, %parallel_loop3A_572] {strides = array<i32>} : memref<416x64xf32, #tpu.memory_space<vmem>>, vector<1x16xf32>,
        %parallel_loop3A_574 = vector.shape_cast %parallel_loop3A_573 : vector<1x16xf32> to vector<16xf32>
        %parallel_loop3A_575 = arith.addf %parallel_loop3A_568, %parallel_loop3A_574 : vector<16xf32>
        %parallel_loop3A_576 = arith.constant 17 : i32
        %parallel_loop3A_577 = arith.addi %parallel_loop3A_91, %parallel_loop3A_576 : i32
        %parallel_loop3A_578 = arith.index_cast %parallel_loop3A_577 : i32 to index
        %parallel_loop3A_579 = arith.constant 32 : index
        %parallel_loop3A_580 = tpu.vector_load %arg7[%parallel_loop3A_578, %parallel_loop3A_579] {strides = array<i32>} : memref<416x64xf32, #tpu.memory_space<vmem>>, vector<1x16xf32>,
        %parallel_loop3A_581 = vector.shape_cast %parallel_loop3A_580 : vector<1x16xf32> to vector<16xf32>
        %parallel_loop3A_582 = arith.addf %parallel_loop3A_575, %parallel_loop3A_581 : vector<16xf32>
        %parallel_loop3A_583 = arith.constant 18 : i32
        %parallel_loop3A_584 = arith.addi %parallel_loop3A_91, %parallel_loop3A_583 : i32
        %parallel_loop3A_585 = arith.index_cast %parallel_loop3A_584 : i32 to index
        %parallel_loop3A_586 = arith.constant 32 : index
        %parallel_loop3A_587 = tpu.vector_load %arg7[%parallel_loop3A_585, %parallel_loop3A_586] {strides = array<i32>} : memref<416x64xf32, #tpu.memory_space<vmem>>, vector<1x16xf32>,
        %parallel_loop3A_588 = vector.shape_cast %parallel_loop3A_587 : vector<1x16xf32> to vector<16xf32>
        %parallel_loop3A_589 = arith.addf %parallel_loop3A_582, %parallel_loop3A_588 : vector<16xf32>
        %parallel_loop3A_590 = arith.constant 19 : i32
        %parallel_loop3A_591 = arith.addi %parallel_loop3A_91, %parallel_loop3A_590 : i32
        %parallel_loop3A_592 = arith.index_cast %parallel_loop3A_591 : i32 to index
        %parallel_loop3A_593 = arith.constant 32 : index
        %parallel_loop3A_594 = tpu.vector_load %arg7[%parallel_loop3A_592, %parallel_loop3A_593] {strides = array<i32>} : memref<416x64xf32, #tpu.memory_space<vmem>>, vector<1x16xf32>,
        %parallel_loop3A_595 = vector.shape_cast %parallel_loop3A_594 : vector<1x16xf32> to vector<16xf32>
        %parallel_loop3A_596 = arith.addf %parallel_loop3A_589, %parallel_loop3A_595 : vector<16xf32>
        %parallel_loop3A_597 = arith.constant 20 : i32
        %parallel_loop3A_598 = arith.addi %parallel_loop3A_91, %parallel_loop3A_597 : i32
        %parallel_loop3A_599 = arith.index_cast %parallel_loop3A_598 : i32 to index
        %parallel_loop3A_600 = arith.constant 32 : index
        %parallel_loop3A_601 = tpu.vector_load %arg7[%parallel_loop3A_599, %parallel_loop3A_600] {strides = array<i32>} : memref<416x64xf32, #tpu.memory_space<vmem>>, vector<1x16xf32>,
        %parallel_loop3A_602 = vector.shape_cast %parallel_loop3A_601 : vector<1x16xf32> to vector<16xf32>
        %parallel_loop3A_603 = arith.addf %parallel_loop3A_596, %parallel_loop3A_602 : vector<16xf32>
        %parallel_loop3A_604 = arith.constant 21 : i32
        %parallel_loop3A_605 = arith.addi %parallel_loop3A_91, %parallel_loop3A_604 : i32
        %parallel_loop3A_606 = arith.index_cast %parallel_loop3A_605 : i32 to index
        %parallel_loop3A_607 = arith.constant 32 : index
        %parallel_loop3A_608 = tpu.vector_load %arg7[%parallel_loop3A_606, %parallel_loop3A_607] {strides = array<i32>} : memref<416x64xf32, #tpu.memory_space<vmem>>, vector<1x16xf32>,
        %parallel_loop3A_609 = vector.shape_cast %parallel_loop3A_608 : vector<1x16xf32> to vector<16xf32>
        %parallel_loop3A_610 = arith.addf %parallel_loop3A_603, %parallel_loop3A_609 : vector<16xf32>
        %parallel_loop3A_611 = arith.constant 22 : i32
        %parallel_loop3A_612 = arith.addi %parallel_loop3A_91, %parallel_loop3A_611 : i32
        %parallel_loop3A_613 = arith.index_cast %parallel_loop3A_612 : i32 to index
        %parallel_loop3A_614 = arith.constant 32 : index
        %parallel_loop3A_615 = tpu.vector_load %arg7[%parallel_loop3A_613, %parallel_loop3A_614] {strides = array<i32>} : memref<416x64xf32, #tpu.memory_space<vmem>>, vector<1x16xf32>,
        %parallel_loop3A_616 = vector.shape_cast %parallel_loop3A_615 : vector<1x16xf32> to vector<16xf32>
        %parallel_loop3A_617 = arith.addf %parallel_loop3A_610, %parallel_loop3A_616 : vector<16xf32>
        %parallel_loop3A_618 = arith.constant 23 : i32
        %parallel_loop3A_619 = arith.addi %parallel_loop3A_91, %parallel_loop3A_618 : i32
        %parallel_loop3A_620 = arith.index_cast %parallel_loop3A_619 : i32 to index
        %parallel_loop3A_621 = arith.constant 32 : index
        %parallel_loop3A_622 = tpu.vector_load %arg7[%parallel_loop3A_620, %parallel_loop3A_621] {strides = array<i32>} : memref<416x64xf32, #tpu.memory_space<vmem>>, vector<1x16xf32>,
        %parallel_loop3A_623 = vector.shape_cast %parallel_loop3A_622 : vector<1x16xf32> to vector<16xf32>
        %parallel_loop3A_624 = arith.addf %parallel_loop3A_617, %parallel_loop3A_623 : vector<16xf32>
        %parallel_loop3A_625 = arith.constant 24 : i32
        %parallel_loop3A_626 = arith.addi %parallel_loop3A_91, %parallel_loop3A_625 : i32
        %parallel_loop3A_627 = arith.index_cast %parallel_loop3A_626 : i32 to index
        %parallel_loop3A_628 = arith.constant 32 : index
        %parallel_loop3A_629 = tpu.vector_load %arg7[%parallel_loop3A_627, %parallel_loop3A_628] {strides = array<i32>} : memref<416x64xf32, #tpu.memory_space<vmem>>, vector<1x16xf32>,
        %parallel_loop3A_630 = vector.shape_cast %parallel_loop3A_629 : vector<1x16xf32> to vector<16xf32>
        %parallel_loop3A_631 = arith.addf %parallel_loop3A_624, %parallel_loop3A_630 : vector<16xf32>
        %parallel_loop3A_632 = arith.constant 25 : i32
        %parallel_loop3A_633 = arith.addi %parallel_loop3A_91, %parallel_loop3A_632 : i32
        %parallel_loop3A_634 = arith.index_cast %parallel_loop3A_633 : i32 to index
        %parallel_loop3A_635 = arith.constant 32 : index
        %parallel_loop3A_636 = tpu.vector_load %arg7[%parallel_loop3A_634, %parallel_loop3A_635] {strides = array<i32>} : memref<416x64xf32, #tpu.memory_space<vmem>>, vector<1x16xf32>,
        %parallel_loop3A_637 = vector.shape_cast %parallel_loop3A_636 : vector<1x16xf32> to vector<16xf32>
        %parallel_loop3A_638 = arith.addf %parallel_loop3A_631, %parallel_loop3A_637 : vector<16xf32>
        %parallel_loop3A_639 = arith.index_cast %parallel_loop3A_89 : i32 to index
        %parallel_loop3A_640 = arith.constant 32 : index
        %parallel_loop3A_641 = tpu.vector_load %arg9[%parallel_loop3A_639, %parallel_loop3A_640] {strides = array<i32>} : memref<16x64xf32, #tpu.memory_space<vmem>>, vector<1x16xf32>,
        %parallel_loop3A_642 = vector.shape_cast %parallel_loop3A_641 : vector<1x16xf32> to vector<16xf32>
        %parallel_loop3A_643 = vector.shape_cast %parallel_loop3A_638 : vector<16xf32> to vector<1x16xf32>
        tpu.vector_store %arg9[%parallel_loop3A_639, %parallel_loop3A_640], %parallel_loop3A_643 {strides = array<i32>} : memref<16x64xf32, #tpu.memory_space<vmem>>, vector<1x16xf32>,
        %parallel_loop3A_644 = arith.index_cast %parallel_loop3A_91 : i32 to index
        %parallel_loop3A_645 = arith.constant 48 : index
        %parallel_loop3A_646 = tpu.vector_load %arg7[%parallel_loop3A_644, %parallel_loop3A_645] {strides = array<i32>} : memref<416x64xf32, #tpu.memory_space<vmem>>, vector<1x16xf32>,
        %parallel_loop3A_647 = vector.shape_cast %parallel_loop3A_646 : vector<1x16xf32> to vector<16xf32>
        %parallel_loop3A_648 = arith.constant 1 : i32
        %parallel_loop3A_649 = arith.addi %parallel_loop3A_91, %parallel_loop3A_648 : i32
        %parallel_loop3A_650 = arith.index_cast %parallel_loop3A_649 : i32 to index
        %parallel_loop3A_651 = arith.constant 48 : index
        %parallel_loop3A_652 = tpu.vector_load %arg7[%parallel_loop3A_650, %parallel_loop3A_651] {strides = array<i32>} : memref<416x64xf32, #tpu.memory_space<vmem>>, vector<1x16xf32>,
        %parallel_loop3A_653 = vector.shape_cast %parallel_loop3A_652 : vector<1x16xf32> to vector<16xf32>
        %parallel_loop3A_654 = arith.addf %parallel_loop3A_647, %parallel_loop3A_653 : vector<16xf32>
        %parallel_loop3A_655 = arith.constant 2 : i32
        %parallel_loop3A_656 = arith.addi %parallel_loop3A_91, %parallel_loop3A_655 : i32
        %parallel_loop3A_657 = arith.index_cast %parallel_loop3A_656 : i32 to index
        %parallel_loop3A_658 = arith.constant 48 : index
        %parallel_loop3A_659 = tpu.vector_load %arg7[%parallel_loop3A_657, %parallel_loop3A_658] {strides = array<i32>} : memref<416x64xf32, #tpu.memory_space<vmem>>, vector<1x16xf32>,
        %parallel_loop3A_660 = vector.shape_cast %parallel_loop3A_659 : vector<1x16xf32> to vector<16xf32>
        %parallel_loop3A_661 = arith.addf %parallel_loop3A_654, %parallel_loop3A_660 : vector<16xf32>
        %parallel_loop3A_662 = arith.constant 3 : i32
        %parallel_loop3A_663 = arith.addi %parallel_loop3A_91, %parallel_loop3A_662 : i32
        %parallel_loop3A_664 = arith.index_cast %parallel_loop3A_663 : i32 to index
        %parallel_loop3A_665 = arith.constant 48 : index
        %parallel_loop3A_666 = tpu.vector_load %arg7[%parallel_loop3A_664, %parallel_loop3A_665] {strides = array<i32>} : memref<416x64xf32, #tpu.memory_space<vmem>>, vector<1x16xf32>,
        %parallel_loop3A_667 = vector.shape_cast %parallel_loop3A_666 : vector<1x16xf32> to vector<16xf32>
        %parallel_loop3A_668 = arith.addf %parallel_loop3A_661, %parallel_loop3A_667 : vector<16xf32>
        %parallel_loop3A_669 = arith.constant 4 : i32
        %parallel_loop3A_670 = arith.addi %parallel_loop3A_91, %parallel_loop3A_669 : i32
        %parallel_loop3A_671 = arith.index_cast %parallel_loop3A_670 : i32 to index
        %parallel_loop3A_672 = arith.constant 48 : index
        %parallel_loop3A_673 = tpu.vector_load %arg7[%parallel_loop3A_671, %parallel_loop3A_672] {strides = array<i32>} : memref<416x64xf32, #tpu.memory_space<vmem>>, vector<1x16xf32>,
        %parallel_loop3A_674 = vector.shape_cast %parallel_loop3A_673 : vector<1x16xf32> to vector<16xf32>
        %parallel_loop3A_675 = arith.addf %parallel_loop3A_668, %parallel_loop3A_674 : vector<16xf32>
        %parallel_loop3A_676 = arith.constant 5 : i32
        %parallel_loop3A_677 = arith.addi %parallel_loop3A_91, %parallel_loop3A_676 : i32
        %parallel_loop3A_678 = arith.index_cast %parallel_loop3A_677 : i32 to index
        %parallel_loop3A_679 = arith.constant 48 : index
        %parallel_loop3A_680 = tpu.vector_load %arg7[%parallel_loop3A_678, %parallel_loop3A_679] {strides = array<i32>} : memref<416x64xf32, #tpu.memory_space<vmem>>, vector<1x16xf32>,
        %parallel_loop3A_681 = vector.shape_cast %parallel_loop3A_680 : vector<1x16xf32> to vector<16xf32>
        %parallel_loop3A_682 = arith.addf %parallel_loop3A_675, %parallel_loop3A_681 : vector<16xf32>
        %parallel_loop3A_683 = arith.constant 6 : i32
        %parallel_loop3A_684 = arith.addi %parallel_loop3A_91, %parallel_loop3A_683 : i32
        %parallel_loop3A_685 = arith.index_cast %parallel_loop3A_684 : i32 to index
        %parallel_loop3A_686 = arith.constant 48 : index
        %parallel_loop3A_687 = tpu.vector_load %arg7[%parallel_loop3A_685, %parallel_loop3A_686] {strides = array<i32>} : memref<416x64xf32, #tpu.memory_space<vmem>>, vector<1x16xf32>,
        %parallel_loop3A_688 = vector.shape_cast %parallel_loop3A_687 : vector<1x16xf32> to vector<16xf32>
        %parallel_loop3A_689 = arith.addf %parallel_loop3A_682, %parallel_loop3A_688 : vector<16xf32>
        %parallel_loop3A_690 = arith.constant 7 : i32
        %parallel_loop3A_691 = arith.addi %parallel_loop3A_91, %parallel_loop3A_690 : i32
        %parallel_loop3A_692 = arith.index_cast %parallel_loop3A_691 : i32 to index
        %parallel_loop3A_693 = arith.constant 48 : index
        %parallel_loop3A_694 = tpu.vector_load %arg7[%parallel_loop3A_692, %parallel_loop3A_693] {strides = array<i32>} : memref<416x64xf32, #tpu.memory_space<vmem>>, vector<1x16xf32>,
        %parallel_loop3A_695 = vector.shape_cast %parallel_loop3A_694 : vector<1x16xf32> to vector<16xf32>
        %parallel_loop3A_696 = arith.addf %parallel_loop3A_689, %parallel_loop3A_695 : vector<16xf32>
        %parallel_loop3A_697 = arith.constant 8 : i32
        %parallel_loop3A_698 = arith.addi %parallel_loop3A_91, %parallel_loop3A_697 : i32
        %parallel_loop3A_699 = arith.index_cast %parallel_loop3A_698 : i32 to index
        %parallel_loop3A_700 = arith.constant 48 : index
        %parallel_loop3A_701 = tpu.vector_load %arg7[%parallel_loop3A_699, %parallel_loop3A_700] {strides = array<i32>} : memref<416x64xf32, #tpu.memory_space<vmem>>, vector<1x16xf32>,
        %parallel_loop3A_702 = vector.shape_cast %parallel_loop3A_701 : vector<1x16xf32> to vector<16xf32>
        %parallel_loop3A_703 = arith.addf %parallel_loop3A_696, %parallel_loop3A_702 : vector<16xf32>
        %parallel_loop3A_704 = arith.constant 9 : i32
        %parallel_loop3A_705 = arith.addi %parallel_loop3A_91, %parallel_loop3A_704 : i32
        %parallel_loop3A_706 = arith.index_cast %parallel_loop3A_705 : i32 to index
        %parallel_loop3A_707 = arith.constant 48 : index
        %parallel_loop3A_708 = tpu.vector_load %arg7[%parallel_loop3A_706, %parallel_loop3A_707] {strides = array<i32>} : memref<416x64xf32, #tpu.memory_space<vmem>>, vector<1x16xf32>,
        %parallel_loop3A_709 = vector.shape_cast %parallel_loop3A_708 : vector<1x16xf32> to vector<16xf32>
        %parallel_loop3A_710 = arith.addf %parallel_loop3A_703, %parallel_loop3A_709 : vector<16xf32>
        %parallel_loop3A_711 = arith.constant 10 : i32
        %parallel_loop3A_712 = arith.addi %parallel_loop3A_91, %parallel_loop3A_711 : i32
        %parallel_loop3A_713 = arith.index_cast %parallel_loop3A_712 : i32 to index
        %parallel_loop3A_714 = arith.constant 48 : index
        %parallel_loop3A_715 = tpu.vector_load %arg7[%parallel_loop3A_713, %parallel_loop3A_714] {strides = array<i32>} : memref<416x64xf32, #tpu.memory_space<vmem>>, vector<1x16xf32>,
        %parallel_loop3A_716 = vector.shape_cast %parallel_loop3A_715 : vector<1x16xf32> to vector<16xf32>
        %parallel_loop3A_717 = arith.addf %parallel_loop3A_710, %parallel_loop3A_716 : vector<16xf32>
        %parallel_loop3A_718 = arith.constant 11 : i32
        %parallel_loop3A_719 = arith.addi %parallel_loop3A_91, %parallel_loop3A_718 : i32
        %parallel_loop3A_720 = arith.index_cast %parallel_loop3A_719 : i32 to index
        %parallel_loop3A_721 = arith.constant 48 : index
        %parallel_loop3A_722 = tpu.vector_load %arg7[%parallel_loop3A_720, %parallel_loop3A_721] {strides = array<i32>} : memref<416x64xf32, #tpu.memory_space<vmem>>, vector<1x16xf32>,
        %parallel_loop3A_723 = vector.shape_cast %parallel_loop3A_722 : vector<1x16xf32> to vector<16xf32>
        %parallel_loop3A_724 = arith.addf %parallel_loop3A_717, %parallel_loop3A_723 : vector<16xf32>
        %parallel_loop3A_725 = arith.constant 12 : i32
        %parallel_loop3A_726 = arith.addi %parallel_loop3A_91, %parallel_loop3A_725 : i32
        %parallel_loop3A_727 = arith.index_cast %parallel_loop3A_726 : i32 to index
        %parallel_loop3A_728 = arith.constant 48 : index
        %parallel_loop3A_729 = tpu.vector_load %arg7[%parallel_loop3A_727, %parallel_loop3A_728] {strides = array<i32>} : memref<416x64xf32, #tpu.memory_space<vmem>>, vector<1x16xf32>,
        %parallel_loop3A_730 = vector.shape_cast %parallel_loop3A_729 : vector<1x16xf32> to vector<16xf32>
        %parallel_loop3A_731 = arith.addf %parallel_loop3A_724, %parallel_loop3A_730 : vector<16xf32>
        %parallel_loop3A_732 = arith.constant 13 : i32
        %parallel_loop3A_733 = arith.addi %parallel_loop3A_91, %parallel_loop3A_732 : i32
        %parallel_loop3A_734 = arith.index_cast %parallel_loop3A_733 : i32 to index
        %parallel_loop3A_735 = arith.constant 48 : index
        %parallel_loop3A_736 = tpu.vector_load %arg7[%parallel_loop3A_734, %parallel_loop3A_735] {strides = array<i32>} : memref<416x64xf32, #tpu.memory_space<vmem>>, vector<1x16xf32>,
        %parallel_loop3A_737 = vector.shape_cast %parallel_loop3A_736 : vector<1x16xf32> to vector<16xf32>
        %parallel_loop3A_738 = arith.addf %parallel_loop3A_731, %parallel_loop3A_737 : vector<16xf32>
        %parallel_loop3A_739 = arith.constant 14 : i32
        %parallel_loop3A_740 = arith.addi %parallel_loop3A_91, %parallel_loop3A_739 : i32
        %parallel_loop3A_741 = arith.index_cast %parallel_loop3A_740 : i32 to index
        %parallel_loop3A_742 = arith.constant 48 : index
        %parallel_loop3A_743 = tpu.vector_load %arg7[%parallel_loop3A_741, %parallel_loop3A_742] {strides = array<i32>} : memref<416x64xf32, #tpu.memory_space<vmem>>, vector<1x16xf32>,
        %parallel_loop3A_744 = vector.shape_cast %parallel_loop3A_743 : vector<1x16xf32> to vector<16xf32>
        %parallel_loop3A_745 = arith.addf %parallel_loop3A_738, %parallel_loop3A_744 : vector<16xf32>
        %parallel_loop3A_746 = arith.constant 15 : i32
        %parallel_loop3A_747 = arith.addi %parallel_loop3A_91, %parallel_loop3A_746 : i32
        %parallel_loop3A_748 = arith.index_cast %parallel_loop3A_747 : i32 to index
        %parallel_loop3A_749 = arith.constant 48 : index
        %parallel_loop3A_750 = tpu.vector_load %arg7[%parallel_loop3A_748, %parallel_loop3A_749] {strides = array<i32>} : memref<416x64xf32, #tpu.memory_space<vmem>>, vector<1x16xf32>,
        %parallel_loop3A_751 = vector.shape_cast %parallel_loop3A_750 : vector<1x16xf32> to vector<16xf32>
        %parallel_loop3A_752 = arith.addf %parallel_loop3A_745, %parallel_loop3A_751 : vector<16xf32>
        %parallel_loop3A_753 = arith.constant 16 : i32
        %parallel_loop3A_754 = arith.addi %parallel_loop3A_91, %parallel_loop3A_753 : i32
        %parallel_loop3A_755 = arith.index_cast %parallel_loop3A_754 : i32 to index
        %parallel_loop3A_756 = arith.constant 48 : index
        %parallel_loop3A_757 = tpu.vector_load %arg7[%parallel_loop3A_755, %parallel_loop3A_756] {strides = array<i32>} : memref<416x64xf32, #tpu.memory_space<vmem>>, vector<1x16xf32>,
        %parallel_loop3A_758 = vector.shape_cast %parallel_loop3A_757 : vector<1x16xf32> to vector<16xf32>
        %parallel_loop3A_759 = arith.addf %parallel_loop3A_752, %parallel_loop3A_758 : vector<16xf32>
        %parallel_loop3A_760 = arith.constant 17 : i32
        %parallel_loop3A_761 = arith.addi %parallel_loop3A_91, %parallel_loop3A_760 : i32
        %parallel_loop3A_762 = arith.index_cast %parallel_loop3A_761 : i32 to index
        %parallel_loop3A_763 = arith.constant 48 : index
        %parallel_loop3A_764 = tpu.vector_load %arg7[%parallel_loop3A_762, %parallel_loop3A_763] {strides = array<i32>} : memref<416x64xf32, #tpu.memory_space<vmem>>, vector<1x16xf32>,
        %parallel_loop3A_765 = vector.shape_cast %parallel_loop3A_764 : vector<1x16xf32> to vector<16xf32>
        %parallel_loop3A_766 = arith.addf %parallel_loop3A_759, %parallel_loop3A_765 : vector<16xf32>
        %parallel_loop3A_767 = arith.constant 18 : i32
        %parallel_loop3A_768 = arith.addi %parallel_loop3A_91, %parallel_loop3A_767 : i32
        %parallel_loop3A_769 = arith.index_cast %parallel_loop3A_768 : i32 to index
        %parallel_loop3A_770 = arith.constant 48 : index
        %parallel_loop3A_771 = tpu.vector_load %arg7[%parallel_loop3A_769, %parallel_loop3A_770] {strides = array<i32>} : memref<416x64xf32, #tpu.memory_space<vmem>>, vector<1x16xf32>,
        %parallel_loop3A_772 = vector.shape_cast %parallel_loop3A_771 : vector<1x16xf32> to vector<16xf32>
        %parallel_loop3A_773 = arith.addf %parallel_loop3A_766, %parallel_loop3A_772 : vector<16xf32>
        %parallel_loop3A_774 = arith.constant 19 : i32
        %parallel_loop3A_775 = arith.addi %parallel_loop3A_91, %parallel_loop3A_774 : i32
        %parallel_loop3A_776 = arith.index_cast %parallel_loop3A_775 : i32 to index
        %parallel_loop3A_777 = arith.constant 48 : index
        %parallel_loop3A_778 = tpu.vector_load %arg7[%parallel_loop3A_776, %parallel_loop3A_777] {strides = array<i32>} : memref<416x64xf32, #tpu.memory_space<vmem>>, vector<1x16xf32>,
        %parallel_loop3A_779 = vector.shape_cast %parallel_loop3A_778 : vector<1x16xf32> to vector<16xf32>
        %parallel_loop3A_780 = arith.addf %parallel_loop3A_773, %parallel_loop3A_779 : vector<16xf32>
        %parallel_loop3A_781 = arith.constant 20 : i32
        %parallel_loop3A_782 = arith.addi %parallel_loop3A_91, %parallel_loop3A_781 : i32
        %parallel_loop3A_783 = arith.index_cast %parallel_loop3A_782 : i32 to index
        %parallel_loop3A_784 = arith.constant 48 : index
        %parallel_loop3A_785 = tpu.vector_load %arg7[%parallel_loop3A_783, %parallel_loop3A_784] {strides = array<i32>} : memref<416x64xf32, #tpu.memory_space<vmem>>, vector<1x16xf32>,
        %parallel_loop3A_786 = vector.shape_cast %parallel_loop3A_785 : vector<1x16xf32> to vector<16xf32>
        %parallel_loop3A_787 = arith.addf %parallel_loop3A_780, %parallel_loop3A_786 : vector<16xf32>
        %parallel_loop3A_788 = arith.constant 21 : i32
        %parallel_loop3A_789 = arith.addi %parallel_loop3A_91, %parallel_loop3A_788 : i32
        %parallel_loop3A_790 = arith.index_cast %parallel_loop3A_789 : i32 to index
        %parallel_loop3A_791 = arith.constant 48 : index
        %parallel_loop3A_792 = tpu.vector_load %arg7[%parallel_loop3A_790, %parallel_loop3A_791] {strides = array<i32>} : memref<416x64xf32, #tpu.memory_space<vmem>>, vector<1x16xf32>,
        %parallel_loop3A_793 = vector.shape_cast %parallel_loop3A_792 : vector<1x16xf32> to vector<16xf32>
        %parallel_loop3A_794 = arith.addf %parallel_loop3A_787, %parallel_loop3A_793 : vector<16xf32>
        %parallel_loop3A_795 = arith.constant 22 : i32
        %parallel_loop3A_796 = arith.addi %parallel_loop3A_91, %parallel_loop3A_795 : i32
        %parallel_loop3A_797 = arith.index_cast %parallel_loop3A_796 : i32 to index
        %parallel_loop3A_798 = arith.constant 48 : index
        %parallel_loop3A_799 = tpu.vector_load %arg7[%parallel_loop3A_797, %parallel_loop3A_798] {strides = array<i32>} : memref<416x64xf32, #tpu.memory_space<vmem>>, vector<1x16xf32>,
        %parallel_loop3A_800 = vector.shape_cast %parallel_loop3A_799 : vector<1x16xf32> to vector<16xf32>
        %parallel_loop3A_801 = arith.addf %parallel_loop3A_794, %parallel_loop3A_800 : vector<16xf32>
        %parallel_loop3A_802 = arith.constant 23 : i32
        %parallel_loop3A_803 = arith.addi %parallel_loop3A_91, %parallel_loop3A_802 : i32
        %parallel_loop3A_804 = arith.index_cast %parallel_loop3A_803 : i32 to index
        %parallel_loop3A_805 = arith.constant 48 : index
        %parallel_loop3A_806 = tpu.vector_load %arg7[%parallel_loop3A_804, %parallel_loop3A_805] {strides = array<i32>} : memref<416x64xf32, #tpu.memory_space<vmem>>, vector<1x16xf32>,
        %parallel_loop3A_807 = vector.shape_cast %parallel_loop3A_806 : vector<1x16xf32> to vector<16xf32>
        %parallel_loop3A_808 = arith.addf %parallel_loop3A_801, %parallel_loop3A_807 : vector<16xf32>
        %parallel_loop3A_809 = arith.constant 24 : i32
        %parallel_loop3A_810 = arith.addi %parallel_loop3A_91, %parallel_loop3A_809 : i32
        %parallel_loop3A_811 = arith.index_cast %parallel_loop3A_810 : i32 to index
        %parallel_loop3A_812 = arith.constant 48 : index
        %parallel_loop3A_813 = tpu.vector_load %arg7[%parallel_loop3A_811, %parallel_loop3A_812] {strides = array<i32>} : memref<416x64xf32, #tpu.memory_space<vmem>>, vector<1x16xf32>,
        %parallel_loop3A_814 = vector.shape_cast %parallel_loop3A_813 : vector<1x16xf32> to vector<16xf32>
        %parallel_loop3A_815 = arith.addf %parallel_loop3A_808, %parallel_loop3A_814 : vector<16xf32>
        %parallel_loop3A_816 = arith.constant 25 : i32
        %parallel_loop3A_817 = arith.addi %parallel_loop3A_91, %parallel_loop3A_816 : i32
        %parallel_loop3A_818 = arith.index_cast %parallel_loop3A_817 : i32 to index
        %parallel_loop3A_819 = arith.constant 48 : index
        %parallel_loop3A_820 = tpu.vector_load %arg7[%parallel_loop3A_818, %parallel_loop3A_819] {strides = array<i32>} : memref<416x64xf32, #tpu.memory_space<vmem>>, vector<1x16xf32>,
        %parallel_loop3A_821 = vector.shape_cast %parallel_loop3A_820 : vector<1x16xf32> to vector<16xf32>
        %parallel_loop3A_822 = arith.addf %parallel_loop3A_815, %parallel_loop3A_821 : vector<16xf32>
        %parallel_loop3A_823 = arith.index_cast %parallel_loop3A_89 : i32 to index
        %parallel_loop3A_824 = arith.constant 48 : index
        %parallel_loop3A_825 = tpu.vector_load %arg9[%parallel_loop3A_823, %parallel_loop3A_824] {strides = array<i32>} : memref<16x64xf32, #tpu.memory_space<vmem>>, vector<1x16xf32>,
        %parallel_loop3A_826 = vector.shape_cast %parallel_loop3A_825 : vector<1x16xf32> to vector<16xf32>
        %parallel_loop3A_827 = vector.shape_cast %parallel_loop3A_822 : vector<16xf32> to vector<1x16xf32>
        tpu.vector_store %arg9[%parallel_loop3A_823, %parallel_loop3A_824], %parallel_loop3A_827 {strides = array<i32>} : memref<16x64xf32, #tpu.memory_space<vmem>>, vector<1x16xf32>,
      } {sc.loop_unroll_factor = 1 : i64, sc.parallel_access}
      %add3A_78 = arith.constant 2 : i32
      %add3A_79 = arith.addi %add3A_60, %add3A_78 : i32
      %lt3A_80 = arith.constant 100 : i32
      %lt3A_81 = arith.cmpi slt, %add3A_79, %lt3A_80 : i32
      %convert_element_type3A_82 = arith.extui %lt3A_81 : i1 to i32
      %cond3A_83 = arith.constant 0 : i32
      %cond3A_84 = arith.cmpi ne, %convert_element_type3A_82, %cond3A_83 : i32
      scf.if %cond3A_84 {
        %add3A_89 = arith.constant 2 : i32
        %add3A_90 = arith.addi %add3A_60, %add3A_89 : i32
        %mul3A_91 = arith.constant 416 : i32
        %mul3A_92 = arith.muli %add3A_90, %mul3A_91 : i32
        %dma_start3A_93 = tpu.memref_slice %arg5[%mul3A_92] : memref<41600xi32, #tpu.memory_space<vmem>> -> memref<416xi32, #tpu.memory_space<vmem>>
        %dma_start3A_94 = arith.constant 0 : i32
        %dma_start3A_95 = arith.constant 0 : i32
        %dma_start3A_96 = tpu.memref_slice %arg2[%dma_start3A_94, %dma_start3A_95] : memref<1000000x64xf32, #tpu.memory_space<hbm>> -> memref<1000000x64xf32, #tpu.memory_space<hbm>>
        tpu.enqueue_indirect_dma source(%dma_start3A_96 : memref<1000000x64xf32, #tpu.memory_space<hbm>>) target(%arg7 : memref<416x64xf32, #tpu.memory_space<vmem>>) offsets(%dma_start3A_93 : memref<416xi32, #tpu.memory_space<vmem>>) semaphore(%arg11 : memref<!tpu.dma_semaphore, #tpu.memory_space<semaphore_mem>>)
      } else {
      }
      %dma_start3A_85 = arith.constant 0 : i32
      %dma_start3A_86 = tpu.memref_slice %arg4[%add3A_63, %dma_start3A_85] : memref<51200x64xf32, #tpu.memory_space<hbm>> -> memref<16x64xf32, #tpu.memory_space<hbm>>
      %dma_start3A_87 = arith.constant 0 : i32
      %dma_start3A_88 = tpu.memref_slice %arg4[%add3A_63, %dma_start3A_87] : memref<51200x64xf32, #tpu.memory_space<hbm>> -> memref<16x64xf32, #tpu.memory_space<hbm>>
      tpu.enqueue_dma source(%arg9 : memref<16x64xf32, #tpu.memory_space<vmem>>) target(%dma_start3A_88 : memref<16x64xf32, #tpu.memory_space<hbm>>) target_semaphore(%arg13 : memref<!tpu.dma_semaphore, #tpu.memory_space<semaphore_mem>>)
    }
    %scan3A_17 = arith.constant 50 : i32
    %dma_wait3A = arith.constant 0 : i32
    %dma_wait3A_18 = tpu.memref_slice %arg4[%mul3A_2, %dma_wait3A] : memref<51200x64xf32, #tpu.memory_space<hbm>> -> memref<16x64xf32, #tpu.memory_space<hbm>>
    %dma_wait3A_19 = arith.constant 0 : i32
    %dma_wait3A_20 = tpu.memref_slice %arg4[%mul3A_2, %dma_wait3A_19] : memref<51200x64xf32, #tpu.memory_space<hbm>> -> memref<16x64xf32, #tpu.memory_space<hbm>>
    tpu.wait_dma2 semaphore(%arg12 : memref<!tpu.dma_semaphore, #tpu.memory_space<semaphore_mem>>) src(%arg8 : memref<16x64xf32, #tpu.memory_space<vmem>>) dst(%dma_wait3A_20 : memref<16x64xf32, #tpu.memory_space<hbm>>)
    %dma_wait3A_21 = arith.constant 0 : i32
    %dma_wait3A_22 = tpu.memref_slice %arg4[%mul3A_2, %dma_wait3A_21] : memref<51200x64xf32, #tpu.memory_space<hbm>> -> memref<16x64xf32, #tpu.memory_space<hbm>>
    %dma_wait3A_23 = arith.constant 0 : i32
    %dma_wait3A_24 = tpu.memref_slice %arg4[%mul3A_2, %dma_wait3A_23] : memref<51200x64xf32, #tpu.memory_space<hbm>> -> memref<16x64xf32, #tpu.memory_space<hbm>>
    tpu.wait_dma2 semaphore(%arg13 : memref<!tpu.dma_semaphore, #tpu.memory_space<semaphore_mem>>) src(%arg9 : memref<16x64xf32, #tpu.memory_space<vmem>>) dst(%dma_wait3A_24 : memref<16x64xf32, #tpu.memory_space<hbm>>)
    return
  }
}

</mosaic_0001>

<sc_bundles>
// kernel: _embed_sum.4.cloned.1.call-start
scs
__scs_entry_jumppad:
0x0: {  	(pc) =	sbr.rel $0x88, $3  }
0x1: {  	(tag) =	ssettag $0x0;
	lr =	simm.s32 $0x1  }
0x2: {  	[smem:$0x3F9F] =	sst lr;
	_ =	strace $0xD0000000  }
0x3: {  	_ = 	snop  }
0x4: {  	_ = 	snop  }
0x5: {  	_ = 	snop  }
0x6: {  	_ = 	snop  }
0x7: {  	_ = 	snop  }
__scs_overlays_trampoline_lowered:
0x8: {  	[smem:$0x3FAE] =	sst s0  }
0x9: {  	[smem:$0x3FAF] =	sst s1  }
0xa: {  	[smem:$0x3FB0] =	sst s2  }
0xb: {  	[smem:$0x3FB1] =	sst s3  }
0xc: {  	[smem:$0x3FB2] =	sst s4  }
0xd: {  	[smem:$0x3FB3] =	sst s5  }
0xe: {  	[smem:$0x3FB4] =	sst s6  }
0xf: {  	[smem:$0x3FB5] =	sst s7  }
0x10: {  	[smem:$0x3FB6] =	sst s8  }
0x11: {  	[smem:$0x3FB7] =	sst s9;
	s0 =	simm.s32 @!p0 $0x0  }
0x12: {  	s1 =	sld [smem:$0x3F9D];
	s0 =	simm.s32 @p0 $0x1  }
0x13: {  	[smem:$0x3FB8] =	sst s0;
	s0 =	simm.s32 @!p1 $0x0  }
0x14: {  	s2 =	sld [smem:$0x3F9C];
	s0 =	simm.s32 @p1 $0x1  }
0x15: {  	[smem:$0x3FB9] =	sst s0;
	s0 =	simm.s32 @!p2 $0x0  }
0x16: {  	s3 =	sld [smem:$0x3FDB];
	s0 =	simm.s32 @p2 $0x1  }
0x17: {  	s4 =	simm.s32 $0x1BF5;
	[smem:$0x3FBB] =	sst s0  }
0x18: {  	s0 =	sld [smem:$0x3F9E];
	_ =	swait.ge [sflag:s4], $0x0  }
0x19: {  	s7 =	sld [smem:$0x3F9F]  }
0x1a: {  	s8 =	sadd.s32 $0xFFFFE003, lr  }
0x1b: {  	s9 =	sadd.s32 $0xFFFFFEF7, lr;
	s5 =	simm.s32 $0xFFFFFFFF;
	p2 =	slt.u32 s8, $0xFFFFF086  }
0x1c: {  	p1 =	slt.u32 s9, $0xF7A;
	s5 =	simm.s32 @!p2 $0x0  }
0x1d: {  	s5 =	simm.s32 @p1 $0x1;
	p0 =	seq.s32 s7, s2  }
0x1e: {  	s7 =	smul.u32 @!p0 $0xF7A, s2;
	p2 =	seq.s32 @!p0 s5, $0x0  }
0x1f: {  	s9 =	smul.u32 $0xF7A, s1;
	s8 =	simm.s32 @!p0 $0x1BF5;
	p2 =	por !p2, p0  }
0x20: {  	[sflag:s8] =	ssyncset.s32 @!p0 $0xFFFFF086;
	s6 =	sadd.s32 @!p0 s3, s7;
	s7 =	simm.s32 @!p0 $0x108  }
0x21: {  	s3 =	sadd.s32 s3, s9;
	s6 =	sadd.s32 @!p0 $0x88, s6;
	s7 =	simm.s32 @p2 $0x1082  }
0x22: {  	[simem:s7], [sflag:s8] =	dma.local @!p0 [hbm:s6], $0xF7A  }
0x23: {  	s9 =	sor.u32 $0xD0000000, s2;
	s6 =	simm.s32 $0x108;
	_ =	swait.ge @!p0 [sflag:s8], $0x0  }
0x24: {  	s3 =	sadd.s32 $0x88, s3;
	s6 =	simm.s32 @!p1 $0x1082;
	[sflag:s4] =	ssyncset.s32 $0xFFFFF086  }
0x25: {  	[simem:s6], [sflag:s4] =	dma.local [hbm:s3], $0xF7A  }
0x26: {  	[smem:$0x3F9F] =	sst s1;
	(tag) =	ssettag s2;
	_ =	strace s9  }
0x27: {  	s1 =	sld [smem:$0x3FAF]  }
0x28: {  	s2 =	sld [smem:$0x3FB0]  }
0x29: {  	s4 =	sld [smem:$0x3FB2]  }
0x2a: {  	p0 =	seq.s32 s5, $0x0;
	s5 =	sld [smem:$0x3FB3]  }
0x2b: {  	s6 =	sld [smem:$0x3FB4]  }
0x2c: {  	s7 =	sld [smem:$0x3FB5]  }
0x2d: {  	s3 =	simm.s32 $0x108;
	s8 =	sld [smem:$0x3FB6]  }
0x2e: {  	s3 =	simm.s32 @!p0 $0x1082;
	s9 =	sld [smem:$0x3FB7]  }
0x2f: {  	lr =	sadd.s32 s0, s3;
	s0 =	sld [smem:$0x3FAE]  }
0x30: {  	s3 =	sld [smem:$0x3FB1]  }
0x31: {  	[smem:$0x3FBA] =	sst s10  }
0x32: {  	s10 =	sld [smem:$0x3FB8];
	_ =	sdelay $0x3  }
0x33: {  	p0 =	seq.s32 s10, $0x1;
	s10 =	sld [smem:$0x3FBA];
	_ =	sdelay $0x3  }
0x34: {  	[smem:$0x3FBA] =	sst s10  }
0x35: {  	s10 =	sld [smem:$0x3FB9];
	_ =	sdelay $0x3  }
0x36: {  	p1 =	seq.s32 s10, $0x1;
	s10 =	sld [smem:$0x3FBA];
	_ =	sdelay $0x3  }
0x37: {  	[smem:$0x3FBA] =	sst s10  }
0x38: {  	s10 =	sld [smem:$0x3FBB]  }
0x39: {  	_ = 	snop;
	(pc) =	sbr.ind lr, $3  }
0x3a: {  	_ = 	snop  }
0x3b: {  	_ = 	snop  }
0x3c: {  	p2 =	seq.s32 s10, $0x1;
	s10 =	sld [smem:$0x3FBA]  }
0x3d: {  	_ =	shalt  }
0x3e: {  	_ =	shalt  }
0x3f: {  	_ =	shalt  }
0x40: {  	_ =	shalt  }
0x41: {  	_ =	shalt  }
0x42: {  	_ =	shalt  }
0x43: {  	_ =	shalt  }
0x44: {  	_ =	shalt  }
0x45: {  	_ =	shalt  }
0x46: {  	_ =	shalt  }
0x47: {  	_ =	shalt  }
0x48: {  	_ =	shalt  }
0x49: {  	_ =	shalt  }
0x4a: {  	_ =	shalt  }
0x4b: {  	_ =	shalt  }
0x4c: {  	_ =	shalt  }
0x4d: {  	_ =	shalt  }
0x4e: {  	_ =	shalt  }
0x4f: {  	_ =	shalt  }
0x50: {  	_ =	shalt  }
0x51: {  	_ =	shalt  }
0x52: {  	_ =	shalt  }
0x53: {  	_ =	shalt  }
0x54: {  	_ =	shalt  }
0x55: {  	_ =	shalt  }
0x56: {  	_ =	shalt  }
0x57: {  	_ =	shalt  }
0x58: {  	_ =	shalt  }
0x59: {  	_ =	shalt  }
0x5a: {  	_ =	shalt  }
0x5b: {  	_ =	shalt  }
0x5c: {  	_ =	shalt  }
0x5d: {  	_ =	shalt  }
0x5e: {  	_ =	shalt  }
0x5f: {  	_ =	shalt  }
0x60: {  	_ =	shalt  }
0x61: {  	_ =	shalt  }
0x62: {  	_ =	shalt  }
0x63: {  	_ =	shalt  }
0x64: {  	_ =	shalt  }
0x65: {  	_ =	shalt  }
0x66: {  	_ =	shalt  }
0x67: {  	_ =	shalt  }
0x68: {  	_ =	shalt  }
0x69: {  	_ =	shalt  }
0x6a: {  	_ =	shalt  }
0x6b: {  	_ =	shalt  }
0x6c: {  	_ =	shalt  }
0x6d: {  	_ =	shalt  }
0x6e: {  	_ =	shalt  }
0x6f: {  	_ =	shalt  }
0x70: {  	_ =	shalt  }
0x71: {  	_ =	shalt  }
0x72: {  	_ =	shalt  }
0x73: {  	_ =	shalt  }
0x74: {  	_ =	shalt  }
0x75: {  	_ =	shalt  }
0x76: {  	_ =	shalt  }
0x77: {  	_ =	shalt  }
0x78: {  	_ =	shalt  }
0x79: {  	_ =	shalt  }
0x7a: {  	_ =	shalt  }
0x7b: {  	_ =	shalt  }
0x7c: {  	_ =	shalt  }
0x7d: {  	_ =	shalt  }
0x7e: {  	_ =	shalt  }
0x7f: {  	_ =	shalt  }
0x80: {  	_ =	shalt  }
0x81: {  	_ =	shalt  }
0x82: {  	_ =	shalt  }
0x83: {  	_ =	shalt  }
0x84: {  	_ =	shalt  }
0x85: {  	_ =	shalt  }
0x86: {  	_ =	shalt  }
0x87: {  	_ =	shalt  }
.Lfunc_end0:
.L_simem_size_0:
called_computation_lowered:
.L_overlay_start_0:
0x88: {  	s2 =	sld [smem:$0x3FD9]  }
0x89: {  	s3 =	sld [smem:$0x3FFE];
	_ =	sdelay $0x1  }
0x8a: {  	s1 =	srdreg.scid  }
0x8b: {  	s0 =	sand.u32 $0x1, s1  }
0x8c: {  	s16 =	sshll.u32 s0, $0xA;
	s2 =	sadd.s32 s3, s2  }
0x8d: {  	s2 =	sadd.s32 s2, s16  }
0x8e: {  	[smem:$0x3FC6] =	sst s2  }
0x8f: {  	_ = 	snop  }
0x90: {  	(tm) =	ssettm $0x1  }
0x91: {  	s17 =	sld [smem:$0x3FFB];
	_ =	sdelay $0x3  }
0x92: {  	_ =	strace s17  }
0x93: {  	s2 =	sld [smem:$0x3FFC];
	_ =	sdelay $0x3  }
0x94: {  	_ =	strace s2  }
0x95: {  	s2 =	sld [smem:$0x3FFD];
	_ =	sdelay $0x3  }
0x96: {  	_ =	strace s2  }
0x97: {  	_ =	strace $0x8FFFFFFF  }
0x98: {  	s18 =	sld [smem:$0x3FDB];
	_ =	sdelay $0x1  }
0x99: {  	s19 =	simm.s32 $_scs_section_size  }
0x9a: {  	s4 =	simm.s32 $_size__tile_overlayer_lowered;
	s5 =	simm.s32 $_tile_overlayer_lowered  }
0x9b: {  	s22 =	simm.s32 $0x1BFF;
	s21 =	sshll.u32 s5, $0x1;
	s2 =	sadd.s32 s19, s18  }
0x9c: {  	s6 =	simm.s32 $0x0;
	s20 =	sshll.u32 s4, $0x1;
	s4 =	sadd.s32 s21, s2  }
0x9d: {  	[timem:s6], [sflag:s22] =	dma.local [hbm:s4], s20  }
0x9e: {  	_ =	swait.ge [sflag:s22], s20  }
0x9f: {  	s3 =	ssub.s32 $0x0, s20;
	[sflag:s22] =	ssyncset.done $0x0  }
0xa0: {  	[sflag:s22] =	ssyncadd.s32 s3;
	_ =	sdelay $0x1  }
0xa1: {  	s23 =	simm.s32 $0x1B8B  }
0xa2: {  	_ =	swait.ge [sflag:s23], $0x1  }
0xa3: {  	[sflag:s23] =	ssyncset.done $0x0  }
0xa4: {  	s25 =	simm.s32 $0x1B8E;
	s24 =	sld [smem:$0x3FFE];
	[sflag:s23] =	ssyncadd.s32 $0xFFFFFFFF  }
0xa5: {  	s26 =	simm.s32 $execute0_lowered;
	[smem:$0x3FD2] =	sst s25  }
0xa6: {  	s4 =	sshll.u32 s26, $0x1;
	_ =	strace $0x80000046;
	[dreg:$0x1] =	wrdreg $0xFFFFFFFF  }
0xa7: {  	s28 =	simm.s32 $_size_execute0_lowered;
	s2 =	sadd.s32 s2, s4;
	[dreg:$0x0] =	wrdreg $0x0  }
0xa8: {  	s4 =	sshll.u32 s28, $0x1;
	[dreg:$0x2] =	wrdreg s2  }
0xa9: {  	[dreg:$0x3] =	wrdreg s4  }
0xaa: {  	[dreg:$0x4] =	wrdreg $0xC0  }
0xab: {  	_ =	task [dreg:s6], $0x5FFFF  }
0xac: {  	[dreg:$0x1] =	wrdreg $0xFFFFFFFF  }
0xad: {  	[dreg:$0x0] =	wrdreg $0x60  }
0xae: {  	[dreg:$0x2] =	wrdreg s24  }
0xaf: {  	[dreg:$0x3] =	wrdreg $0x9  }
0xb0: {  	_ =	task.clear_ibuf [dreg:s6], $0x4FFFF;
	_ =	strace $0x90000046  }
0xb1: {  	s29 =	simm.s32 $0x9;
	_ =	strace $0x80000048  }
0xb2: {  	_ =	swait.ge [sflag:s29], $0x1  }
0xb3: {  	[sflag:s29] =	ssyncadd.s32 $0xFFFFFFFF  }
0xb4: {  	_ =	strace $0x90000048  }
0xb5: {  	_ =	sfence  }
0xb6: {  	s30 =	sld [smem:$0x0];
	_ =	sdelay $0x2  }
0xb7: {  	s31 =	sshll.u32 s1, $0xD;
	s1 =	sshrl.u32 s1, $0x2  }
0xb8: {  	s3 =	sand.u32 $0x4000, s31;
	s1 =	sadd.s32 s1, s30  }
0xb9: {  	s0 =	sor.u32 s3, s0;
	s1 =	sshll.u32 s1, $0x11  }
0xba: {  	s0 =	sor.u32 s1, s0  }
0xbb: {  	s0 =	sadd.s32 $0x8F2B, s0  }
0xbc: {  	[sflag:s0] =	ssyncadd.remote.s32 $0x1  }
0xbd: {  	_ =	sfence.sel $0xFFFF  }
0xbe: {  	[dreg:$0x0] =	wrdreg $0xFFFFFFFF;
	(pc) =	sbr.abs _section_cstart, $3  }
0xbf: {  	[dreg:$0x1] =	wrdreg $0xFFFFFFFF  }
0xc0: {  	_ =	task.clear_ibuf [dreg:s6], $0x2FFFF;
	_ =	strace $0x9FFFFFFF  }
0xc1: {  	(tm) =	ssettm $0x7FFFFFFF  }
tec
execute0_lowered:
.L_overlay_start_1:
0x0: {  	(tag) =	ssettag $0x1  }
0x1: {  	s2 =	rddreg [dreg:$0x0]  }
0x2: {  	s0 =	rddreg [dreg:$0x1];
	s1 =	simm.s32 $0x0  }
0x3: {  	s3 =	srdreg.scid;
	s8 =	simm.s32 $0x1;
	s9 =	simm.s32 $0x3800  }
0x4: {  	s10 =	simm.s32 $0x0;
	[smem:$0x7FF] =	sst s1;
	s5 =	sand.u32 $0x1, s3  }
0x5: {  	s3 =	sadd.s32 $0x800, s2;
	s4 =	sadd.s32 $0xE0800, s2;
	s6 =	ssub.s32 $0x2, s5  }
0x6: {  	s2 =	stileid.u32;
	_ =	strace $0x80000047;
	s7 =	sshrl.u32 s6, $0x1  }
0x7: {  	s31 =	sshll.u32 s2, $0x6;
	s5 =	sshll.u32 s5, $0x5;
	s6 =	ssub.s32 s6, s7  }
0x8: {  	s5 =	sor.u32 s5, s31;
	s7 =	simm.s32 $0x1C00;
	s6 =	smax.u32 s6, $0x1  }
.LBB2_1:
0x9: {  	s11 =	simm.s32 $0x0  }
.LBB2_2:
0xa: {  	s12 =	sshll.u32 s11, $0x1  }
0xb: {  	s12 =	sadd.s32 s5, s12  }
0xc: {  	s13 =	smul.u32 $0x380, s12;
	_ =	sdelay $0x1  }
0xd: {  	s16 =	simm.s32 $0x0;
	s13 =	sadd.s32 s3, s13  }
0xe: {  	[tilespmem:s16], [sflag:$0x1] =	stream.linear.gather [hbm4b:s13+s16], $0x1900, $0x38;
	[tilespmem:$0x4280] =	vst v63  }
0xf: {  	s13 =	sadd.s32 $0x380, s13  }
0x10: {  	[tilespmem:s7], [sflag:$0x1] =	stream.linear.gather [hbm4b:s13+s16], $0x1900, $0x38;
	[tilespmem:$0x4280] =	vst v63  }
0x11: {  	_ =	swait.ge [sflag:s8], $0x3200  }
0x12: {  	[sflag:s8] =	ssyncset.done $0x0  }
0x13: {  	[sflag:s8] =	ssyncadd.s32 $0xFFFFCE00  }
0x14: {  	v0 =	vld [tilespmem:s16+$0x0];
	_ =	sdelay $0x3  }
0x15: {  	s14 =	simm.s32 $0x80;
	s13 =	simm.s32 $0x0  }
0x16: {  	v1 =	vld [tilespmem:s14+$0x0];
	[tilespmem:s13+$0x3800] =	vst v0  }
0x17: {  	v0 =	vld [tilespmem:s16+$0xA];
	_ =	sdelay $0x2  }
0x18: {  	s18 =	simm.s32 $0x1A  }
0x19: {  	s15 =	simm.s32 $0xD0;
	s17 =	simm.s32 $0x0;
	[tilespmem:s18+$0x3800] =	vst v1;
	s16 =	simm.s32 $0x100  }
.LBB2_3:
0x1a: {  	v1 =	vld [tilespmem:s16+$0x0];
	[tilespmem:s17+$0x380A] =	vst v0;
	s19 =	smov.u32 s15;
	s17 =	smov.u32 s18;
	p0 =	sne.s32 s15, $0x13E8  }
.Ltmp0:
0x1b: {  	s15 =	sadd.s32 $0x68, s15;
	v0 =	vld [tilespmem:s14+$0xA];
	(pc) =	sbr.rel @p0 .LBB2_3-.Ltmp0, $3  }
0x1c: {  	s14 =	smov.u32 s16;
	_ =	sdelay $0x1  }
0x1d: {  	s18 =	sshra.s32 s19, $0x2  }
0x1e: {  	s16 =	sadd.s32 $0x80, s16;
	[tilespmem:s18+$0x3800] =	vst v1  }
0x1f: {  	v1 =	vld [tilespmem:s14+$0xA];
	_ =	sdelay $0x3  }
0x20: {  	[tilespmem:s17+$0x380A] =	vst v0  }
0x21: {  	s31 =	simm.s32 $0x1C00;
	[tilespmem:s18+$0x380A] =	vst v1  }
0x22: {  	v0 =	vld [tilespmem:s31+$0x0];
	_ =	sdelay $0x3  }
0x23: {  	s14 =	simm.s32 $0x1C80  }
0x24: {  	v1 =	vld [tilespmem:s14+$0x0];
	[tilespmem:s13+$0x3D14] =	vst v0  }
0x25: {  	v0 =	vld [tilespmem:s31+$0xA];
	_ =	sdelay $0x2  }
0x26: {  	s16 =	simm.s32 $0x1A  }
0x27: {  	s15 =	simm.s32 $0xD0;
	s17 =	simm.s32 $0x1D00;
	[tilespmem:s16+$0x3D14] =	vst v1  }
.LBB2_5:
0x28: {  	v1 =	vld [tilespmem:s17+$0x0];
	[tilespmem:s13+$0x3D1E] =	vst v0;
	s18 =	smov.u32 s15;
	s13 =	smov.u32 s16;
	p0 =	sne.s32 s15, $0x13E8  }
.Ltmp1:
0x29: {  	s15 =	sadd.s32 $0x68, s15;
	v0 =	vld [tilespmem:s14+$0xA];
	(pc) =	sbr.rel @p0 .LBB2_5-.Ltmp1, $3  }
0x2a: {  	s14 =	smov.u32 s17;
	_ =	sdelay $0x1  }
0x2b: {  	s16 =	sshra.s32 s18, $0x2  }
0x2c: {  	s17 =	sadd.s32 $0x80, s17;
	[tilespmem:s16+$0x3D14] =	vst v1  }
0x2d: {  	v1 =	vld [tilespmem:s14+$0xA];
	_ =	sdelay $0x1  }
0x2e: {  	s12 =	smul.u32 $0x514, s12  }
0x2f: {  	s11 =	sadd.s32 $0x1, s11  }
0x30: {  	[tilespmem:s13+$0x3D1E] =	vst v0;
	p0 =	sne.s32 s11, $0x10;
	s12 =	sshrl.u32 s12, $0x3  }
.Ltmp2:
0x31: {  	s12 =	sadd.s32 s4, s12;
	[tilespmem:s16+$0x3D1E] =	vst v1;
	(pc) =	sbr.rel @p0 .LBB2_2-.Ltmp2, $4  }
0x32: {  	[hbm4b:s12+s1] =	stream.linear.scatter [tilespmem:s9], [sflag:$0x1], $0xA28, $0x38;
	[tilespmem:$0x4280] =	vst v63  }
0x33: {  	_ =	swait.ge [sflag:s8], $0xA28  }
0x34: {  	[sflag:s8] =	ssyncset.done $0x0  }
0x35: {  	[sflag:s8] =	ssyncadd.s32 $0xFFFFF5D8  }
0x36: {  	s10 =	sadd.s32 $0x1, s10  }
0x37: {  	p0 =	sne.s32 s10, s6  }
.Ltmp3:
0x38: {  	_ = 	snop;
	(pc) =	sbr.rel @p0 .LBB2_1-.Ltmp3, $1  }
0x39: {  	_ =	sdelay $0x3  }
0x3a: {  	_ =	sfence.sel $0x180000  }
0x3b: {  	[bflag:$0x0] =	sbarrier.arrive $0xFFFF  }
0x3c: {  	p0 =	sne.s32 s2, $0x0;
	_ =	strace $0x90000047  }
0x3d: {  	s0 =	sadd.s32 @!p0 $0x100000, s0;
	[bflag:$0x2] =	sbarrier.arrive $0xFFFF  }
0x3e: {  	[sflag:s0] =	ssyncadd.tile.s32 @!p0 $0x1;
	_ =	shalt  }
.Lfunc_end2:
_tile_overlayer_lowered:
.L_overlay_start_2:
0x3f: {  	(tag) =	ssettag $0x2  }
0x40: {  	s0 =	rddreg [dreg:$0x0];
	s2 =	stileid.u32  }
0x41: {  	s1 =	rddreg [dreg:$0x1];
	p0 =	sne.s32 s2, $0x0  }
0x42: {  	s3 =	rddreg [dreg:$0x2];
	[bflag:$0x3] =	sbarrier.arrive $0xFFFF;
	s2 =	simm.s32 @!p0 $0x1C01  }
0x43: {  	[timem:s3], [sflag:s2] =	dma.local @!p0 [hbm:s0], s1  }
0x44: {  	s0 =	simm.s32 @!p0 $0x1  }
0x45: {  	_ =	swait.ge @!p0 [sflag:s0], s1  }
0x46: {  	s1 =	ssub.s32 @!p0 $0x0, s1;
	[sflag:s0] =	ssyncset.done @!p0 $0x0  }
0x47: {  	[sflag:s0] =	ssyncadd.s32 @!p0 s1  }
0x48: {  	[bflag:$0x3] =	sbarrier.arrive $0xFFFF  }
0x49: {  	_ =	shalt  }

// kernel: _embed_sum.7.cloned.1.call-start
scs
__scs_entry_jumppad:
0x0: {  	(pc) =	sbr.rel $0x88, $3  }
0x1: {  	(tag) =	ssettag $0x0;
	lr =	simm.s32 $0x1  }
0x2: {  	[smem:$0x3F9F] =	sst lr;
	_ =	strace $0xD0000000  }
0x3: {  	_ = 	snop  }
0x4: {  	_ = 	snop  }
0x5: {  	_ = 	snop  }
0x6: {  	_ = 	snop  }
0x7: {  	_ = 	snop  }
__scs_overlays_trampoline_lowered:
0x8: {  	[smem:$0x3FAE] =	sst s0  }
0x9: {  	[smem:$0x3FAF] =	sst s1  }
0xa: {  	[smem:$0x3FB0] =	sst s2  }
0xb: {  	[smem:$0x3FB1] =	sst s3  }
0xc: {  	[smem:$0x3FB2] =	sst s4  }
0xd: {  	[smem:$0x3FB3] =	sst s5  }
0xe: {  	[smem:$0x3FB4] =	sst s6  }
0xf: {  	[smem:$0x3FB5] =	sst s7  }
0x10: {  	[smem:$0x3FB6] =	sst s8  }
0x11: {  	[smem:$0x3FB7] =	sst s9;
	s0 =	simm.s32 @!p0 $0x0  }
0x12: {  	s1 =	sld [smem:$0x3F9D];
	s0 =	simm.s32 @p0 $0x1  }
0x13: {  	[smem:$0x3FB8] =	sst s0;
	s0 =	simm.s32 @!p1 $0x0  }
0x14: {  	s2 =	sld [smem:$0x3F9C];
	s0 =	simm.s32 @p1 $0x1  }
0x15: {  	[smem:$0x3FB9] =	sst s0;
	s0 =	simm.s32 @!p2 $0x0  }
0x16: {  	s3 =	sld [smem:$0x3FDB];
	s0 =	simm.s32 @p2 $0x1  }
0x17: {  	s4 =	simm.s32 $0x1BF5;
	[smem:$0x3FBB] =	sst s0  }
0x18: {  	s0 =	sld [smem:$0x3F9E];
	_ =	swait.ge [sflag:s4], $0x0  }
0x19: {  	s7 =	sld [smem:$0x3F9F]  }
0x1a: {  	s8 =	sadd.s32 $0xFFFFE003, lr  }
0x1b: {  	s9 =	sadd.s32 $0xFFFFFEF7, lr;
	s5 =	simm.s32 $0xFFFFFFFF;
	p2 =	slt.u32 s8, $0xFFFFF086  }
0x1c: {  	p1 =	slt.u32 s9, $0xF7A;
	s5 =	simm.s32 @!p2 $0x0  }
0x1d: {  	s5 =	simm.s32 @p1 $0x1;
	p0 =	seq.s32 s7, s2  }
0x1e: {  	s7 =	smul.u32 @!p0 $0xF7A, s2;
	p2 =	seq.s32 @!p0 s5, $0x0  }
0x1f: {  	s9 =	smul.u32 $0xF7A, s1;
	s8 =	simm.s32 @!p0 $0x1BF5;
	p2 =	por !p2, p0  }
0x20: {  	[sflag:s8] =	ssyncset.s32 @!p0 $0xFFFFF086;
	s6 =	sadd.s32 @!p0 s3, s7;
	s7 =	simm.s32 @!p0 $0x108  }
0x21: {  	s3 =	sadd.s32 s3, s9;
	s6 =	sadd.s32 @!p0 $0x88, s6;
	s7 =	simm.s32 @p2 $0x1082  }
0x22: {  	[simem:s7], [sflag:s8] =	dma.local @!p0 [hbm:s6], $0xF7A  }
0x23: {  	s9 =	sor.u32 $0xD0000000, s2;
	s6 =	simm.s32 $0x108;
	_ =	swait.ge @!p0 [sflag:s8], $0x0  }
0x24: {  	s3 =	sadd.s32 $0x88, s3;
	s6 =	simm.s32 @!p1 $0x1082;
	[sflag:s4] =	ssyncset.s32 $0xFFFFF086  }
0x25: {  	[simem:s6], [sflag:s4] =	dma.local [hbm:s3], $0xF7A  }
0x26: {  	[smem:$0x3F9F] =	sst s1;
	(tag) =	ssettag s2;
	_ =	strace s9  }
0x27: {  	s1 =	sld [smem:$0x3FAF]  }
0x28: {  	s2 =	sld [smem:$0x3FB0]  }
0x29: {  	s4 =	sld [smem:$0x3FB2]  }
0x2a: {  	p0 =	seq.s32 s5, $0x0;
	s5 =	sld [smem:$0x3FB3]  }
0x2b: {  	s6 =	sld [smem:$0x3FB4]  }
0x2c: {  	s7 =	sld [smem:$0x3FB5]  }
0x2d: {  	s3 =	simm.s32 $0x108;
	s8 =	sld [smem:$0x3FB6]  }
0x2e: {  	s3 =	simm.s32 @!p0 $0x1082;
	s9 =	sld [smem:$0x3FB7]  }
0x2f: {  	lr =	sadd.s32 s0, s3;
	s0 =	sld [smem:$0x3FAE]  }
0x30: {  	s3 =	sld [smem:$0x3FB1]  }
0x31: {  	[smem:$0x3FBA] =	sst s10  }
0x32: {  	s10 =	sld [smem:$0x3FB8];
	_ =	sdelay $0x3  }
0x33: {  	p0 =	seq.s32 s10, $0x1;
	s10 =	sld [smem:$0x3FBA];
	_ =	sdelay $0x3  }
0x34: {  	[smem:$0x3FBA] =	sst s10  }
0x35: {  	s10 =	sld [smem:$0x3FB9];
	_ =	sdelay $0x3  }
0x36: {  	p1 =	seq.s32 s10, $0x1;
	s10 =	sld [smem:$0x3FBA];
	_ =	sdelay $0x3  }
0x37: {  	[smem:$0x3FBA] =	sst s10  }
0x38: {  	s10 =	sld [smem:$0x3FBB]  }
0x39: {  	_ = 	snop;
	(pc) =	sbr.ind lr, $3  }
0x3a: {  	_ = 	snop  }
0x3b: {  	_ = 	snop  }
0x3c: {  	p2 =	seq.s32 s10, $0x1;
	s10 =	sld [smem:$0x3FBA]  }
0x3d: {  	_ =	shalt  }
0x3e: {  	_ =	shalt  }
0x3f: {  	_ =	shalt  }
0x40: {  	_ =	shalt  }
0x41: {  	_ =	shalt  }
0x42: {  	_ =	shalt  }
0x43: {  	_ =	shalt  }
0x44: {  	_ =	shalt  }
0x45: {  	_ =	shalt  }
0x46: {  	_ =	shalt  }
0x47: {  	_ =	shalt  }
0x48: {  	_ =	shalt  }
0x49: {  	_ =	shalt  }
0x4a: {  	_ =	shalt  }
0x4b: {  	_ =	shalt  }
0x4c: {  	_ =	shalt  }
0x4d: {  	_ =	shalt  }
0x4e: {  	_ =	shalt  }
0x4f: {  	_ =	shalt  }
0x50: {  	_ =	shalt  }
0x51: {  	_ =	shalt  }
0x52: {  	_ =	shalt  }
0x53: {  	_ =	shalt  }
0x54: {  	_ =	shalt  }
0x55: {  	_ =	shalt  }
0x56: {  	_ =	shalt  }
0x57: {  	_ =	shalt  }
0x58: {  	_ =	shalt  }
0x59: {  	_ =	shalt  }
0x5a: {  	_ =	shalt  }
0x5b: {  	_ =	shalt  }
0x5c: {  	_ =	shalt  }
0x5d: {  	_ =	shalt  }
0x5e: {  	_ =	shalt  }
0x5f: {  	_ =	shalt  }
0x60: {  	_ =	shalt  }
0x61: {  	_ =	shalt  }
0x62: {  	_ =	shalt  }
0x63: {  	_ =	shalt  }
0x64: {  	_ =	shalt  }
0x65: {  	_ =	shalt  }
0x66: {  	_ =	shalt  }
0x67: {  	_ =	shalt  }
0x68: {  	_ =	shalt  }
0x69: {  	_ =	shalt  }
0x6a: {  	_ =	shalt  }
0x6b: {  	_ =	shalt  }
0x6c: {  	_ =	shalt  }
0x6d: {  	_ =	shalt  }
0x6e: {  	_ =	shalt  }
0x6f: {  	_ =	shalt  }
0x70: {  	_ =	shalt  }
0x71: {  	_ =	shalt  }
0x72: {  	_ =	shalt  }
0x73: {  	_ =	shalt  }
0x74: {  	_ =	shalt  }
0x75: {  	_ =	shalt  }
0x76: {  	_ =	shalt  }
0x77: {  	_ =	shalt  }
0x78: {  	_ =	shalt  }
0x79: {  	_ =	shalt  }
0x7a: {  	_ =	shalt  }
0x7b: {  	_ =	shalt  }
0x7c: {  	_ =	shalt  }
0x7d: {  	_ =	shalt  }
0x7e: {  	_ =	shalt  }
0x7f: {  	_ =	shalt  }
0x80: {  	_ =	shalt  }
0x81: {  	_ =	shalt  }
0x82: {  	_ =	shalt  }
0x83: {  	_ =	shalt  }
0x84: {  	_ =	shalt  }
0x85: {  	_ =	shalt  }
0x86: {  	_ =	shalt  }
0x87: {  	_ =	shalt  }
.Lfunc_end0:
.L_simem_size_0:
called_computation.1_lowered:
.L_overlay_start_0:
0x88: {  	s2 =	sld [smem:$0x3FD9]  }
0x89: {  	s3 =	sld [smem:$0x3FFE];
	_ =	sdelay $0x1  }
0x8a: {  	s1 =	srdreg.scid  }
0x8b: {  	s0 =	sand.u32 $0x1, s1  }
0x8c: {  	s17 =	sshll.u32 s0, $0xA;
	s2 =	sadd.s32 s3, s2  }
0x8d: {  	s2 =	sadd.s32 s2, s17  }
0x8e: {  	[smem:$0x3FC6] =	sst s2  }
0x8f: {  	_ = 	snop  }
0x90: {  	s2 =	sld [smem:$0x3FD0];
	(tm) =	ssettm $0x1  }
0x91: {  	s18 =	sld [smem:$0x3FFB];
	_ =	sdelay $0x3  }
0x92: {  	_ =	strace s18  }
0x93: {  	s3 =	sld [smem:$0x3FFC];
	_ =	sdelay $0x3  }
0x94: {  	_ =	strace s3  }
0x95: {  	s3 =	sld [smem:$0x3FFD];
	_ =	sdelay $0x3  }
0x96: {  	_ =	strace s3  }
0x97: {  	_ =	strace $0x8FFFFFFF  }
0x98: {  	s19 =	sld [smem:$0x3FDB];
	_ =	sdelay $0x1  }
0x99: {  	s4 =	simm.s32 $_scs_section_size  }
0x9a: {  	s5 =	simm.s32 $_size__tile_overlayer_lowered;
	s6 =	simm.s32 $_tile_overlayer_lowered  }
0x9b: {  	s22 =	simm.s32 $0x1BFF;
	s21 =	sshll.u32 s6, $0x1;
	s3 =	sadd.s32 s4, s19  }
0x9c: {  	s7 =	simm.s32 $0x0;
	s20 =	sshll.u32 s5, $0x1;
	s5 =	sadd.s32 s21, s3  }
0x9d: {  	[timem:s7], [sflag:s22] =	dma.local [hbm:s5], s20  }
0x9e: {  	_ =	swait.ge [sflag:s22], s20  }
0x9f: {  	s4 =	ssub.s32 $0x0, s20;
	[sflag:s22] =	ssyncset.done $0x0  }
0xa0: {  	[sflag:s22] =	ssyncadd.s32 s4;
	_ =	sdelay $0x1  }
0xa1: {  	s23 =	simm.s32 $0x1B8B  }
0xa2: {  	_ =	swait.ge [sflag:s23], $0x1  }
0xa3: {  	[sflag:s23] =	ssyncset.done $0x0  }
0xa4: {  	s25 =	simm.s32 $0x1B8E;
	s24 =	sld [smem:$0x3FFE];
	[sflag:s23] =	ssyncadd.s32 $0xFFFFFFFF  }
0xa5: {  	s26 =	simm.s32 $execute0_lowered;
	[smem:$0x3FD2] =	sst s25  }
0xa6: {  	s5 =	sshll.u32 s26, $0x1;
	_ =	strace $0x80000049;
	[dreg:$0x1] =	wrdreg $0xFFFFFFFF  }
0xa7: {  	s28 =	simm.s32 $_size_execute0_lowered;
	s3 =	sadd.s32 s3, s5;
	[dreg:$0x0] =	wrdreg $0x0  }
0xa8: {  	s5 =	sshll.u32 s28, $0x1;
	[dreg:$0x2] =	wrdreg s3  }
0xa9: {  	[dreg:$0x3] =	wrdreg s5  }
0xaa: {  	[dreg:$0x4] =	wrdreg $0xC0  }
0xab: {  	_ =	task [dreg:s7], $0x5FFFF  }
0xac: {  	[dreg:$0x1] =	wrdreg $0xFFFFFFFF  }
0xad: {  	[dreg:$0x0] =	wrdreg $0x60  }
0xae: {  	[dreg:$0x2] =	wrdreg s24  }
0xaf: {  	[dreg:$0x3] =	wrdreg s2  }
0xb0: {  	[dreg:$0x4] =	wrdreg $0x9  }
0xb1: {  	_ =	task.clear_ibuf [dreg:s7], $0x5FFFF;
	_ =	strace $0x90000049  }
0xb2: {  	s29 =	simm.s32 $0x9;
	_ =	strace $0x8000004B  }
0xb3: {  	_ =	swait.ge [sflag:s29], $0x1  }
0xb4: {  	[sflag:s29] =	ssyncadd.s32 $0xFFFFFFFF  }
0xb5: {  	_ =	strace $0x9000004B  }
0xb6: {  	_ =	sfence  }
0xb7: {  	s30 =	sld [smem:$0x0];
	_ =	sdelay $0x2  }
0xb8: {  	s31 =	sshll.u32 s1, $0xD;
	s1 =	sshrl.u32 s1, $0x2  }
0xb9: {  	s3 =	sand.u32 $0x4000, s31;
	s1 =	sadd.s32 s1, s30  }
0xba: {  	s0 =	sor.u32 s3, s0;
	s1 =	sshll.u32 s1, $0x11  }
0xbb: {  	s0 =	sor.u32 s1, s0  }
0xbc: {  	s0 =	sadd.s32 $0x8F2B, s0  }
0xbd: {  	[sflag:s0] =	ssyncadd.remote.s32 $0x1  }
0xbe: {  	_ =	sfence.sel $0xFFFF  }
0xbf: {  	[dreg:$0x0] =	wrdreg $0xFFFFFFFF;
	(pc) =	sbr.abs _section_cstart, $3  }
0xc0: {  	[dreg:$0x1] =	wrdreg $0xFFFFFFFF  }
0xc1: {  	_ =	task.clear_ibuf [dreg:s7], $0x2FFFF;
	_ =	strace $0x9FFFFFFF  }
0xc2: {  	(tm) =	ssettm $0x7FFFFFFF  }
0xc3: {  	_ =	shalt  }
tec
execute0_lowered:
.L_overlay_start_1:
0x0: {  	(tag) =	ssettag $0x1  }
0x1: {  	s4 =	rddreg [dreg:$0x0];
	s1 =	srdreg.scid  }
0x2: {  	s0 =	stileid.u32;
	s2 =	rddreg [dreg:$0x1]  }
0x3: {  	s3 =	simm.s32 $0x0;
	s10 =	simm.s32 $0x1A0;
	s11 =	simm.s32 $0xA280  }
0x4: {  	s12 =	simm.s32 $0x10A80;
	s13 =	simm.s32 $0x1;
	s14 =	simm.s32 $0x17280  }
0x5: {  	s15 =	simm.s32 $0x2;
	s16 =	simm.s32 $0x17680;
	s17 =	simm.s32 $0x3  }
0x6: {  	s18 =	simm.s32 $0x4;
	s5 =	sand.u32 $0x1, s1;
	s6 =	sshll.u32 s0, $0x1  }
0x7: {  	s19 =	simm.s32 $0x0;
	s1 =	rddreg [dreg:$0x2];
	s6 =	sor.u32 s5, s6  }
0x8: {  	[smem:$0x7FF] =	sst s3;
	s5 =	ssub.s32 $0x2, s5;
	s7 =	smul.u32 $0x1450, s6  }
0x9: {  	_ =	strace $0x8000004A;
	s8 =	sshrl.u32 s5, $0x1;
	s9 =	smul.u32 $0x3200, s6  }
0xa: {  	s6 =	smul.u32 $0x19000, s6;
	s8 =	ssub.s32 s5, s8;
	s7 =	sadd.s32 s7, s4  }
0xb: {  	s4 =	sadd.s32 $0x104B600, s4;
	s31 =	sadd.s32 s9, s2;
	s9 =	simm.s32 $0x5  }
0xc: {  	s5 =	sadd.s32 $0xE0800, s7;
	s7 =	smax.u32 s8, $0x1;
	s8 =	sadd.s32 $0x80, s31  }
.LBB2_1:
0xd: {  	[tilespmem:s3], [sflag:$0x5] =	stream.linear.gather [hbm4b:s5+s3], $0xA280, $0x38;
	[tilespmem:$0x17A80] =	vst v63  }
0xe: {  	_ =	swait.ge [sflag:s9], $0xA280  }
0xf: {  	[sflag:s9] =	ssyncset.done $0x0  }
0x10: {  	[sflag:s9] =	ssyncadd.s32 $0xFFFF5D80  }
0x11: {  	[tilespmem:s11], [sflag:$0x1] =	stream.indirect.gather [hbm4b:s4+s10], $0x40, s3, s10, $0xb8;
	[tilespmem:$0x17A80] =	vst v63  }
0x12: {  	s20 =	simm.s32 $0x0  }
0x13: {  	[tilespmem:s12], [sflag:$0x2] =	stream.indirect.gather [hbm4b:s4+s10], $0x40, s10, s10, $0xb8;
	[tilespmem:$0x17A80] =	vst v63  }
.LBB2_2:
0x14: {  	p1 =	seq.s32 s20, $0x0  }
0x15: {  	s21 =	simm.s32 @!p1 $0x3  }
0x16: {  	_ =	swait.ge @!p1 [sflag:s21], $0x400  }
0x17: {  	[sflag:s21] =	ssyncset.done @!p1 $0x0  }
0x18: {  	[sflag:s21] =	ssyncadd.s32 @!p1 $0xFFFFFC00  }
0x19: {  	_ =	swait.ge [sflag:s13], $0x6800  }
0x1a: {  	[sflag:s13] =	ssyncset.done $0x0  }
0x1b: {  	s23 =	simm.s32 $0xA5C0;
	[sflag:s13] =	ssyncadd.s32 $0xFFFF9800  }
0x1c: {  	v0 =	vld [tilespmem:s23+$0xFFFFFCC0]  }
0x1d: {  	v1 =	vld [tilespmem:s23+$0xFFFFFD00];
	_ =	sdelay $0x1  }
0x1e: {  	v2 =	vld [tilespmem:s23+$0xFFFFFD40];
	_ =	sdelay $0x1  }
0x1f: {  	v3 =	vld [tilespmem:s23+$0xFFFFFD80]  }
0x20: {  	v0 =	vadd.f32 v1, v0  }
0x21: {  	v1 =	vld [tilespmem:s23+$0xFFFFFDC0]  }
0x22: {  	v0 =	vadd.f32 v2, v0  }
0x23: {  	v2 =	vld [tilespmem:s23+$0xFFFFFE00]  }
0x24: {  	v0 =	vadd.f32 v3, v0  }
0x25: {  	v3 =	vld [tilespmem:s23+$0xFFFFFE40]  }
0x26: {  	v0 =	vadd.f32 v1, v0  }
0x27: {  	v1 =	vld [tilespmem:s23+$0xFFFFFE80]  }
0x28: {  	v0 =	vadd.f32 v2, v0  }
0x29: {  	v2 =	vld [tilespmem:s23+$0xFFFFFEC0]  }
0x2a: {  	v0 =	vadd.f32 v3, v0  }
0x2b: {  	v3 =	vld [tilespmem:s23+$0xFFFFFF00]  }
0x2c: {  	v0 =	vadd.f32 v1, v0  }
0x2d: {  	v1 =	vld [tilespmem:s23+$0xFFFFFF40]  }
0x2e: {  	v0 =	vadd.f32 v2, v0  }
0x2f: {  	v2 =	vld [tilespmem:s23+$0xFFFFFF80]  }
0x30: {  	v0 =	vadd.f32 v3, v0  }
0x31: {  	v3 =	vld [tilespmem:s23+$0xFFFFFFC0]  }
0x32: {  	v0 =	vadd.f32 v1, v0  }
0x33: {  	v1 =	vld [tilespmem:s23+$0x0]  }
0x34: {  	v0 =	vadd.f32 v2, v0  }
0x35: {  	v2 =	vld [tilespmem:s23+$0x40]  }
0x36: {  	v0 =	vadd.f32 v3, v0  }
0x37: {  	v3 =	vld [tilespmem:s23+$0x80]  }
0x38: {  	v0 =	vadd.f32 v1, v0  }
0x39: {  	v1 =	vld [tilespmem:s23+$0xC0]  }
0x3a: {  	v0 =	vadd.f32 v2, v0  }
0x3b: {  	v2 =	vld [tilespmem:s23+$0x100]  }
0x3c: {  	v0 =	vadd.f32 v3, v0  }
0x3d: {  	v3 =	vld [tilespmem:s23+$0x140]  }
0x3e: {  	v0 =	vadd.f32 v1, v0  }
0x3f: {  	v1 =	vld [tilespmem:s23+$0x180]  }
0x40: {  	v0 =	vadd.f32 v2, v0  }
0x41: {  	v2 =	vld [tilespmem:s23+$0x1C0]  }
0x42: {  	v0 =	vadd.f32 v3, v0  }
0x43: {  	v3 =	vld [tilespmem:s23+$0x200]  }
0x44: {  	v0 =	vadd.f32 v1, v0  }
0x45: {  	v1 =	vld [tilespmem:s23+$0x240]  }
0x46: {  	v0 =	vadd.f32 v2, v0  }
0x47: {  	v2 =	vld [tilespmem:s23+$0x280]  }
0x48: {  	v0 =	vadd.f32 v3, v0  }
0x49: {  	v3 =	vld [tilespmem:s23+$0x2C0]  }
0x4a: {  	v0 =	vadd.f32 v1, v0  }
0x4b: {  	v1 =	vld [tilespmem:s23+$0x300]  }
0x4c: {  	v0 =	vadd.f32 v2, v0;
	_ =	sdelay $0x1  }
0x4d: {  	v0 =	vadd.f32 v3, v0;
	_ =	sdelay $0x1  }
0x4e: {  	v0 =	vadd.f32 v1, v0  }
0x4f: {  	s21 =	simm.s32 $0x0  }
0x50: {  	[tilespmem:s21+$0x17280] =	vst v0  }
0x51: {  	v0 =	vld [tilespmem:s23+$0xFFFFFCD0]  }
0x52: {  	v1 =	vld [tilespmem:s23+$0xFFFFFD10];
	_ =	sdelay $0x1  }
0x53: {  	v2 =	vld [tilespmem:s23+$0xFFFFFD50];
	_ =	sdelay $0x1  }
0x54: {  	v3 =	vld [tilespmem:s23+$0xFFFFFD90]  }
0x55: {  	v0 =	vadd.f32 v1, v0  }
0x56: {  	v1 =	vld [tilespmem:s23+$0xFFFFFDD0]  }
0x57: {  	v0 =	vadd.f32 v2, v0  }
0x58: {  	v2 =	vld [tilespmem:s23+$0xFFFFFE10]  }
0x59: {  	v0 =	vadd.f32 v3, v0  }
0x5a: {  	v3 =	vld [tilespmem:s23+$0xFFFFFE50]  }
0x5b: {  	v0 =	vadd.f32 v1, v0  }
0x5c: {  	v1 =	vld [tilespmem:s23+$0xFFFFFE90]  }
0x5d: {  	v0 =	vadd.f32 v2, v0  }
0x5e: {  	v2 =	vld [tilespmem:s23+$0xFFFFFED0]  }
0x5f: {  	v0 =	vadd.f32 v3, v0  }
0x60: {  	v3 =	vld [tilespmem:s23+$0xFFFFFF10]  }
0x61: {  	v0 =	vadd.f32 v1, v0  }
0x62: {  	v1 =	vld [tilespmem:s23+$0xFFFFFF50]  }
0x63: {  	v0 =	vadd.f32 v2, v0  }
0x64: {  	v2 =	vld [tilespmem:s23+$0xFFFFFF90]  }
0x65: {  	v0 =	vadd.f32 v3, v0  }
0x66: {  	v3 =	vld [tilespmem:s23+$0xFFFFFFD0]  }
0x67: {  	v0 =	vadd.f32 v1, v0  }
0x68: {  	v1 =	vld [tilespmem:s23+$0x10]  }
0x69: {  	v0 =	vadd.f32 v2, v0  }
0x6a: {  	v2 =	vld [tilespmem:s23+$0x50]  }
0x6b: {  	v0 =	vadd.f32 v3, v0  }
0x6c: {  	v3 =	vld [tilespmem:s23+$0x90]  }
0x6d: {  	v0 =	vadd.f32 v1, v0  }
0x6e: {  	v1 =	vld [tilespmem:s23+$0xD0]  }
0x6f: {  	v0 =	vadd.f32 v2, v0  }
0x70: {  	v2 =	vld [tilespmem:s23+$0x110]  }
0x71: {  	v0 =	vadd.f32 v3, v0  }
0x72: {  	v3 =	vld [tilespmem:s23+$0x150]  }
0x73: {  	v0 =	vadd.f32 v1, v0  }
0x74: {  	v1 =	vld [tilespmem:s23+$0x190]  }
0x75: {  	v0 =	vadd.f32 v2, v0  }
0x76: {  	v2 =	vld [tilespmem:s23+$0x1D0]  }
0x77: {  	v0 =	vadd.f32 v3, v0  }
0x78: {  	s22 =	simm.s32 $0xAC40;
	v3 =	vld [tilespmem:s23+$0x210]  }
0x79: {  	v4 =	vld [tilespmem:s22+$0xFFFFFCC0];
	v0 =	vadd.f32 v1, v0  }
0x7a: {  	v1 =	vld [tilespmem:s23+$0x250]  }
0x7b: {  	v5 =	vld [tilespmem:s22+$0xFFFFFD00];
	v0 =	vadd.f32 v2, v0  }
0x7c: {  	v2 =	vld [tilespmem:s23+$0x290]  }
0x7d: {  	v6 =	vld [tilespmem:s22+$0xFFFFFD40];
	v0 =	vadd.f32 v3, v0  }
0x7e: {  	v3 =	vld [tilespmem:s23+$0x2D0]  }
0x7f: {  	v7 =	vld [tilespmem:s22+$0xFFFFFD80];
	v0 =	vadd.f32 v1, v0  }
0x80: {  	v1 =	vld [tilespmem:s23+$0x310]  }
0x81: {  	v0 =	vadd.f32 v2, v0;
	v2 =	vadd.f32 v5, v4  }
0x82: {  	v4 =	vld [tilespmem:s22+$0xFFFFFDC0]  }
0x83: {  	v0 =	vadd.f32 v3, v0;
	v2 =	vadd.f32 v6, v2  }
0x84: {  	v3 =	vld [tilespmem:s22+$0xFFFFFE00]  }
0x85: {  	v0 =	vadd.f32 v1, v0;
	v1 =	vadd.f32 v7, v2  }
0x86: {  	v2 =	vld [tilespmem:s22+$0xFFFFFE40]  }
0x87: {  	v5 =	vld [tilespmem:s22+$0xFFFFFE80];
	[tilespmem:s21+$0x17290] =	vst v0;
	v0 =	vadd.f32 v4, v1  }
0x88: {  	v1 =	vld [tilespmem:s23+$0xFFFFFCE0]  }
0x89: {  	v0 =	vadd.f32 v3, v0;
	v3 =	vld [tilespmem:s23+$0xFFFFFD20]  }
0x8a: {  	v4 =	vld [tilespmem:s22+$0xFFFFFEC0]  }
0x8b: {  	v0 =	vadd.f32 v2, v0;
	v2 =	vld [tilespmem:s23+$0xFFFFFD60]  }
0x8c: {  	v6 =	vld [tilespmem:s22+$0xFFFFFF00]  }
0x8d: {  	v0 =	vadd.f32 v5, v0;
	v5 =	vld [tilespmem:s23+$0xFFFFFDA0]  }
0x8e: {  	v7 =	vld [tilespmem:s22+$0xFFFFFF40];
	v1 =	vadd.f32 v3, v1  }
0x8f: {  	v3 =	vld [tilespmem:s23+$0xFFFFFDE0];
	v0 =	vadd.f32 v4, v0  }
0x90: {  	v4 =	vld [tilespmem:s22+$0xFFFFFF80];
	v1 =	vadd.f32 v2, v1  }
0x91: {  	v2 =	vld [tilespmem:s23+$0xFFFFFE20];
	v0 =	vadd.f32 v6, v0  }
0x92: {  	v6 =	vld [tilespmem:s22+$0xFFFFFFC0];
	v1 =	vadd.f32 v5, v1  }
0x93: {  	v5 =	vld [tilespmem:s23+$0xFFFFFE60];
	v0 =	vadd.f32 v7, v0  }
0x94: {  	v7 =	vld [tilespmem:s22+$0x0];
	v1 =	vadd.f32 v3, v1  }
0x95: {  	v3 =	vld [tilespmem:s23+$0xFFFFFEA0];
	v0 =	vadd.f32 v4, v0  }
0x96: {  	v4 =	vld [tilespmem:s22+$0x40];
	v1 =	vadd.f32 v2, v1  }
0x97: {  	v2 =	vld [tilespmem:s23+$0xFFFFFEE0];
	v0 =	vadd.f32 v6, v0  }
0x98: {  	v6 =	vld [tilespmem:s22+$0x80];
	v1 =	vadd.f32 v5, v1  }
0x99: {  	v5 =	vld [tilespmem:s23+$0xFFFFFF20];
	v0 =	vadd.f32 v7, v0  }
0x9a: {  	v7 =	vld [tilespmem:s22+$0xC0];
	v1 =	vadd.f32 v3, v1  }
0x9b: {  	v3 =	vld [tilespmem:s23+$0xFFFFFF60];
	v0 =	vadd.f32 v4, v0  }
0x9c: {  	v4 =	vld [tilespmem:s22+$0x100];
	v1 =	vadd.f32 v2, v1  }
0x9d: {  	v2 =	vld [tilespmem:s23+$0xFFFFFFA0];
	v0 =	vadd.f32 v6, v0  }
0x9e: {  	v6 =	vld [tilespmem:s22+$0x140];
	v1 =	vadd.f32 v5, v1  }
0x9f: {  	v5 =	vld [tilespmem:s23+$0xFFFFFFE0];
	v0 =	vadd.f32 v7, v0  }
0xa0: {  	v7 =	vld [tilespmem:s22+$0x180];
	v1 =	vadd.f32 v3, v1  }
0xa1: {  	v3 =	vld [tilespmem:s23+$0x20];
	v0 =	vadd.f32 v4, v0  }
0xa2: {  	v4 =	vld [tilespmem:s22+$0x1C0];
	v1 =	vadd.f32 v2, v1  }
0xa3: {  	v2 =	vld [tilespmem:s23+$0x60];
	v0 =	vadd.f32 v6, v0  }
0xa4: {  	v6 =	vld [tilespmem:s22+$0x200];
	v1 =	vadd.f32 v5, v1  }
0xa5: {  	v5 =	vld [tilespmem:s23+$0xA0];
	v0 =	vadd.f32 v7, v0  }
0xa6: {  	v7 =	vld [tilespmem:s22+$0x240];
	v1 =	vadd.f32 v3, v1  }
0xa7: {  	v3 =	vld [tilespmem:s23+$0xE0];
	v0 =	vadd.f32 v4, v0  }
0xa8: {  	v4 =	vld [tilespmem:s22+$0x280];
	v1 =	vadd.f32 v2, v1  }
0xa9: {  	v2 =	vld [tilespmem:s23+$0x120];
	v0 =	vadd.f32 v6, v0  }
0xaa: {  	v6 =	vld [tilespmem:s22+$0x2C0];
	v1 =	vadd.f32 v5, v1  }
0xab: {  	v5 =	vld [tilespmem:s23+$0x160];
	v0 =	vadd.f32 v7, v0  }
0xac: {  	v7 =	vld [tilespmem:s22+$0x300];
	v1 =	vadd.f32 v3, v1  }
0xad: {  	s24 =	simm.s32 $0xB2C0;
	v3 =	vadd.f32 v4, v0;
	v4 =	vld [tilespmem:s23+$0x1A0]  }
0xae: {  	v11 =	vld [tilespmem:s24+$0xFFFFFCC0];
	v2 =	vadd.f32 v2, v1  }
0xaf: {  	v8 =	vld [tilespmem:s23+$0x1E0];
	v3 =	vadd.f32 v6, v3  }
0xb0: {  	v0 =	vld [tilespmem:s24+$0xFFFFFEC0];
	v2 =	vadd.f32 v5, v2  }
0xb1: {  	v5 =	vld [tilespmem:s23+$0x220];
	v3 =	vadd.f32 v7, v3  }
0xb2: {  	s25 =	simm.s32 $0x40;
	v1 =	vld [tilespmem:s24+$0xFFFFFE80];
	v2 =	vadd.f32 v4, v2  }
0xb3: {  	[tilespmem:s25+$0x17280] =	vst v3;
	v3 =	vld [tilespmem:s23+$0x260]  }
0xb4: {  	v4 =	vld [tilespmem:s22+$0xFFFFFCD0];
	v2 =	vadd.f32 v8, v2  }
0xb5: {  	v8 =	vld [tilespmem:s23+$0x2A0]  }
0xb6: {  	v9 =	vld [tilespmem:s22+$0xFFFFFD10];
	v2 =	vadd.f32 v5, v2  }
0xb7: {  	v5 =	vld [tilespmem:s23+$0x2E0]  }
0xb8: {  	v10 =	vld [tilespmem:s22+$0xFFFFFD50];
	v2 =	vadd.f32 v3, v2  }
0xb9: {  	v3 =	vld [tilespmem:s23+$0x320]  }
0xba: {  	v6 =	vld [tilespmem:s24+$0xFFFFFD80];
	v2 =	vadd.f32 v8, v2  }
0xbb: {  	v8 =	vld [tilespmem:s22+$0xFFFFFD90]  }
0xbc: {  	v7 =	vld [tilespmem:s24+$0xFFFFFD40];
	v4 =	vadd.f32 v9, v4;
	v2 =	vadd.f32 v5, v2  }
0xbd: {  	v5 =	vld [tilespmem:s22+$0xFFFFFDD0]  }
0xbe: {  	v12 =	vld [tilespmem:s22+$0xFFFFFED0];
	v4 =	vadd.f32 v10, v4;
	v2 =	vadd.f32 v3, v2  }
0xbf: {  	v3 =	vld [tilespmem:s22+$0xFFFFFE10]  }
0xc0: {  	v4 =	vadd.f32 v8, v4;
	v8 =	vld [tilespmem:s22+$0xFFFFFE50];
	[tilespmem:s21+$0x172A0] =	vst v2  }
0xc1: {  	v2 =	vld [tilespmem:s23+$0xFFFFFCF0]  }
0xc2: {  	v4 =	vadd.f32 v5, v4;
	v5 =	vld [tilespmem:s23+$0xFFFFFD30]  }
0xc3: {  	v10 =	vld [tilespmem:s22+$0xFFFFFE90]  }
0xc4: {  	v3 =	vadd.f32 v3, v4;
	v4 =	vld [tilespmem:s23+$0xFFFFFD70]  }
0xc5: {  	v13 =	vld [tilespmem:s22+$0xFFFFFF10]  }
0xc6: {  	v3 =	vadd.f32 v8, v3;
	v8 =	vld [tilespmem:s23+$0xFFFFFDB0]  }
0xc7: {  	v54 =	vld [tilespmem:s22+$0xFFFFFF90];
	v2 =	vadd.f32 v5, v2  }
0xc8: {  	v5 =	vld [tilespmem:s23+$0xFFFFFDF0];
	v3 =	vadd.f32 v10, v3  }
0xc9: {  	v10 =	vld [tilespmem:s22+$0xFFFFFF50];
	v2 =	vadd.f32 v4, v2  }
0xca: {  	v4 =	vld [tilespmem:s23+$0xFFFFFE30];
	v3 =	vadd.f32 v12, v3  }
0xcb: {  	v55 =	vld [tilespmem:s22+$0xFFFFFFD0];
	v2 =	vadd.f32 v8, v2  }
0xcc: {  	v8 =	vld [tilespmem:s23+$0xFFFFFE70];
	v3 =	vadd.f32 v13, v3  }
0xcd: {  	v56 =	vld [tilespmem:s22+$0x50];
	v2 =	vadd.f32 v5, v2  }
0xce: {  	v5 =	vld [tilespmem:s23+$0xFFFFFEB0];
	v3 =	vadd.f32 v10, v3  }
0xcf: {  	v10 =	vld [tilespmem:s22+$0x10];
	v2 =	vadd.f32 v4, v2  }
0xd0: {  	v4 =	vld [tilespmem:s23+$0xFFFFFEF0];
	v3 =	vadd.f32 v54, v3  }
0xd1: {  	v57 =	vld [tilespmem:s22+$0x90];
	v2 =	vadd.f32 v8, v2  }
0xd2: {  	v8 =	vld [tilespmem:s23+$0xFFFFFF30];
	v3 =	vadd.f32 v55, v3  }
0xd3: {  	v58 =	vld [tilespmem:s22+$0x110];
	v2 =	vadd.f32 v5, v2  }
0xd4: {  	v5 =	vld [tilespmem:s23+$0xFFFFFF70];
	v3 =	vadd.f32 v10, v3  }
0xd5: {  	v10 =	vld [tilespmem:s22+$0xD0];
	v2 =	vadd.f32 v4, v2  }
0xd6: {  	v4 =	vld [tilespmem:s23+$0xFFFFFFB0];
	v3 =	vadd.f32 v56, v3  }
0xd7: {  	v59 =	vld [tilespmem:s22+$0x150];
	v2 =	vadd.f32 v8, v2  }
0xd8: {  	v8 =	vld [tilespmem:s23+$0xFFFFFFF0];
	v3 =	vadd.f32 v57, v3  }
0xd9: {  	v60 =	vld [tilespmem:s22+$0x1D0];
	v2 =	vadd.f32 v5, v2  }
0xda: {  	v5 =	vld [tilespmem:s23+$0x30];
	v3 =	vadd.f32 v10, v3  }
0xdb: {  	v10 =	vld [tilespmem:s22+$0x190];
	v2 =	vadd.f32 v4, v2  }
0xdc: {  	v4 =	vld [tilespmem:s23+$0x70];
	v3 =	vadd.f32 v58, v3  }
0xdd: {  	v61 =	vld [tilespmem:s22+$0x210];
	v2 =	vadd.f32 v8, v2  }
0xde: {  	v8 =	vld [tilespmem:s23+$0xB0];
	v3 =	vadd.f32 v59, v3  }
0xdf: {  	v62 =	vld [tilespmem:s22+$0x290];
	v2 =	vadd.f32 v5, v2  }
0xe0: {  	v5 =	vld [tilespmem:s23+$0xF0];
	v3 =	vadd.f32 v10, v3  }
0xe1: {  	v10 =	vld [tilespmem:s22+$0x250];
	v2 =	vadd.f32 v4, v2  }
0xe2: {  	v4 =	vld [tilespmem:s23+$0x130];
	v3 =	vadd.f32 v60, v3  }
0xe3: {  	v9 =	vld [tilespmem:s24+$0xFFFFFD00];
	v2 =	vadd.f32 v8, v2  }
0xe4: {  	v63 =	vld [tilespmem:s23+$0x170];
	v3 =	vadd.f32 v61, v3  }
0xe5: {  	v14 =	vld [tilespmem:s22+$0x2D0];
	v2 =	vadd.f32 v5, v2  }
0xe6: {  	v5 =	vadd.f32 v10, v3;
	v3 =	vld [tilespmem:s23+$0x1B0]  }
0xe7: {  	v8 =	vld [tilespmem:s22+$0x310];
	v4 =	vadd.f32 v4, v2  }
0xe8: {  	v2 =	vld [tilespmem:s23+$0x1F0];
	v12 =	vadd.f32 v62, v5  }
0xe9: {  	v11 =	vadd.f32 v9, v11;
	v10 =	vld [tilespmem:s24+$0xFFFFFDC0];
	v5 =	vadd.f32 v63, v4  }
0xea: {  	s26 =	simm.s32 $0x200;
	s28 =	simm.s32 $0x300;
	v4 =	vld [tilespmem:s23+$0x230];
	v9 =	vadd.f32 v14, v12  }
.LBB2_3:
0xeb: {  	p0 =	sne.s32 s28, $0xF00;
	v7 =	vadd.f32 v7, v11;
	v11 =	vld [tilespmem:s24+$0xFFFFFE00];
	v3 =	vadd.f32 v3, v5  }
0xec: {  	v5 =	vadd.f32 v8, v9;
	v8 =	vld [tilespmem:s23+$0x270]  }
0xed: {  	v6 =	vadd.f32 v6, v7;
	v7 =	vld [tilespmem:s24+$0xFFFFFE40];
	v2 =	vadd.f32 v2, v3  }
0xee: {  	[tilespmem:s25+$0x17290] =	vst v5;
	v3 =	vld [tilespmem:s23+$0x2B0]  }
0xef: {  	v5 =	vadd.f32 v10, v6;
	v6 =	vld [tilespmem:s22+$0xFFFFFCE0];
	v2 =	vadd.f32 v4, v2  }
0xf0: {  	v4 =	vld [tilespmem:s23+$0x2F0]  }
0xf1: {  	v5 =	vadd.f32 v11, v5;
	v9 =	vld [tilespmem:s22+$0xFFFFFD20];
	v2 =	vadd.f32 v8, v2  }
0xf2: {  	v8 =	vld [tilespmem:s23+$0x330];
	s23 =	smov.u32 s22;
	s22 =	smov.u32 s24  }
0xf3: {  	v5 =	vadd.f32 v7, v5;
	v7 =	vld [tilespmem:s23+$0xFFFFFD60];
	v2 =	vadd.f32 v3, v2  }
0xf4: {  	v3 =	vld [tilespmem:s24+$0xFFFFFF00]  }
0xf5: {  	v1 =	vadd.f32 v1, v5;
	v5 =	vld [tilespmem:s23+$0xFFFFFDA0];
	v2 =	vadd.f32 v4, v2  }
0xf6: {  	v4 =	vld [tilespmem:s24+$0xFFFFFF40];
	v6 =	vadd.f32 v9, v6  }
0xf7: {  	v0 =	vadd.f32 v0, v1;
	v1 =	vld [tilespmem:s23+$0xFFFFFDE0];
	v2 =	vadd.f32 v8, v2  }
0xf8: {  	v8 =	vld [tilespmem:s24+$0xFFFFFF80];
	v6 =	vadd.f32 v7, v6  }
0xf9: {  	v0 =	vadd.f32 v3, v0;
	v3 =	vld [tilespmem:s23+$0xFFFFFE20];
	[tilespmem:s21+$0x172B0] =	vst v2;
	s21 =	smov.u32 s25  }
0xfa: {  	v2 =	vld [tilespmem:s24+$0xFFFFFFC0];
	v5 =	vadd.f32 v5, v6  }
0xfb: {  	v0 =	vadd.f32 v4, v0;
	v4 =	vld [tilespmem:s23+$0xFFFFFE60]  }
0xfc: {  	v6 =	vld [tilespmem:s24+$0x0];
	v1 =	vadd.f32 v1, v5  }
0xfd: {  	v0 =	vadd.f32 v8, v0;
	v5 =	vld [tilespmem:s23+$0xFFFFFEA0]  }
0xfe: {  	v7 =	vld [tilespmem:s24+$0x40];
	v1 =	vadd.f32 v3, v1  }
0xff: {  	v0 =	vadd.f32 v2, v0;
	v2 =	vld [tilespmem:s23+$0xFFFFFEE0]  }
0x100: {  	v3 =	vld [tilespmem:s24+$0x80];
	v1 =	vadd.f32 v4, v1  }
0x101: {  	v0 =	vadd.f32 v6, v0;
	v4 =	vld [tilespmem:s23+$0xFFFFFF20]  }
0x102: {  	v6 =	vld [tilespmem:s24+$0xC0];
	v1 =	vadd.f32 v5, v1  }
0x103: {  	v0 =	vadd.f32 v7, v0;
	v5 =	vld [tilespmem:s23+$0xFFFFFF60]  }
0x104: {  	v7 =	vld [tilespmem:s24+$0x100];
	v1 =	vadd.f32 v2, v1  }
0x105: {  	v0 =	vadd.f32 v3, v0;
	v2 =	vld [tilespmem:s23+$0xFFFFFFA0]  }
0x106: {  	v3 =	vld [tilespmem:s24+$0x140];
	v1 =	vadd.f32 v4, v1  }
0x107: {  	v0 =	vadd.f32 v6, v0;
	v4 =	vld [tilespmem:s23+$0xFFFFFFE0]  }
0x108: {  	v6 =	vld [tilespmem:s24+$0x180];
	v1 =	vadd.f32 v5, v1  }
0x109: {  	v0 =	vadd.f32 v7, v0;
	v5 =	vld [tilespmem:s23+$0x20]  }
0x10a: {  	v7 =	vld [tilespmem:s24+$0x1C0];
	v1 =	vadd.f32 v2, v1  }
0x10b: {  	v0 =	vadd.f32 v3, v0;
	v2 =	vld [tilespmem:s23+$0x60]  }
0x10c: {  	v3 =	vld [tilespmem:s24+$0x200];
	v1 =	vadd.f32 v4, v1  }
0x10d: {  	v0 =	vadd.f32 v6, v0;
	v4 =	vld [tilespmem:s23+$0xA0]  }
0x10e: {  	v6 =	vld [tilespmem:s24+$0x240];
	v1 =	vadd.f32 v5, v1  }
0x10f: {  	v0 =	vadd.f32 v7, v0;
	v5 =	vld [tilespmem:s23+$0xE0]  }
0x110: {  	v7 =	vld [tilespmem:s24+$0x280];
	v1 =	vadd.f32 v2, v1  }
0x111: {  	v0 =	vadd.f32 v3, v0;
	v2 =	vld [tilespmem:s23+$0x120]  }
0x112: {  	v3 =	vld [tilespmem:s24+$0x2C0];
	v1 =	vadd.f32 v4, v1  }
0x113: {  	v0 =	vadd.f32 v6, v0;
	v4 =	vld [tilespmem:s23+$0x160]  }
0x114: {  	v6 =	vld [tilespmem:s24+$0x300];
	v1 =	vadd.f32 v5, v1  }
0x115: {  	s24 =	sadd.s32 $0x680, s24;
	v5 =	vadd.f32 v7, v0;
	v7 =	vld [tilespmem:s23+$0x1A0]  }
0x116: {  	v0 =	vld [tilespmem:s24+$0xFFFFFEC0];
	v2 =	vadd.f32 v2, v1  }
0x117: {  	v3 =	vadd.f32 v3, v5;
	v5 =	vld [tilespmem:s23+$0x1E0]  }
0x118: {  	v1 =	vld [tilespmem:s24+$0xFFFFFE80];
	v2 =	vadd.f32 v4, v2  }
0x119: {  	v3 =	vadd.f32 v6, v3;
	v4 =	vld [tilespmem:s23+$0x220]  }
0x11a: {  	s25 =	sshra.s32 s26, $0x2;
	s26 =	smov.u32 s28;
	v6 =	vld [tilespmem:s24+$0xFFFFFD80];
	v2 =	vadd.f32 v7, v2  }
0x11b: {  	[tilespmem:s25+$0x17280] =	vst v3;
	v3 =	vld [tilespmem:s23+$0x260]  }
0x11c: {  	v8 =	vld [tilespmem:s22+$0xFFFFFCD0];
	v2 =	vadd.f32 v5, v2  }
0x11d: {  	v5 =	vld [tilespmem:s23+$0x2A0]  }
0x11e: {  	v9 =	vld [tilespmem:s22+$0xFFFFFD10];
	v2 =	vadd.f32 v4, v2  }
0x11f: {  	v10 =	vld [tilespmem:s23+$0x2E0]  }
0x120: {  	v11 =	vld [tilespmem:s22+$0xFFFFFD50];
	v2 =	vadd.f32 v3, v2  }
0x121: {  	v3 =	vld [tilespmem:s23+$0x320]  }
0x122: {  	v7 =	vld [tilespmem:s24+$0xFFFFFD40];
	v2 =	vadd.f32 v5, v2  }
0x123: {  	v5 =	vld [tilespmem:s22+$0xFFFFFD90]  }
0x124: {  	v8 =	vadd.f32 v9, v8;
	v4 =	vld [tilespmem:s24+$0xFFFFFCC0];
	v2 =	vadd.f32 v10, v2  }
0x125: {  	v9 =	vld [tilespmem:s22+$0xFFFFFDD0]  }
0x126: {  	v8 =	vadd.f32 v11, v8;
	v10 =	vld [tilespmem:s24+$0xFFFFFD00];
	v2 =	vadd.f32 v3, v2  }
0x127: {  	v3 =	vld [tilespmem:s22+$0xFFFFFE10]  }
0x128: {  	v5 =	vadd.f32 v5, v8;
	v8 =	vld [tilespmem:s22+$0xFFFFFE50];
	[tilespmem:s21+$0x172A0] =	vst v2  }
0x129: {  	v2 =	vld [tilespmem:s23+$0xFFFFFCF0]  }
0x12a: {  	v5 =	vadd.f32 v9, v5;
	v9 =	vld [tilespmem:s23+$0xFFFFFD30]  }
0x12b: {  	v11 =	vld [tilespmem:s22+$0xFFFFFE90]  }
0x12c: {  	v3 =	vadd.f32 v3, v5;
	v5 =	vld [tilespmem:s23+$0xFFFFFD70]  }
0x12d: {  	v12 =	vld [tilespmem:s22+$0xFFFFFED0]  }
0x12e: {  	v3 =	vadd.f32 v8, v3;
	v8 =	vld [tilespmem:s23+$0xFFFFFDB0]  }
0x12f: {  	v13 =	vld [tilespmem:s22+$0xFFFFFF10];
	v2 =	vadd.f32 v9, v2  }
0x130: {  	v3 =	vadd.f32 v11, v3;
	v9 =	vld [tilespmem:s23+$0xFFFFFDF0]  }
0x131: {  	v11 =	vld [tilespmem:s22+$0xFFFFFF50];
	v2 =	vadd.f32 v5, v2  }
0x132: {  	v3 =	vadd.f32 v12, v3;
	v5 =	vld [tilespmem:s23+$0xFFFFFE30]  }
0x133: {  	v12 =	vld [tilespmem:s22+$0xFFFFFF90];
	v2 =	vadd.f32 v8, v2  }
0x134: {  	v3 =	vadd.f32 v13, v3;
	v8 =	vld [tilespmem:s23+$0xFFFFFE70]  }
0x135: {  	v13 =	vld [tilespmem:s22+$0xFFFFFFD0];
	v2 =	vadd.f32 v9, v2  }
0x136: {  	v3 =	vadd.f32 v11, v3;
	v9 =	vld [tilespmem:s23+$0xFFFFFEB0]  }
0x137: {  	v11 =	vld [tilespmem:s22+$0x10];
	v2 =	vadd.f32 v5, v2  }
0x138: {  	v3 =	vadd.f32 v12, v3;
	v5 =	vld [tilespmem:s23+$0xFFFFFEF0]  }
0x139: {  	v12 =	vld [tilespmem:s22+$0x50];
	v2 =	vadd.f32 v8, v2  }
0x13a: {  	v3 =	vadd.f32 v13, v3;
	v8 =	vld [tilespmem:s23+$0xFFFFFF30]  }
0x13b: {  	v13 =	vld [tilespmem:s22+$0x90];
	v2 =	vadd.f32 v9, v2  }
0x13c: {  	v3 =	vadd.f32 v11, v3;
	v9 =	vld [tilespmem:s23+$0xFFFFFF70]  }
0x13d: {  	v11 =	vld [tilespmem:s22+$0xD0];
	v2 =	vadd.f32 v5, v2  }
0x13e: {  	v3 =	vadd.f32 v12, v3;
	v5 =	vld [tilespmem:s23+$0xFFFFFFB0]  }
0x13f: {  	v12 =	vld [tilespmem:s22+$0x110];
	v2 =	vadd.f32 v8, v2  }
0x140: {  	v3 =	vadd.f32 v13, v3;
	v8 =	vld [tilespmem:s23+$0xFFFFFFF0]  }
0x141: {  	v13 =	vld [tilespmem:s22+$0x150];
	v2 =	vadd.f32 v9, v2  }
0x142: {  	v3 =	vadd.f32 v11, v3;
	v9 =	vld [tilespmem:s23+$0x30]  }
0x143: {  	v11 =	vld [tilespmem:s22+$0x190];
	v2 =	vadd.f32 v5, v2  }
0x144: {  	v3 =	vadd.f32 v12, v3;
	v5 =	vld [tilespmem:s23+$0x70]  }
0x145: {  	v12 =	vld [tilespmem:s22+$0x1D0];
	v2 =	vadd.f32 v8, v2  }
0x146: {  	v3 =	vadd.f32 v13, v3;
	v8 =	vld [tilespmem:s23+$0xB0]  }
0x147: {  	v13 =	vld [tilespmem:s22+$0x210];
	v2 =	vadd.f32 v9, v2  }
0x148: {  	v3 =	vadd.f32 v11, v3;
	v9 =	vld [tilespmem:s23+$0xF0]  }
0x149: {  	v11 =	vld [tilespmem:s22+$0x250];
	v2 =	vadd.f32 v5, v2  }
0x14a: {  	v3 =	vadd.f32 v12, v3;
	v5 =	vld [tilespmem:s23+$0x130]  }
0x14b: {  	v12 =	vld [tilespmem:s22+$0x290];
	v2 =	vadd.f32 v8, v2  }
0x14c: {  	v3 =	vadd.f32 v13, v3;
	v13 =	vld [tilespmem:s23+$0x170]  }
0x14d: {  	v14 =	vld [tilespmem:s22+$0x2D0];
	v2 =	vadd.f32 v9, v2  }
.Ltmp0:
0x14e: {  	v9 =	vadd.f32 v11, v3;
	v3 =	vld [tilespmem:s23+$0x1B0];
	(pc) =	sbr.rel @p0 .LBB2_3-.Ltmp0, $4  }
0x14f: {  	v8 =	vld [tilespmem:s22+$0x310];
	v5 =	vadd.f32 v5, v2  }
0x150: {  	v9 =	vadd.f32 v12, v9;
	v2 =	vld [tilespmem:s23+$0x1F0]  }
0x151: {  	v11 =	vadd.f32 v10, v4;
	v10 =	vld [tilespmem:s24+$0xFFFFFDC0];
	v5 =	vadd.f32 v13, v5  }
0x152: {  	s28 =	sadd.s32 $0x100, s28;
	v9 =	vadd.f32 v14, v9;
	v4 =	vld [tilespmem:s23+$0x230]  }
0x153: {  	v7 =	vadd.f32 v7, v11  }
0x154: {  	v11 =	vld [tilespmem:s24+$0xFFFFFE00]  }
0x155: {  	v6 =	vadd.f32 v6, v7  }
0x156: {  	v7 =	vld [tilespmem:s24+$0xFFFFFE40]  }
0x157: {  	v6 =	vadd.f32 v10, v6;
	_ =	sdelay $0x1  }
0x158: {  	v6 =	vadd.f32 v11, v6;
	_ =	sdelay $0x1  }
0x159: {  	v6 =	vadd.f32 v7, v6  }
0x15a: {  	v7 =	vld [tilespmem:s24+$0xFFFFFF00]  }
0x15b: {  	v1 =	vadd.f32 v1, v6  }
0x15c: {  	v6 =	vld [tilespmem:s24+$0xFFFFFF40]  }
0x15d: {  	v0 =	vadd.f32 v0, v1  }
0x15e: {  	v1 =	vld [tilespmem:s24+$0xFFFFFF80]  }
0x15f: {  	v0 =	vadd.f32 v7, v0  }
0x160: {  	v7 =	vld [tilespmem:s24+$0xFFFFFFC0]  }
0x161: {  	v0 =	vadd.f32 v6, v0  }
0x162: {  	v6 =	vld [tilespmem:s24+$0x0]  }
0x163: {  	v0 =	vadd.f32 v1, v0  }
0x164: {  	v1 =	vld [tilespmem:s24+$0x40]  }
0x165: {  	v0 =	vadd.f32 v7, v0  }
0x166: {  	v7 =	vld [tilespmem:s24+$0x80]  }
0x167: {  	v0 =	vadd.f32 v6, v0  }
0x168: {  	v6 =	vld [tilespmem:s24+$0xC0]  }
0x169: {  	v0 =	vadd.f32 v1, v0  }
0x16a: {  	v1 =	vld [tilespmem:s24+$0x100]  }
0x16b: {  	v0 =	vadd.f32 v7, v0  }
0x16c: {  	v7 =	vld [tilespmem:s24+$0x140]  }
0x16d: {  	v0 =	vadd.f32 v6, v0  }
0x16e: {  	v6 =	vld [tilespmem:s24+$0x180]  }
0x16f: {  	v0 =	vadd.f32 v1, v0  }
0x170: {  	v1 =	vld [tilespmem:s24+$0x1C0]  }
0x171: {  	v0 =	vadd.f32 v7, v0  }
0x172: {  	v7 =	vld [tilespmem:s24+$0x200]  }
0x173: {  	v0 =	vadd.f32 v6, v0  }
0x174: {  	v6 =	vld [tilespmem:s24+$0x240]  }
0x175: {  	v0 =	vadd.f32 v1, v0  }
0x176: {  	v1 =	vld [tilespmem:s24+$0x280]  }
0x177: {  	v0 =	vadd.f32 v7, v0  }
0x178: {  	v7 =	vld [tilespmem:s24+$0x2C0]  }
0x179: {  	v0 =	vadd.f32 v6, v0  }
0x17a: {  	v6 =	vld [tilespmem:s24+$0x300]  }
0x17b: {  	v0 =	vadd.f32 v1, v0;
	_ =	sdelay $0x1  }
0x17c: {  	v0 =	vadd.f32 v7, v0;
	_ =	sdelay $0x1  }
0x17d: {  	v0 =	vadd.f32 v6, v0  }
0x17e: {  	s26 =	sshra.s32 s26, $0x2  }
0x17f: {  	[tilespmem:s26+$0x17280] =	vst v0  }
0x180: {  	v0 =	vld [tilespmem:s24+$0xFFFFFCD0]  }
0x181: {  	v1 =	vld [tilespmem:s24+$0xFFFFFD10];
	_ =	sdelay $0x1  }
0x182: {  	v6 =	vld [tilespmem:s24+$0xFFFFFD50];
	_ =	sdelay $0x1  }
0x183: {  	v7 =	vld [tilespmem:s24+$0xFFFFFD90]  }
0x184: {  	v0 =	vadd.f32 v1, v0  }
0x185: {  	v1 =	vld [tilespmem:s24+$0xFFFFFDD0]  }
0x186: {  	v0 =	vadd.f32 v6, v0  }
0x187: {  	v6 =	vld [tilespmem:s24+$0xFFFFFE10]  }
0x188: {  	v0 =	vadd.f32 v7, v0  }
0x189: {  	v7 =	vld [tilespmem:s24+$0xFFFFFE50]  }
0x18a: {  	v0 =	vadd.f32 v1, v0  }
0x18b: {  	v1 =	vld [tilespmem:s24+$0xFFFFFE90]  }
0x18c: {  	v0 =	vadd.f32 v6, v0  }
0x18d: {  	v6 =	vld [tilespmem:s24+$0xFFFFFED0]  }
0x18e: {  	v0 =	vadd.f32 v7, v0  }
0x18f: {  	v7 =	vld [tilespmem:s24+$0xFFFFFF10]  }
0x190: {  	v0 =	vadd.f32 v1, v0  }
0x191: {  	v1 =	vld [tilespmem:s24+$0xFFFFFF50]  }
0x192: {  	v0 =	vadd.f32 v6, v0  }
0x193: {  	v6 =	vld [tilespmem:s24+$0xFFFFFF90]  }
0x194: {  	v0 =	vadd.f32 v7, v0  }
0x195: {  	v7 =	vld [tilespmem:s24+$0xFFFFFFD0]  }
0x196: {  	v0 =	vadd.f32 v1, v0  }
0x197: {  	v1 =	vld [tilespmem:s24+$0x10]  }
0x198: {  	v0 =	vadd.f32 v6, v0  }
0x199: {  	v6 =	vld [tilespmem:s24+$0x50]  }
0x19a: {  	v0 =	vadd.f32 v7, v0  }
0x19b: {  	v7 =	vld [tilespmem:s24+$0x90]  }
0x19c: {  	v0 =	vadd.f32 v1, v0  }
0x19d: {  	v1 =	vld [tilespmem:s24+$0xD0]  }
0x19e: {  	v0 =	vadd.f32 v6, v0  }
0x19f: {  	v6 =	vld [tilespmem:s24+$0x110]  }
0x1a0: {  	v0 =	vadd.f32 v7, v0  }
0x1a1: {  	v7 =	vld [tilespmem:s24+$0x150]  }
0x1a2: {  	v0 =	vadd.f32 v1, v0  }
0x1a3: {  	v1 =	vld [tilespmem:s24+$0x190]  }
0x1a4: {  	v0 =	vadd.f32 v6, v0  }
0x1a5: {  	v6 =	vld [tilespmem:s24+$0x1D0]  }
0x1a6: {  	v0 =	vadd.f32 v7, v0  }
0x1a7: {  	v7 =	vld [tilespmem:s24+$0x210]  }
0x1a8: {  	v0 =	vadd.f32 v1, v0  }
0x1a9: {  	v1 =	vld [tilespmem:s24+$0x250]  }
0x1aa: {  	v0 =	vadd.f32 v6, v0  }
0x1ab: {  	v6 =	vld [tilespmem:s24+$0x290]  }
0x1ac: {  	v0 =	vadd.f32 v7, v0  }
0x1ad: {  	v7 =	vld [tilespmem:s24+$0x2D0]  }
0x1ae: {  	v0 =	vadd.f32 v1, v0  }
0x1af: {  	v1 =	vld [tilespmem:s24+$0x310]  }
0x1b0: {  	v0 =	vadd.f32 v6, v0  }
0x1b1: {  	v6 =	vadd.f32 v8, v9  }
0x1b2: {  	v0 =	vadd.f32 v7, v0  }
0x1b3: {  	[tilespmem:s25+$0x17290] =	vst v6  }
0x1b4: {  	v6 =	vld [tilespmem:s22+$0xFFFFFCE0];
	v0 =	vadd.f32 v1, v0  }
0x1b5: {  	v7 =	vld [tilespmem:s22+$0xFFFFFD60]  }
0x1b6: {  	v1 =	vld [tilespmem:s22+$0xFFFFFD20];
	[tilespmem:s26+$0x17290] =	vst v0  }
0x1b7: {  	v0 =	vld [tilespmem:s24+$0xFFFFFCE0]  }
0x1b8: {  	v8 =	vld [tilespmem:s24+$0xFFFFFD20]  }
0x1b9: {  	v9 =	vld [tilespmem:s22+$0xFFFFFDA0]  }
0x1ba: {  	v10 =	vld [tilespmem:s24+$0xFFFFFD60]  }
0x1bb: {  	v11 =	vld [tilespmem:s24+$0xFFFFFDA0];
	v1 =	vadd.f32 v1, v6  }
0x1bc: {  	v6 =	vld [tilespmem:s22+$0xFFFFFDE0]  }
0x1bd: {  	v1 =	vadd.f32 v7, v1;
	v7 =	vld [tilespmem:s22+$0xFFFFFE20];
	v0 =	vadd.f32 v8, v0  }
0x1be: {  	v8 =	vld [tilespmem:s24+$0xFFFFFDE0]  }
0x1bf: {  	v1 =	vadd.f32 v9, v1;
	v9 =	vld [tilespmem:s22+$0xFFFFFE60];
	v0 =	vadd.f32 v10, v0  }
0x1c0: {  	v10 =	vld [tilespmem:s24+$0xFFFFFE20]  }
0x1c1: {  	v1 =	vadd.f32 v6, v1;
	v6 =	vld [tilespmem:s22+$0xFFFFFEA0];
	v0 =	vadd.f32 v11, v0  }
0x1c2: {  	v11 =	vld [tilespmem:s24+$0xFFFFFE60]  }
0x1c3: {  	v1 =	vadd.f32 v7, v1;
	v7 =	vld [tilespmem:s22+$0xFFFFFEE0];
	v0 =	vadd.f32 v8, v0  }
0x1c4: {  	v8 =	vld [tilespmem:s24+$0xFFFFFEA0]  }
0x1c5: {  	v1 =	vadd.f32 v9, v1;
	v9 =	vld [tilespmem:s22+$0xFFFFFF20];
	v0 =	vadd.f32 v10, v0  }
0x1c6: {  	v10 =	vld [tilespmem:s24+$0xFFFFFEE0]  }
0x1c7: {  	v1 =	vadd.f32 v6, v1;
	v6 =	vld [tilespmem:s22+$0xFFFFFF60];
	v0 =	vadd.f32 v11, v0  }
0x1c8: {  	v11 =	vld [tilespmem:s24+$0xFFFFFF20]  }
0x1c9: {  	v1 =	vadd.f32 v7, v1;
	v7 =	vld [tilespmem:s22+$0xFFFFFFA0];
	v0 =	vadd.f32 v8, v0  }
0x1ca: {  	v8 =	vld [tilespmem:s24+$0xFFFFFF60]  }
0x1cb: {  	v1 =	vadd.f32 v9, v1;
	v9 =	vld [tilespmem:s22+$0xFFFFFFE0];
	v0 =	vadd.f32 v10, v0  }
0x1cc: {  	v10 =	vld [tilespmem:s24+$0xFFFFFFA0]  }
0x1cd: {  	v1 =	vadd.f32 v6, v1;
	v6 =	vld [tilespmem:s22+$0x20];
	v0 =	vadd.f32 v11, v0  }
0x1ce: {  	v11 =	vld [tilespmem:s24+$0xFFFFFFE0]  }
0x1cf: {  	v1 =	vadd.f32 v7, v1;
	v7 =	vld [tilespmem:s22+$0x60];
	v0 =	vadd.f32 v8, v0  }
0x1d0: {  	v8 =	vld [tilespmem:s24+$0x20]  }
0x1d1: {  	v1 =	vadd.f32 v9, v1;
	v9 =	vld [tilespmem:s22+$0xA0];
	v0 =	vadd.f32 v10, v0  }
0x1d2: {  	v10 =	vld [tilespmem:s24+$0x60]  }
0x1d3: {  	v1 =	vadd.f32 v6, v1;
	v6 =	vld [tilespmem:s22+$0xE0];
	v0 =	vadd.f32 v11, v0  }
0x1d4: {  	v11 =	vld [tilespmem:s24+$0xA0]  }
0x1d5: {  	v1 =	vadd.f32 v7, v1;
	v7 =	vld [tilespmem:s22+$0x120];
	v0 =	vadd.f32 v8, v0  }
0x1d6: {  	v8 =	vld [tilespmem:s24+$0xE0]  }
0x1d7: {  	v1 =	vadd.f32 v9, v1;
	v9 =	vld [tilespmem:s22+$0x160];
	v0 =	vadd.f32 v10, v0  }
0x1d8: {  	v10 =	vld [tilespmem:s24+$0x120]  }
0x1d9: {  	v1 =	vadd.f32 v6, v1;
	v6 =	vld [tilespmem:s22+$0x1A0];
	v0 =	vadd.f32 v11, v0  }
0x1da: {  	v11 =	vld [tilespmem:s24+$0x160]  }
0x1db: {  	v1 =	vadd.f32 v7, v1;
	v7 =	vld [tilespmem:s22+$0x1E0];
	v0 =	vadd.f32 v8, v0  }
0x1dc: {  	v8 =	vld [tilespmem:s24+$0x1A0]  }
0x1dd: {  	v1 =	vadd.f32 v9, v1;
	v9 =	vld [tilespmem:s22+$0x220];
	v0 =	vadd.f32 v10, v0  }
0x1de: {  	v10 =	vld [tilespmem:s24+$0x1E0]  }
0x1df: {  	v1 =	vadd.f32 v6, v1;
	v6 =	vld [tilespmem:s22+$0x260];
	v0 =	vadd.f32 v11, v0  }
0x1e0: {  	v11 =	vld [tilespmem:s24+$0x220]  }
0x1e1: {  	v1 =	vadd.f32 v7, v1;
	v7 =	vld [tilespmem:s22+$0x2A0];
	v0 =	vadd.f32 v8, v0  }
0x1e2: {  	v8 =	vld [tilespmem:s24+$0x260]  }
0x1e3: {  	v1 =	vadd.f32 v9, v1;
	v9 =	vld [tilespmem:s22+$0x2E0];
	v0 =	vadd.f32 v10, v0  }
0x1e4: {  	v10 =	vld [tilespmem:s24+$0x2A0]  }
0x1e5: {  	v1 =	vadd.f32 v6, v1;
	v6 =	vld [tilespmem:s22+$0x320];
	v0 =	vadd.f32 v11, v0  }
0x1e6: {  	v11 =	vld [tilespmem:s24+$0x2E0]  }
0x1e7: {  	v1 =	vadd.f32 v7, v1;
	v0 =	vadd.f32 v8, v0  }
0x1e8: {  	v7 =	vld [tilespmem:s24+$0x320]  }
0x1e9: {  	v1 =	vadd.f32 v9, v1;
	v0 =	vadd.f32 v10, v0  }
0x1ea: {  	v8 =	vld [tilespmem:s23+$0x270]  }
0x1eb: {  	v9 =	vld [tilespmem:s23+$0x2B0];
	v1 =	vadd.f32 v6, v1;
	v0 =	vadd.f32 v11, v0  }
0x1ec: {  	v10 =	vld [tilespmem:s23+$0x330]  }
0x1ed: {  	v6 =	vld [tilespmem:s23+$0x2F0];
	[tilespmem:s25+$0x172A0] =	vst v1;
	v0 =	vadd.f32 v7, v0  }
0x1ee: {  	v1 =	vld [tilespmem:s22+$0xFFFFFCF0]  }
0x1ef: {  	v7 =	vld [tilespmem:s22+$0xFFFFFD30];
	[tilespmem:s26+$0x172A0] =	vst v0  }
0x1f0: {  	v0 =	vld [tilespmem:s24+$0xFFFFFCF0]  }
0x1f1: {  	v11 =	vld [tilespmem:s24+$0xFFFFFD30]  }
0x1f2: {  	v12 =	vld [tilespmem:s22+$0xFFFFFD70]  }
0x1f3: {  	v13 =	vld [tilespmem:s24+$0xFFFFFD70]  }
0x1f4: {  	v14 =	vld [tilespmem:s22+$0xFFFFFDB0]  }
0x1f5: {  	v1 =	vadd.f32 v7, v1;
	v7 =	vld [tilespmem:s24+$0xFFFFFDB0]  }
0x1f6: {  	v0 =	vadd.f32 v11, v0;
	v11 =	vld [tilespmem:s22+$0xFFFFFDF0]  }
0x1f7: {  	v30 =	vld [tilespmem:s24+$0xFFFFFDF0];
	v1 =	vadd.f32 v12, v1  }
0x1f8: {  	v31 =	vld [tilespmem:s22+$0xFFFFFE30];
	v0 =	vadd.f32 v13, v0  }
0x1f9: {  	v32 =	vld [tilespmem:s24+$0xFFFFFE30];
	v1 =	vadd.f32 v14, v1  }
0x1fa: {  	v0 =	vadd.f32 v7, v0;
	v7 =	vld [tilespmem:s22+$0xFFFFFE70]  }
0x1fb: {  	v1 =	vadd.f32 v11, v1;
	v11 =	vld [tilespmem:s24+$0xFFFFFE70]  }
0x1fc: {  	v33 =	vld [tilespmem:s22+$0xFFFFFEB0];
	v0 =	vadd.f32 v30, v0  }
0x1fd: {  	v34 =	vld [tilespmem:s24+$0xFFFFFEB0];
	v1 =	vadd.f32 v31, v1  }
0x1fe: {  	v35 =	vld [tilespmem:s22+$0xFFFFFEF0];
	v0 =	vadd.f32 v32, v0  }
0x1ff: {  	v1 =	vadd.f32 v7, v1;
	v7 =	vld [tilespmem:s24+$0xFFFFFEF0]  }
0x200: {  	v0 =	vadd.f32 v11, v0;
	v11 =	vld [tilespmem:s22+$0xFFFFFF30]  }
0x201: {  	v36 =	vld [tilespmem:s24+$0xFFFFFF30];
	v1 =	vadd.f32 v33, v1  }
0x202: {  	v37 =	vld [tilespmem:s22+$0xFFFFFF70];
	v0 =	vadd.f32 v34, v0  }
0x203: {  	v38 =	vld [tilespmem:s24+$0xFFFFFF70];
	v1 =	vadd.f32 v35, v1  }
0x204: {  	v0 =	vadd.f32 v7, v0;
	v7 =	vld [tilespmem:s22+$0xFFFFFFB0]  }
0x205: {  	v1 =	vadd.f32 v11, v1;
	v11 =	vld [tilespmem:s24+$0xFFFFFFB0]  }
0x206: {  	v39 =	vld [tilespmem:s22+$0xFFFFFFF0];
	v0 =	vadd.f32 v36, v0  }
0x207: {  	v40 =	vld [tilespmem:s24+$0xFFFFFFF0];
	v1 =	vadd.f32 v37, v1  }
0x208: {  	v41 =	vld [tilespmem:s22+$0x30];
	v0 =	vadd.f32 v38, v0  }
0x209: {  	v1 =	vadd.f32 v7, v1;
	v7 =	vld [tilespmem:s24+$0x30]  }
0x20a: {  	v0 =	vadd.f32 v11, v0;
	v11 =	vld [tilespmem:s22+$0x70]  }
0x20b: {  	v42 =	vld [tilespmem:s24+$0x70];
	v1 =	vadd.f32 v39, v1  }
0x20c: {  	v43 =	vld [tilespmem:s22+$0xB0];
	v0 =	vadd.f32 v40, v0  }
0x20d: {  	v44 =	vld [tilespmem:s24+$0xB0];
	v1 =	vadd.f32 v41, v1  }
0x20e: {  	v0 =	vadd.f32 v7, v0;
	v7 =	vld [tilespmem:s22+$0xF0]  }
0x20f: {  	v1 =	vadd.f32 v11, v1;
	v11 =	vld [tilespmem:s24+$0xF0]  }
0x210: {  	v45 =	vld [tilespmem:s22+$0x130];
	v0 =	vadd.f32 v42, v0  }
0x211: {  	v46 =	vld [tilespmem:s24+$0x130];
	v1 =	vadd.f32 v43, v1  }
0x212: {  	v47 =	vld [tilespmem:s22+$0x170];
	v0 =	vadd.f32 v44, v0  }
0x213: {  	v1 =	vadd.f32 v7, v1;
	v7 =	vld [tilespmem:s24+$0x170]  }
0x214: {  	v0 =	vadd.f32 v11, v0;
	v11 =	vld [tilespmem:s22+$0x1B0]  }
0x215: {  	v48 =	vld [tilespmem:s24+$0x1B0];
	v1 =	vadd.f32 v45, v1  }
0x216: {  	v49 =	vld [tilespmem:s22+$0x1F0];
	v0 =	vadd.f32 v46, v0  }
0x217: {  	v50 =	vld [tilespmem:s24+$0x1F0];
	v1 =	vadd.f32 v47, v1  }
0x218: {  	v3 =	vadd.f32 v3, v5;
	v5 =	vld [tilespmem:s22+$0x230];
	v0 =	vadd.f32 v7, v0  }
0x219: {  	v7 =	vld [tilespmem:s24+$0x230];
	v1 =	vadd.f32 v11, v1  }
0x21a: {  	v2 =	vadd.f32 v2, v3;
	v3 =	vld [tilespmem:s22+$0x270];
	v0 =	vadd.f32 v48, v0  }
0x21b: {  	v11 =	vld [tilespmem:s24+$0x270];
	v1 =	vadd.f32 v49, v1  }
0x21c: {  	v2 =	vadd.f32 v4, v2;
	v4 =	vld [tilespmem:s22+$0x2B0];
	v0 =	vadd.f32 v50, v0  }
0x21d: {  	v1 =	vadd.f32 v5, v1;
	v5 =	vld [tilespmem:s24+$0x2B0]  }
0x21e: {  	v2 =	vadd.f32 v8, v2;
	v8 =	vld [tilespmem:s22+$0x2F0];
	v0 =	vadd.f32 v7, v0  }
0x21f: {  	v1 =	vadd.f32 v3, v1;
	v3 =	vld [tilespmem:s24+$0x2F0]  }
0x220: {  	v2 =	vadd.f32 v9, v2;
	v7 =	vld [tilespmem:s22+$0x330];
	v0 =	vadd.f32 v11, v0  }
0x221: {  	v1 =	vadd.f32 v4, v1;
	v4 =	vld [tilespmem:s24+$0x330]  }
0x222: {  	v2 =	vadd.f32 v6, v2;
	v0 =	vadd.f32 v5, v0  }
0x223: {  	v1 =	vadd.f32 v8, v1  }
0x224: {  	p0 =	seq.s32 s20, $0x31;
	v2 =	vadd.f32 v10, v2;
	v0 =	vadd.f32 v3, v0  }
0x225: {  	s22 =	smul.u32 @!p0 $0xD00, s20;
	v1 =	vadd.f32 v7, v1  }
0x226: {  	[tilespmem:s21+$0x172B0] =	vst v2;
	v0 =	vadd.f32 v4, v0  }
0x227: {  	s31 =	sshll.u32 s20, $0xB;
	s21 =	sshra.s32 @!p0 s22, $0x2;
	[tilespmem:s25+$0x172B0] =	vst v1  }
0x228: {  	s23 =	simm.s32 @!p0 $0x1A0;
	s22 =	sadd.s32 @!p0 $0x340, s21;
	s24 =	simm.s32 @!p0 $0xA280;
	[tilespmem:s26+$0x172B0] =	vst v0  }
0x229: {  	[tilespmem:s24], [sflag:$0x1] =	stream.indirect.gather @!p0 [hbm4b:s4+s23], $0x40, s22, s23, $0xb8;
	[tilespmem:$0x17A80] =	vst v63  }
0x22a: {  	s22 =	sadd.s32 s6, s31  }
0x22b: {  	s22 =	sshrl.u32 s22, $0x3  }
0x22c: {  	s22 =	sadd.s32 s2, s22  }
0x22d: {  	[hbm4b:s22+s3] =	stream.linear.scatter [tilespmem:s14], [sflag:$0x3], $0x400, $0x38;
	[tilespmem:$0x17A80] =	vst v63  }
0x22e: {  	s22 =	simm.s32 @!p1 $0x4  }
0x22f: {  	_ =	swait.ge @!p1 [sflag:s22], $0x400  }
0x230: {  	[sflag:s22] =	ssyncset.done @!p1 $0x0  }
0x231: {  	[sflag:s22] =	ssyncadd.s32 @!p1 $0xFFFFFC00  }
0x232: {  	_ =	swait.ge [sflag:s15], $0x6800  }
0x233: {  	[sflag:s15] =	ssyncset.done $0x0  }
0x234: {  	s24 =	simm.s32 $0x10DC0;
	[sflag:s15] =	ssyncadd.s32 $0xFFFF9800  }
0x235: {  	v0 =	vld [tilespmem:s24+$0xFFFFFCC0]  }
0x236: {  	v1 =	vld [tilespmem:s24+$0xFFFFFD00];
	_ =	sdelay $0x1  }
0x237: {  	v2 =	vld [tilespmem:s24+$0xFFFFFD40];
	_ =	sdelay $0x1  }
0x238: {  	v3 =	vld [tilespmem:s24+$0xFFFFFD80]  }
0x239: {  	v0 =	vadd.f32 v1, v0  }
0x23a: {  	v1 =	vld [tilespmem:s24+$0xFFFFFDC0]  }
0x23b: {  	v0 =	vadd.f32 v2, v0  }
0x23c: {  	v2 =	vld [tilespmem:s24+$0xFFFFFE00]  }
0x23d: {  	v0 =	vadd.f32 v3, v0  }
0x23e: {  	v3 =	vld [tilespmem:s24+$0xFFFFFE40]  }
0x23f: {  	v0 =	vadd.f32 v1, v0  }
0x240: {  	v1 =	vld [tilespmem:s24+$0xFFFFFE80]  }
0x241: {  	v0 =	vadd.f32 v2, v0  }
0x242: {  	v2 =	vld [tilespmem:s24+$0xFFFFFEC0]  }
0x243: {  	v0 =	vadd.f32 v3, v0  }
0x244: {  	v3 =	vld [tilespmem:s24+$0xFFFFFF00]  }
0x245: {  	v0 =	vadd.f32 v1, v0  }
0x246: {  	v1 =	vld [tilespmem:s24+$0xFFFFFF40]  }
0x247: {  	v0 =	vadd.f32 v2, v0  }
0x248: {  	v2 =	vld [tilespmem:s24+$0xFFFFFF80]  }
0x249: {  	v0 =	vadd.f32 v3, v0  }
0x24a: {  	v3 =	vld [tilespmem:s24+$0xFFFFFFC0]  }
0x24b: {  	v0 =	vadd.f32 v1, v0  }
0x24c: {  	v1 =	vld [tilespmem:s24+$0x0]  }
0x24d: {  	v0 =	vadd.f32 v2, v0  }
0x24e: {  	v2 =	vld [tilespmem:s24+$0x40]  }
0x24f: {  	v0 =	vadd.f32 v3, v0  }
0x250: {  	v3 =	vld [tilespmem:s24+$0x80]  }
0x251: {  	v0 =	vadd.f32 v1, v0  }
0x252: {  	v1 =	vld [tilespmem:s24+$0xC0]  }
0x253: {  	v0 =	vadd.f32 v2, v0  }
0x254: {  	v2 =	vld [tilespmem:s24+$0x100]  }
0x255: {  	v0 =	vadd.f32 v3, v0  }
0x256: {  	v3 =	vld [tilespmem:s24+$0x140]  }
0x257: {  	v0 =	vadd.f32 v1, v0  }
0x258: {  	v1 =	vld [tilespmem:s24+$0x180]  }
0x259: {  	v0 =	vadd.f32 v2, v0  }
0x25a: {  	v2 =	vld [tilespmem:s24+$0x1C0]  }
0x25b: {  	v0 =	vadd.f32 v3, v0  }
0x25c: {  	v3 =	vld [tilespmem:s24+$0x200]  }
0x25d: {  	v0 =	vadd.f32 v1, v0  }
0x25e: {  	v1 =	vld [tilespmem:s24+$0x240]  }
0x25f: {  	v0 =	vadd.f32 v2, v0  }
0x260: {  	v2 =	vld [tilespmem:s24+$0x280]  }
0x261: {  	v0 =	vadd.f32 v3, v0  }
0x262: {  	v3 =	vld [tilespmem:s24+$0x2C0]  }
0x263: {  	v0 =	vadd.f32 v1, v0  }
0x264: {  	v1 =	vld [tilespmem:s24+$0x300]  }
0x265: {  	v0 =	vadd.f32 v2, v0;
	_ =	sdelay $0x1  }
0x266: {  	v0 =	vadd.f32 v3, v0;
	_ =	sdelay $0x1  }
0x267: {  	v0 =	vadd.f32 v1, v0  }
0x268: {  	s22 =	simm.s32 $0x0  }
0x269: {  	[tilespmem:s22+$0x17680] =	vst v0  }
0x26a: {  	v0 =	vld [tilespmem:s24+$0xFFFFFCD0]  }
0x26b: {  	v1 =	vld [tilespmem:s24+$0xFFFFFD10];
	_ =	sdelay $0x1  }
0x26c: {  	v2 =	vld [tilespmem:s24+$0xFFFFFD50];
	_ =	sdelay $0x1  }
0x26d: {  	v3 =	vld [tilespmem:s24+$0xFFFFFD90]  }
0x26e: {  	v0 =	vadd.f32 v1, v0  }
0x26f: {  	v1 =	vld [tilespmem:s24+$0xFFFFFDD0]  }
0x270: {  	v0 =	vadd.f32 v2, v0  }
0x271: {  	v2 =	vld [tilespmem:s24+$0xFFFFFE10]  }
0x272: {  	v0 =	vadd.f32 v3, v0  }
0x273: {  	v3 =	vld [tilespmem:s24+$0xFFFFFE50]  }
0x274: {  	v0 =	vadd.f32 v1, v0  }
0x275: {  	v1 =	vld [tilespmem:s24+$0xFFFFFE90]  }
0x276: {  	v0 =	vadd.f32 v2, v0  }
0x277: {  	v2 =	vld [tilespmem:s24+$0xFFFFFED0]  }
0x278: {  	v0 =	vadd.f32 v3, v0  }
0x279: {  	v3 =	vld [tilespmem:s24+$0xFFFFFF10]  }
0x27a: {  	v0 =	vadd.f32 v1, v0  }
0x27b: {  	v1 =	vld [tilespmem:s24+$0xFFFFFF50]  }
0x27c: {  	v0 =	vadd.f32 v2, v0  }
0x27d: {  	v2 =	vld [tilespmem:s24+$0xFFFFFF90]  }
0x27e: {  	v0 =	vadd.f32 v3, v0  }
0x27f: {  	v3 =	vld [tilespmem:s24+$0xFFFFFFD0]  }
0x280: {  	v0 =	vadd.f32 v1, v0  }
0x281: {  	v1 =	vld [tilespmem:s24+$0x10]  }
0x282: {  	v0 =	vadd.f32 v2, v0  }
0x283: {  	v2 =	vld [tilespmem:s24+$0x50]  }
0x284: {  	v0 =	vadd.f32 v3, v0  }
0x285: {  	v3 =	vld [tilespmem:s24+$0x90]  }
0x286: {  	v0 =	vadd.f32 v1, v0  }
0x287: {  	v1 =	vld [tilespmem:s24+$0xD0]  }
0x288: {  	v0 =	vadd.f32 v2, v0  }
0x289: {  	v2 =	vld [tilespmem:s24+$0x110]  }
0x28a: {  	v0 =	vadd.f32 v3, v0  }
0x28b: {  	v3 =	vld [tilespmem:s24+$0x150]  }
0x28c: {  	v0 =	vadd.f32 v1, v0  }
0x28d: {  	v1 =	vld [tilespmem:s24+$0x190]  }
0x28e: {  	v0 =	vadd.f32 v2, v0  }
0x28f: {  	v2 =	vld [tilespmem:s24+$0x1D0]  }
0x290: {  	v0 =	vadd.f32 v3, v0  }
0x291: {  	s23 =	simm.s32 $0x11440;
	v3 =	vld [tilespmem:s24+$0x210]  }
0x292: {  	v4 =	vld [tilespmem:s23+$0xFFFFFCC0];
	v0 =	vadd.f32 v1, v0  }
0x293: {  	v1 =	vld [tilespmem:s24+$0x250]  }
0x294: {  	v5 =	vld [tilespmem:s23+$0xFFFFFD00];
	v0 =	vadd.f32 v2, v0  }
0x295: {  	v2 =	vld [tilespmem:s24+$0x290]  }
0x296: {  	v6 =	vld [tilespmem:s23+$0xFFFFFD40];
	v0 =	vadd.f32 v3, v0  }
0x297: {  	v3 =	vld [tilespmem:s24+$0x2D0]  }
0x298: {  	v7 =	vld [tilespmem:s23+$0xFFFFFD80];
	v0 =	vadd.f32 v1, v0  }
0x299: {  	v1 =	vld [tilespmem:s24+$0x310]  }
0x29a: {  	v0 =	vadd.f32 v2, v0;
	v2 =	vadd.f32 v5, v4  }
0x29b: {  	v4 =	vld [tilespmem:s23+$0xFFFFFDC0]  }
0x29c: {  	v0 =	vadd.f32 v3, v0;
	v2 =	vadd.f32 v6, v2  }
0x29d: {  	v3 =	vld [tilespmem:s23+$0xFFFFFE00]  }
0x29e: {  	v0 =	vadd.f32 v1, v0;
	v1 =	vadd.f32 v7, v2  }
0x29f: {  	v2 =	vld [tilespmem:s23+$0xFFFFFE40]  }
0x2a0: {  	v5 =	vld [tilespmem:s23+$0xFFFFFE80];
	[tilespmem:s22+$0x17690] =	vst v0;
	v0 =	vadd.f32 v4, v1  }
0x2a1: {  	v1 =	vld [tilespmem:s24+$0xFFFFFCE0]  }
0x2a2: {  	v0 =	vadd.f32 v3, v0;
	v3 =	vld [tilespmem:s24+$0xFFFFFD20]  }
0x2a3: {  	v4 =	vld [tilespmem:s23+$0xFFFFFEC0]  }
0x2a4: {  	v0 =	vadd.f32 v2, v0;
	v2 =	vld [tilespmem:s24+$0xFFFFFD60]  }
0x2a5: {  	v6 =	vld [tilespmem:s23+$0xFFFFFF00]  }
0x2a6: {  	v0 =	vadd.f32 v5, v0;
	v5 =	vld [tilespmem:s24+$0xFFFFFDA0]  }
0x2a7: {  	v7 =	vld [tilespmem:s23+$0xFFFFFF40];
	v1 =	vadd.f32 v3, v1  }
0x2a8: {  	v3 =	vld [tilespmem:s24+$0xFFFFFDE0];
	v0 =	vadd.f32 v4, v0  }
0x2a9: {  	v4 =	vld [tilespmem:s23+$0xFFFFFF80];
	v1 =	vadd.f32 v2, v1  }
0x2aa: {  	v2 =	vld [tilespmem:s24+$0xFFFFFE20];
	v0 =	vadd.f32 v6, v0  }
0x2ab: {  	v6 =	vld [tilespmem:s23+$0xFFFFFFC0];
	v1 =	vadd.f32 v5, v1  }
0x2ac: {  	v5 =	vld [tilespmem:s24+$0xFFFFFE60];
	v0 =	vadd.f32 v7, v0  }
0x2ad: {  	v7 =	vld [tilespmem:s23+$0x0];
	v1 =	vadd.f32 v3, v1  }
0x2ae: {  	v3 =	vld [tilespmem:s24+$0xFFFFFEA0];
	v0 =	vadd.f32 v4, v0  }
0x2af: {  	v4 =	vld [tilespmem:s23+$0x40];
	v1 =	vadd.f32 v2, v1  }
0x2b0: {  	v2 =	vld [tilespmem:s24+$0xFFFFFEE0];
	v0 =	vadd.f32 v6, v0  }
0x2b1: {  	v6 =	vld [tilespmem:s23+$0x80];
	v1 =	vadd.f32 v5, v1  }
0x2b2: {  	v5 =	vld [tilespmem:s24+$0xFFFFFF20];
	v0 =	vadd.f32 v7, v0  }
0x2b3: {  	v7 =	vld [tilespmem:s23+$0xC0];
	v1 =	vadd.f32 v3, v1  }
0x2b4: {  	v3 =	vld [tilespmem:s24+$0xFFFFFF60];
	v0 =	vadd.f32 v4, v0  }
0x2b5: {  	v4 =	vld [tilespmem:s23+$0x100];
	v1 =	vadd.f32 v2, v1  }
0x2b6: {  	v2 =	vld [tilespmem:s24+$0xFFFFFFA0];
	v0 =	vadd.f32 v6, v0  }
0x2b7: {  	v6 =	vld [tilespmem:s23+$0x140];
	v1 =	vadd.f32 v5, v1  }
0x2b8: {  	v5 =	vld [tilespmem:s24+$0xFFFFFFE0];
	v0 =	vadd.f32 v7, v0  }
0x2b9: {  	v7 =	vld [tilespmem:s23+$0x180];
	v1 =	vadd.f32 v3, v1  }
0x2ba: {  	v3 =	vld [tilespmem:s24+$0x20];
	v0 =	vadd.f32 v4, v0  }
0x2bb: {  	v4 =	vld [tilespmem:s23+$0x1C0];
	v1 =	vadd.f32 v2, v1  }
0x2bc: {  	v2 =	vld [tilespmem:s24+$0x60];
	v0 =	vadd.f32 v6, v0  }
0x2bd: {  	v6 =	vld [tilespmem:s23+$0x200];
	v1 =	vadd.f32 v5, v1  }
0x2be: {  	v5 =	vld [tilespmem:s24+$0xA0];
	v0 =	vadd.f32 v7, v0  }
0x2bf: {  	v7 =	vld [tilespmem:s23+$0x240];
	v1 =	vadd.f32 v3, v1  }
0x2c0: {  	v3 =	vld [tilespmem:s24+$0xE0];
	v0 =	vadd.f32 v4, v0  }
0x2c1: {  	v4 =	vld [tilespmem:s23+$0x280];
	v1 =	vadd.f32 v2, v1  }
0x2c2: {  	v2 =	vld [tilespmem:s24+$0x120];
	v0 =	vadd.f32 v6, v0  }
0x2c3: {  	v6 =	vld [tilespmem:s23+$0x2C0];
	v1 =	vadd.f32 v5, v1  }
0x2c4: {  	v5 =	vld [tilespmem:s24+$0x160];
	v0 =	vadd.f32 v7, v0  }
0x2c5: {  	v7 =	vld [tilespmem:s23+$0x300];
	v1 =	vadd.f32 v3, v1  }
0x2c6: {  	s25 =	simm.s32 $0x11AC0;
	v3 =	vadd.f32 v4, v0;
	v4 =	vld [tilespmem:s24+$0x1A0]  }
0x2c7: {  	v11 =	vld [tilespmem:s25+$0xFFFFFCC0];
	v2 =	vadd.f32 v2, v1  }
0x2c8: {  	v8 =	vld [tilespmem:s24+$0x1E0];
	v3 =	vadd.f32 v6, v3  }
0x2c9: {  	v0 =	vld [tilespmem:s25+$0xFFFFFEC0];
	v2 =	vadd.f32 v5, v2  }
0x2ca: {  	v5 =	vld [tilespmem:s24+$0x220];
	v3 =	vadd.f32 v7, v3  }
0x2cb: {  	s26 =	simm.s32 $0x40;
	v1 =	vld [tilespmem:s25+$0xFFFFFE80];
	v2 =	vadd.f32 v4, v2  }
0x2cc: {  	[tilespmem:s26+$0x17680] =	vst v3;
	v3 =	vld [tilespmem:s24+$0x260]  }
0x2cd: {  	v4 =	vld [tilespmem:s23+$0xFFFFFCD0];
	v2 =	vadd.f32 v8, v2  }
0x2ce: {  	v8 =	vld [tilespmem:s24+$0x2A0]  }
0x2cf: {  	v9 =	vld [tilespmem:s23+$0xFFFFFD10];
	v2 =	vadd.f32 v5, v2  }
0x2d0: {  	v5 =	vld [tilespmem:s24+$0x2E0]  }
0x2d1: {  	v10 =	vld [tilespmem:s23+$0xFFFFFD50];
	v2 =	vadd.f32 v3, v2  }
0x2d2: {  	v3 =	vld [tilespmem:s24+$0x320]  }
0x2d3: {  	v6 =	vld [tilespmem:s25+$0xFFFFFD80];
	v2 =	vadd.f32 v8, v2  }
0x2d4: {  	v8 =	vld [tilespmem:s23+$0xFFFFFD90]  }
0x2d5: {  	v7 =	vld [tilespmem:s25+$0xFFFFFD40];
	v4 =	vadd.f32 v9, v4;
	v2 =	vadd.f32 v5, v2  }
0x2d6: {  	v5 =	vld [tilespmem:s23+$0xFFFFFDD0]  }
0x2d7: {  	v51 =	vld [tilespmem:s23+$0xFFFFFED0];
	v4 =	vadd.f32 v10, v4;
	v2 =	vadd.f32 v3, v2  }
0x2d8: {  	v3 =	vld [tilespmem:s23+$0xFFFFFE10]  }
0x2d9: {  	v4 =	vadd.f32 v8, v4;
	v8 =	vld [tilespmem:s23+$0xFFFFFE50];
	[tilespmem:s22+$0x176A0] =	vst v2  }
0x2da: {  	v2 =	vld [tilespmem:s24+$0xFFFFFCF0]  }
0x2db: {  	v4 =	vadd.f32 v5, v4;
	v5 =	vld [tilespmem:s24+$0xFFFFFD30]  }
0x2dc: {  	v10 =	vld [tilespmem:s23+$0xFFFFFE90]  }
0x2dd: {  	v3 =	vadd.f32 v3, v4;
	v4 =	vld [tilespmem:s24+$0xFFFFFD70]  }
0x2de: {  	v52 =	vld [tilespmem:s23+$0xFFFFFF10]  }
0x2df: {  	v3 =	vadd.f32 v8, v3;
	v8 =	vld [tilespmem:s24+$0xFFFFFDB0]  }
0x2e0: {  	v53 =	vld [tilespmem:s23+$0xFFFFFF90];
	v2 =	vadd.f32 v5, v2  }
0x2e1: {  	v5 =	vld [tilespmem:s24+$0xFFFFFDF0];
	v3 =	vadd.f32 v10, v3  }
0x2e2: {  	v10 =	vld [tilespmem:s23+$0xFFFFFF50];
	v2 =	vadd.f32 v4, v2  }
0x2e3: {  	v4 =	vld [tilespmem:s24+$0xFFFFFE30];
	v3 =	vadd.f32 v51, v3  }
0x2e4: {  	v54 =	vld [tilespmem:s23+$0xFFFFFFD0];
	v2 =	vadd.f32 v8, v2  }
0x2e5: {  	v8 =	vld [tilespmem:s24+$0xFFFFFE70];
	v3 =	vadd.f32 v52, v3  }
0x2e6: {  	v55 =	vld [tilespmem:s23+$0x50];
	v2 =	vadd.f32 v5, v2  }
0x2e7: {  	v5 =	vld [tilespmem:s24+$0xFFFFFEB0];
	v3 =	vadd.f32 v10, v3  }
0x2e8: {  	v10 =	vld [tilespmem:s23+$0x10];
	v2 =	vadd.f32 v4, v2  }
0x2e9: {  	v4 =	vld [tilespmem:s24+$0xFFFFFEF0];
	v3 =	vadd.f32 v53, v3  }
0x2ea: {  	v56 =	vld [tilespmem:s23+$0x90];
	v2 =	vadd.f32 v8, v2  }
0x2eb: {  	v8 =	vld [tilespmem:s24+$0xFFFFFF30];
	v3 =	vadd.f32 v54, v3  }
0x2ec: {  	v57 =	vld [tilespmem:s23+$0x110];
	v2 =	vadd.f32 v5, v2  }
0x2ed: {  	v5 =	vld [tilespmem:s24+$0xFFFFFF70];
	v3 =	vadd.f32 v10, v3  }
0x2ee: {  	v10 =	vld [tilespmem:s23+$0xD0];
	v2 =	vadd.f32 v4, v2  }
0x2ef: {  	v4 =	vld [tilespmem:s24+$0xFFFFFFB0];
	v3 =	vadd.f32 v55, v3  }
0x2f0: {  	v58 =	vld [tilespmem:s23+$0x150];
	v2 =	vadd.f32 v8, v2  }
0x2f1: {  	v8 =	vld [tilespmem:s24+$0xFFFFFFF0];
	v3 =	vadd.f32 v56, v3  }
0x2f2: {  	v59 =	vld [tilespmem:s23+$0x1D0];
	v2 =	vadd.f32 v5, v2  }
0x2f3: {  	v5 =	vld [tilespmem:s24+$0x30];
	v3 =	vadd.f32 v10, v3  }
0x2f4: {  	v10 =	vld [tilespmem:s23+$0x190];
	v2 =	vadd.f32 v4, v2  }
0x2f5: {  	v4 =	vld [tilespmem:s24+$0x70];
	v3 =	vadd.f32 v57, v3  }
0x2f6: {  	v60 =	vld [tilespmem:s23+$0x210];
	v2 =	vadd.f32 v8, v2  }
0x2f7: {  	v8 =	vld [tilespmem:s24+$0xB0];
	v3 =	vadd.f32 v58, v3  }
0x2f8: {  	v61 =	vld [tilespmem:s23+$0x290];
	v2 =	vadd.f32 v5, v2  }
0x2f9: {  	v5 =	vld [tilespmem:s24+$0xF0];
	v3 =	vadd.f32 v10, v3  }
0x2fa: {  	v10 =	vld [tilespmem:s23+$0x250];
	v2 =	vadd.f32 v4, v2  }
0x2fb: {  	v4 =	vld [tilespmem:s24+$0x130];
	v3 =	vadd.f32 v59, v3  }
0x2fc: {  	v9 =	vld [tilespmem:s25+$0xFFFFFD00];
	v2 =	vadd.f32 v8, v2  }
0x2fd: {  	v62 =	vld [tilespmem:s24+$0x170];
	v3 =	vadd.f32 v60, v3  }
0x2fe: {  	v63 =	vld [tilespmem:s23+$0x2D0];
	v2 =	vadd.f32 v5, v2  }
0x2ff: {  	v5 =	vadd.f32 v10, v3;
	v3 =	vld [tilespmem:s24+$0x1B0]  }
0x300: {  	v8 =	vld [tilespmem:s23+$0x310];
	v4 =	vadd.f32 v4, v2  }
0x301: {  	v2 =	vld [tilespmem:s24+$0x1F0];
	v12 =	vadd.f32 v61, v5  }
0x302: {  	v11 =	vadd.f32 v9, v11;
	v10 =	vld [tilespmem:s25+$0xFFFFFDC0];
	v5 =	vadd.f32 v62, v4  }
0x303: {  	s28 =	simm.s32 $0x200;
	s29 =	simm.s32 $0x300;
	v4 =	vld [tilespmem:s24+$0x230];
	v9 =	vadd.f32 v63, v12  }
.LBB2_5:
0x304: {  	p1 =	sne.s32 s29, $0xF00;
	v7 =	vadd.f32 v7, v11;
	v11 =	vld [tilespmem:s25+$0xFFFFFE00];
	v3 =	vadd.f32 v3, v5  }
0x305: {  	v5 =	vadd.f32 v8, v9;
	v8 =	vld [tilespmem:s24+$0x270]  }
0x306: {  	v6 =	vadd.f32 v6, v7;
	v7 =	vld [tilespmem:s25+$0xFFFFFE40];
	v2 =	vadd.f32 v2, v3  }
0x307: {  	[tilespmem:s26+$0x17690] =	vst v5;
	v3 =	vld [tilespmem:s24+$0x2B0]  }
0x308: {  	v5 =	vadd.f32 v10, v6;
	v6 =	vld [tilespmem:s23+$0xFFFFFCE0];
	v2 =	vadd.f32 v4, v2  }
0x309: {  	v4 =	vld [tilespmem:s24+$0x2F0]  }
0x30a: {  	v5 =	vadd.f32 v11, v5;
	v9 =	vld [tilespmem:s23+$0xFFFFFD20];
	v2 =	vadd.f32 v8, v2  }
0x30b: {  	v8 =	vld [tilespmem:s24+$0x330];
	s24 =	smov.u32 s23;
	s23 =	smov.u32 s25  }
0x30c: {  	v5 =	vadd.f32 v7, v5;
	v7 =	vld [tilespmem:s24+$0xFFFFFD60];
	v2 =	vadd.f32 v3, v2  }
0x30d: {  	v3 =	vld [tilespmem:s25+$0xFFFFFF00]  }
0x30e: {  	v1 =	vadd.f32 v1, v5;
	v5 =	vld [tilespmem:s24+$0xFFFFFDA0];
	v2 =	vadd.f32 v4, v2  }
0x30f: {  	v4 =	vld [tilespmem:s25+$0xFFFFFF40];
	v6 =	vadd.f32 v9, v6  }
0x310: {  	v0 =	vadd.f32 v0, v1;
	v1 =	vld [tilespmem:s24+$0xFFFFFDE0];
	v2 =	vadd.f32 v8, v2  }
0x311: {  	v8 =	vld [tilespmem:s25+$0xFFFFFF80];
	v6 =	vadd.f32 v7, v6  }
0x312: {  	v0 =	vadd.f32 v3, v0;
	v3 =	vld [tilespmem:s24+$0xFFFFFE20];
	[tilespmem:s22+$0x176B0] =	vst v2;
	s22 =	smov.u32 s26  }
0x313: {  	v2 =	vld [tilespmem:s25+$0xFFFFFFC0];
	v5 =	vadd.f32 v5, v6  }
0x314: {  	v0 =	vadd.f32 v4, v0;
	v4 =	vld [tilespmem:s24+$0xFFFFFE60]  }
0x315: {  	v6 =	vld [tilespmem:s25+$0x0];
	v1 =	vadd.f32 v1, v5  }
0x316: {  	v0 =	vadd.f32 v8, v0;
	v5 =	vld [tilespmem:s24+$0xFFFFFEA0]  }
0x317: {  	v7 =	vld [tilespmem:s25+$0x40];
	v1 =	vadd.f32 v3, v1  }
0x318: {  	v0 =	vadd.f32 v2, v0;
	v2 =	vld [tilespmem:s24+$0xFFFFFEE0]  }
0x319: {  	v3 =	vld [tilespmem:s25+$0x80];
	v1 =	vadd.f32 v4, v1  }
0x31a: {  	v0 =	vadd.f32 v6, v0;
	v4 =	vld [tilespmem:s24+$0xFFFFFF20]  }
0x31b: {  	v6 =	vld [tilespmem:s25+$0xC0];
	v1 =	vadd.f32 v5, v1  }
0x31c: {  	v0 =	vadd.f32 v7, v0;
	v5 =	vld [tilespmem:s24+$0xFFFFFF60]  }
0x31d: {  	v7 =	vld [tilespmem:s25+$0x100];
	v1 =	vadd.f32 v2, v1  }
0x31e: {  	v0 =	vadd.f32 v3, v0;
	v2 =	vld [tilespmem:s24+$0xFFFFFFA0]  }
0x31f: {  	v3 =	vld [tilespmem:s25+$0x140];
	v1 =	vadd.f32 v4, v1  }
0x320: {  	v0 =	vadd.f32 v6, v0;
	v4 =	vld [tilespmem:s24+$0xFFFFFFE0]  }
0x321: {  	v6 =	vld [tilespmem:s25+$0x180];
	v1 =	vadd.f32 v5, v1  }
0x322: {  	v0 =	vadd.f32 v7, v0;
	v5 =	vld [tilespmem:s24+$0x20]  }
0x323: {  	v7 =	vld [tilespmem:s25+$0x1C0];
	v1 =	vadd.f32 v2, v1  }
0x324: {  	v0 =	vadd.f32 v3, v0;
	v2 =	vld [tilespmem:s24+$0x60]  }
0x325: {  	v3 =	vld [tilespmem:s25+$0x200];
	v1 =	vadd.f32 v4, v1  }
0x326: {  	v0 =	vadd.f32 v6, v0;
	v4 =	vld [tilespmem:s24+$0xA0]  }
0x327: {  	v6 =	vld [tilespmem:s25+$0x240];
	v1 =	vadd.f32 v5, v1  }
0x328: {  	v0 =	vadd.f32 v7, v0;
	v5 =	vld [tilespmem:s24+$0xE0]  }
0x329: {  	v7 =	vld [tilespmem:s25+$0x280];
	v1 =	vadd.f32 v2, v1  }
0x32a: {  	v0 =	vadd.f32 v3, v0;
	v2 =	vld [tilespmem:s24+$0x120]  }
0x32b: {  	v3 =	vld [tilespmem:s25+$0x2C0];
	v1 =	vadd.f32 v4, v1  }
0x32c: {  	v0 =	vadd.f32 v6, v0;
	v4 =	vld [tilespmem:s24+$0x160]  }
0x32d: {  	v6 =	vld [tilespmem:s25+$0x300];
	v1 =	vadd.f32 v5, v1  }
0x32e: {  	s25 =	sadd.s32 $0x680, s25;
	v5 =	vadd.f32 v7, v0;
	v7 =	vld [tilespmem:s24+$0x1A0]  }
0x32f: {  	v0 =	vld [tilespmem:s25+$0xFFFFFEC0];
	v2 =	vadd.f32 v2, v1  }
0x330: {  	v3 =	vadd.f32 v3, v5;
	v5 =	vld [tilespmem:s24+$0x1E0]  }
0x331: {  	v1 =	vld [tilespmem:s25+$0xFFFFFE80];
	v2 =	vadd.f32 v4, v2  }
0x332: {  	v3 =	vadd.f32 v6, v3;
	v4 =	vld [tilespmem:s24+$0x220]  }
0x333: {  	s26 =	sshra.s32 s28, $0x2;
	s28 =	smov.u32 s29;
	v6 =	vld [tilespmem:s25+$0xFFFFFD80];
	v2 =	vadd.f32 v7, v2  }
0x334: {  	[tilespmem:s26+$0x17680] =	vst v3;
	v3 =	vld [tilespmem:s24+$0x260]  }
0x335: {  	v8 =	vld [tilespmem:s23+$0xFFFFFCD0];
	v2 =	vadd.f32 v5, v2  }
0x336: {  	v5 =	vld [tilespmem:s24+$0x2A0]  }
0x337: {  	v9 =	vld [tilespmem:s23+$0xFFFFFD10];
	v2 =	vadd.f32 v4, v2  }
0x338: {  	v10 =	vld [tilespmem:s24+$0x2E0]  }
0x339: {  	v11 =	vld [tilespmem:s23+$0xFFFFFD50];
	v2 =	vadd.f32 v3, v2  }
0x33a: {  	v3 =	vld [tilespmem:s24+$0x320]  }
0x33b: {  	v7 =	vld [tilespmem:s25+$0xFFFFFD40];
	v2 =	vadd.f32 v5, v2  }
0x33c: {  	v5 =	vld [tilespmem:s23+$0xFFFFFD90]  }
0x33d: {  	v8 =	vadd.f32 v9, v8;
	v4 =	vld [tilespmem:s25+$0xFFFFFCC0];
	v2 =	vadd.f32 v10, v2  }
0x33e: {  	v9 =	vld [tilespmem:s23+$0xFFFFFDD0]  }
0x33f: {  	v8 =	vadd.f32 v11, v8;
	v10 =	vld [tilespmem:s25+$0xFFFFFD00];
	v2 =	vadd.f32 v3, v2  }
0x340: {  	v3 =	vld [tilespmem:s23+$0xFFFFFE10]  }
0x341: {  	v5 =	vadd.f32 v5, v8;
	v8 =	vld [tilespmem:s23+$0xFFFFFE50];
	[tilespmem:s22+$0x176A0] =	vst v2  }
0x342: {  	v2 =	vld [tilespmem:s24+$0xFFFFFCF0]  }
0x343: {  	v5 =	vadd.f32 v9, v5;
	v9 =	vld [tilespmem:s24+$0xFFFFFD30]  }
0x344: {  	v11 =	vld [tilespmem:s23+$0xFFFFFE90]  }
0x345: {  	v3 =	vadd.f32 v3, v5;
	v5 =	vld [tilespmem:s24+$0xFFFFFD70]  }
0x346: {  	v12 =	vld [tilespmem:s23+$0xFFFFFED0]  }
0x347: {  	v3 =	vadd.f32 v8, v3;
	v8 =	vld [tilespmem:s24+$0xFFFFFDB0]  }
0x348: {  	v13 =	vld [tilespmem:s23+$0xFFFFFF10];
	v2 =	vadd.f32 v9, v2  }
0x349: {  	v3 =	vadd.f32 v11, v3;
	v9 =	vld [tilespmem:s24+$0xFFFFFDF0]  }
0x34a: {  	v11 =	vld [tilespmem:s23+$0xFFFFFF50];
	v2 =	vadd.f32 v5, v2  }
0x34b: {  	v3 =	vadd.f32 v12, v3;
	v5 =	vld [tilespmem:s24+$0xFFFFFE30]  }
0x34c: {  	v12 =	vld [tilespmem:s23+$0xFFFFFF90];
	v2 =	vadd.f32 v8, v2  }
0x34d: {  	v3 =	vadd.f32 v13, v3;
	v8 =	vld [tilespmem:s24+$0xFFFFFE70]  }
0x34e: {  	v13 =	vld [tilespmem:s23+$0xFFFFFFD0];
	v2 =	vadd.f32 v9, v2  }
0x34f: {  	v3 =	vadd.f32 v11, v3;
	v9 =	vld [tilespmem:s24+$0xFFFFFEB0]  }
0x350: {  	v11 =	vld [tilespmem:s23+$0x10];
	v2 =	vadd.f32 v5, v2  }
0x351: {  	v3 =	vadd.f32 v12, v3;
	v5 =	vld [tilespmem:s24+$0xFFFFFEF0]  }
0x352: {  	v12 =	vld [tilespmem:s23+$0x50];
	v2 =	vadd.f32 v8, v2  }
0x353: {  	v3 =	vadd.f32 v13, v3;
	v8 =	vld [tilespmem:s24+$0xFFFFFF30]  }
0x354: {  	v13 =	vld [tilespmem:s23+$0x90];
	v2 =	vadd.f32 v9, v2  }
0x355: {  	v3 =	vadd.f32 v11, v3;
	v9 =	vld [tilespmem:s24+$0xFFFFFF70]  }
0x356: {  	v11 =	vld [tilespmem:s23+$0xD0];
	v2 =	vadd.f32 v5, v2  }
0x357: {  	v3 =	vadd.f32 v12, v3;
	v5 =	vld [tilespmem:s24+$0xFFFFFFB0]  }
0x358: {  	v12 =	vld [tilespmem:s23+$0x110];
	v2 =	vadd.f32 v8, v2  }
0x359: {  	v3 =	vadd.f32 v13, v3;
	v8 =	vld [tilespmem:s24+$0xFFFFFFF0]  }
0x35a: {  	v13 =	vld [tilespmem:s23+$0x150];
	v2 =	vadd.f32 v9, v2  }
0x35b: {  	v3 =	vadd.f32 v11, v3;
	v9 =	vld [tilespmem:s24+$0x30]  }
0x35c: {  	v11 =	vld [tilespmem:s23+$0x190];
	v2 =	vadd.f32 v5, v2  }
0x35d: {  	v3 =	vadd.f32 v12, v3;
	v5 =	vld [tilespmem:s24+$0x70]  }
0x35e: {  	v12 =	vld [tilespmem:s23+$0x1D0];
	v2 =	vadd.f32 v8, v2  }
0x35f: {  	v3 =	vadd.f32 v13, v3;
	v8 =	vld [tilespmem:s24+$0xB0]  }
0x360: {  	v13 =	vld [tilespmem:s23+$0x210];
	v2 =	vadd.f32 v9, v2  }
0x361: {  	v3 =	vadd.f32 v11, v3;
	v9 =	vld [tilespmem:s24+$0xF0]  }
0x362: {  	v11 =	vld [tilespmem:s23+$0x250];
	v2 =	vadd.f32 v5, v2  }
0x363: {  	v3 =	vadd.f32 v12, v3;
	v5 =	vld [tilespmem:s24+$0x130]  }
0x364: {  	v12 =	vld [tilespmem:s23+$0x290];
	v2 =	vadd.f32 v8, v2  }
0x365: {  	v3 =	vadd.f32 v13, v3;
	v13 =	vld [tilespmem:s24+$0x170]  }
0x366: {  	v14 =	vld [tilespmem:s23+$0x2D0];
	v2 =	vadd.f32 v9, v2  }
.Ltmp1:
0x367: {  	v9 =	vadd.f32 v11, v3;
	v3 =	vld [tilespmem:s24+$0x1B0];
	(pc) =	sbr.rel @p1 .LBB2_5-.Ltmp1, $4  }
0x368: {  	v8 =	vld [tilespmem:s23+$0x310];
	v5 =	vadd.f32 v5, v2  }
0x369: {  	v9 =	vadd.f32 v12, v9;
	v2 =	vld [tilespmem:s24+$0x1F0]  }
0x36a: {  	v11 =	vadd.f32 v10, v4;
	v10 =	vld [tilespmem:s25+$0xFFFFFDC0];
	v5 =	vadd.f32 v13, v5  }
0x36b: {  	s29 =	sadd.s32 $0x100, s29;
	v9 =	vadd.f32 v14, v9;
	v4 =	vld [tilespmem:s24+$0x230]  }
0x36c: {  	v7 =	vadd.f32 v7, v11  }
0x36d: {  	v21 =	vld [tilespmem:s25+$0xFFFFFE00]  }
0x36e: {  	v6 =	vadd.f32 v6, v7  }
0x36f: {  	v22 =	vld [tilespmem:s25+$0xFFFFFE40]  }
0x370: {  	v6 =	vadd.f32 v10, v6;
	_ =	sdelay $0x1  }
0x371: {  	v6 =	vadd.f32 v21, v6;
	_ =	sdelay $0x1  }
0x372: {  	v6 =	vadd.f32 v22, v6  }
0x373: {  	v23 =	vld [tilespmem:s25+$0xFFFFFF00]  }
0x374: {  	v1 =	vadd.f32 v1, v6  }
0x375: {  	v24 =	vld [tilespmem:s25+$0xFFFFFF40]  }
0x376: {  	v0 =	vadd.f32 v0, v1  }
0x377: {  	v25 =	vld [tilespmem:s25+$0xFFFFFF80]  }
0x378: {  	v0 =	vadd.f32 v23, v0  }
0x379: {  	v26 =	vld [tilespmem:s25+$0xFFFFFFC0]  }
0x37a: {  	v0 =	vadd.f32 v24, v0  }
0x37b: {  	v27 =	vld [tilespmem:s25+$0x0]  }
0x37c: {  	v0 =	vadd.f32 v25, v0  }
0x37d: {  	v28 =	vld [tilespmem:s25+$0x40]  }
0x37e: {  	v0 =	vadd.f32 v26, v0  }
0x37f: {  	v29 =	vld [tilespmem:s25+$0x80]  }
0x380: {  	v0 =	vadd.f32 v27, v0  }
0x381: {  	v30 =	vld [tilespmem:s25+$0xC0]  }
0x382: {  	v0 =	vadd.f32 v28, v0  }
0x383: {  	v31 =	vld [tilespmem:s25+$0x100]  }
0x384: {  	v0 =	vadd.f32 v29, v0  }
0x385: {  	v32 =	vld [tilespmem:s25+$0x140]  }
0x386: {  	v0 =	vadd.f32 v30, v0  }
0x387: {  	v33 =	vld [tilespmem:s25+$0x180]  }
0x388: {  	v0 =	vadd.f32 v31, v0  }
0x389: {  	v34 =	vld [tilespmem:s25+$0x1C0]  }
0x38a: {  	v0 =	vadd.f32 v32, v0  }
0x38b: {  	v35 =	vld [tilespmem:s25+$0x200]  }
0x38c: {  	v0 =	vadd.f32 v33, v0  }
0x38d: {  	v36 =	vld [tilespmem:s25+$0x240]  }
0x38e: {  	v0 =	vadd.f32 v34, v0  }
0x38f: {  	v37 =	vld [tilespmem:s25+$0x280]  }
0x390: {  	v0 =	vadd.f32 v35, v0  }
0x391: {  	v38 =	vld [tilespmem:s25+$0x2C0]  }
0x392: {  	v0 =	vadd.f32 v36, v0  }
0x393: {  	v39 =	vld [tilespmem:s25+$0x300]  }
0x394: {  	v0 =	vadd.f32 v37, v0;
	_ =	sdelay $0x1  }
0x395: {  	v0 =	vadd.f32 v38, v0;
	_ =	sdelay $0x1  }
0x396: {  	v0 =	vadd.f32 v39, v0  }
0x397: {  	s28 =	sshra.s32 s28, $0x2  }
0x398: {  	[tilespmem:s28+$0x17680] =	vst v0  }
0x399: {  	v0 =	vld [tilespmem:s25+$0xFFFFFCD0]  }
0x39a: {  	v40 =	vld [tilespmem:s25+$0xFFFFFD10];
	_ =	sdelay $0x1  }
0x39b: {  	v41 =	vld [tilespmem:s25+$0xFFFFFD50];
	_ =	sdelay $0x1  }
0x39c: {  	v42 =	vld [tilespmem:s25+$0xFFFFFD90]  }
0x39d: {  	v0 =	vadd.f32 v40, v0  }
0x39e: {  	v43 =	vld [tilespmem:s25+$0xFFFFFDD0]  }
0x39f: {  	v0 =	vadd.f32 v41, v0  }
0x3a0: {  	v44 =	vld [tilespmem:s25+$0xFFFFFE10]  }
0x3a1: {  	v0 =	vadd.f32 v42, v0  }
0x3a2: {  	v45 =	vld [tilespmem:s25+$0xFFFFFE50]  }
0x3a3: {  	v0 =	vadd.f32 v43, v0  }
0x3a4: {  	v46 =	vld [tilespmem:s25+$0xFFFFFE90]  }
0x3a5: {  	v0 =	vadd.f32 v44, v0  }
0x3a6: {  	v47 =	vld [tilespmem:s25+$0xFFFFFED0]  }
0x3a7: {  	v0 =	vadd.f32 v45, v0  }
0x3a8: {  	v48 =	vld [tilespmem:s25+$0xFFFFFF10]  }
0x3a9: {  	v0 =	vadd.f32 v46, v0  }
0x3aa: {  	v49 =	vld [tilespmem:s25+$0xFFFFFF50]  }
0x3ab: {  	v0 =	vadd.f32 v47, v0  }
0x3ac: {  	v50 =	vld [tilespmem:s25+$0xFFFFFF90]  }
0x3ad: {  	v0 =	vadd.f32 v48, v0  }
0x3ae: {  	v51 =	vld [tilespmem:s25+$0xFFFFFFD0]  }
0x3af: {  	v0 =	vadd.f32 v49, v0  }
0x3b0: {  	v52 =	vld [tilespmem:s25+$0x10]  }
0x3b1: {  	v0 =	vadd.f32 v50, v0  }
0x3b2: {  	v53 =	vld [tilespmem:s25+$0x50]  }
0x3b3: {  	v0 =	vadd.f32 v51, v0  }
0x3b4: {  	v54 =	vld [tilespmem:s25+$0x90]  }
0x3b5: {  	v0 =	vadd.f32 v52, v0  }
0x3b6: {  	v55 =	vld [tilespmem:s25+$0xD0]  }
0x3b7: {  	v0 =	vadd.f32 v53, v0  }
0x3b8: {  	v56 =	vld [tilespmem:s25+$0x110]  }
0x3b9: {  	v0 =	vadd.f32 v54, v0  }
0x3ba: {  	v57 =	vld [tilespmem:s25+$0x150]  }
0x3bb: {  	v0 =	vadd.f32 v55, v0  }
0x3bc: {  	v58 =	vld [tilespmem:s25+$0x190]  }
0x3bd: {  	v0 =	vadd.f32 v56, v0  }
0x3be: {  	v59 =	vld [tilespmem:s25+$0x1D0]  }
0x3bf: {  	v0 =	vadd.f32 v57, v0  }
0x3c0: {  	v60 =	vld [tilespmem:s25+$0x210]  }
0x3c1: {  	v0 =	vadd.f32 v58, v0  }
0x3c2: {  	v61 =	vld [tilespmem:s25+$0x250]  }
0x3c3: {  	v0 =	vadd.f32 v59, v0  }
0x3c4: {  	v62 =	vld [tilespmem:s25+$0x290]  }
0x3c5: {  	v0 =	vadd.f32 v60, v0  }
0x3c6: {  	v63 =	vld [tilespmem:s25+$0x2D0]  }
0x3c7: {  	v0 =	vadd.f32 v61, v0  }
0x3c8: {  	v10 =	vld [tilespmem:s25+$0x310]  }
0x3c9: {  	v0 =	vadd.f32 v62, v0  }
0x3ca: {  	v11 =	vadd.f32 v8, v9  }
0x3cb: {  	v0 =	vadd.f32 v63, v0  }
0x3cc: {  	[tilespmem:s26+$0x17690] =	vst v11  }
0x3cd: {  	v12 =	vld [tilespmem:s23+$0xFFFFFD20];
	v0 =	vadd.f32 v10, v0  }
0x3ce: {  	v6 =	vld [tilespmem:s23+$0xFFFFFCE0]  }
0x3cf: {  	v13 =	vld [tilespmem:s23+$0xFFFFFD60];
	[tilespmem:s28+$0x17690] =	vst v0  }
0x3d0: {  	v0 =	vld [tilespmem:s25+$0xFFFFFCE0]  }
0x3d1: {  	v14 =	vld [tilespmem:s25+$0xFFFFFD20]  }
0x3d2: {  	v15 =	vld [tilespmem:s23+$0xFFFFFDA0]  }
0x3d3: {  	v1 =	vadd.f32 v12, v6;
	v16 =	vld [tilespmem:s25+$0xFFFFFD60]  }
0x3d4: {  	v17 =	vld [tilespmem:s23+$0xFFFFFDE0]  }
0x3d5: {  	v1 =	vadd.f32 v13, v1;
	v18 =	vld [tilespmem:s25+$0xFFFFFDA0]  }
0x3d6: {  	v19 =	vld [tilespmem:s23+$0xFFFFFE20];
	v0 =	vadd.f32 v14, v0  }
0x3d7: {  	v1 =	vadd.f32 v15, v1;
	v20 =	vld [tilespmem:s25+$0xFFFFFDE0]  }
0x3d8: {  	v21 =	vld [tilespmem:s23+$0xFFFFFE60];
	v0 =	vadd.f32 v16, v0  }
0x3d9: {  	v1 =	vadd.f32 v17, v1;
	v22 =	vld [tilespmem:s25+$0xFFFFFE20]  }
0x3da: {  	v23 =	vld [tilespmem:s23+$0xFFFFFEA0];
	v0 =	vadd.f32 v18, v0  }
0x3db: {  	v1 =	vadd.f32 v19, v1;
	v24 =	vld [tilespmem:s25+$0xFFFFFE60]  }
0x3dc: {  	v25 =	vld [tilespmem:s23+$0xFFFFFEE0];
	v0 =	vadd.f32 v20, v0  }
0x3dd: {  	v1 =	vadd.f32 v21, v1;
	v26 =	vld [tilespmem:s25+$0xFFFFFEA0]  }
0x3de: {  	v27 =	vld [tilespmem:s23+$0xFFFFFF20];
	v0 =	vadd.f32 v22, v0  }
0x3df: {  	v1 =	vadd.f32 v23, v1;
	v28 =	vld [tilespmem:s25+$0xFFFFFEE0]  }
0x3e0: {  	v29 =	vld [tilespmem:s23+$0xFFFFFF60];
	v0 =	vadd.f32 v24, v0  }
0x3e1: {  	v1 =	vadd.f32 v25, v1;
	v30 =	vld [tilespmem:s25+$0xFFFFFF20]  }
0x3e2: {  	v31 =	vld [tilespmem:s23+$0xFFFFFFA0];
	v0 =	vadd.f32 v26, v0  }
0x3e3: {  	v1 =	vadd.f32 v27, v1;
	v32 =	vld [tilespmem:s25+$0xFFFFFF60]  }
0x3e4: {  	v33 =	vld [tilespmem:s23+$0xFFFFFFE0];
	v0 =	vadd.f32 v28, v0  }
0x3e5: {  	v1 =	vadd.f32 v29, v1;
	v34 =	vld [tilespmem:s25+$0xFFFFFFA0]  }
0x3e6: {  	v35 =	vld [tilespmem:s23+$0x20];
	v0 =	vadd.f32 v30, v0  }
0x3e7: {  	v1 =	vadd.f32 v31, v1;
	v36 =	vld [tilespmem:s25+$0xFFFFFFE0]  }
0x3e8: {  	v37 =	vld [tilespmem:s23+$0x60];
	v0 =	vadd.f32 v32, v0  }
0x3e9: {  	v1 =	vadd.f32 v33, v1;
	v38 =	vld [tilespmem:s25+$0x20]  }
0x3ea: {  	v39 =	vld [tilespmem:s23+$0xA0];
	v0 =	vadd.f32 v34, v0  }
0x3eb: {  	v1 =	vadd.f32 v35, v1;
	v40 =	vld [tilespmem:s25+$0x60]  }
0x3ec: {  	v41 =	vld [tilespmem:s23+$0xE0];
	v0 =	vadd.f32 v36, v0  }
0x3ed: {  	v1 =	vadd.f32 v37, v1;
	v42 =	vld [tilespmem:s25+$0xA0]  }
0x3ee: {  	v43 =	vld [tilespmem:s23+$0x120];
	v0 =	vadd.f32 v38, v0  }
0x3ef: {  	v1 =	vadd.f32 v39, v1;
	v44 =	vld [tilespmem:s25+$0xE0]  }
0x3f0: {  	v45 =	vld [tilespmem:s23+$0x160];
	v0 =	vadd.f32 v40, v0  }
0x3f1: {  	v1 =	vadd.f32 v41, v1;
	v46 =	vld [tilespmem:s25+$0x120]  }
0x3f2: {  	v47 =	vld [tilespmem:s23+$0x1A0];
	v0 =	vadd.f32 v42, v0  }
0x3f3: {  	v1 =	vadd.f32 v43, v1;
	v48 =	vld [tilespmem:s25+$0x160]  }
0x3f4: {  	v49 =	vld [tilespmem:s23+$0x1E0];
	v0 =	vadd.f32 v44, v0  }
0x3f5: {  	v1 =	vadd.f32 v45, v1;
	v50 =	vld [tilespmem:s25+$0x1A0]  }
0x3f6: {  	v51 =	vld [tilespmem:s23+$0x220];
	v0 =	vadd.f32 v46, v0  }
0x3f7: {  	v1 =	vadd.f32 v47, v1;
	v52 =	vld [tilespmem:s25+$0x1E0]  }
0x3f8: {  	v53 =	vld [tilespmem:s23+$0x260];
	v0 =	vadd.f32 v48, v0  }
0x3f9: {  	v1 =	vadd.f32 v49, v1;
	v54 =	vld [tilespmem:s25+$0x220]  }
0x3fa: {  	v55 =	vld [tilespmem:s23+$0x2A0];
	v0 =	vadd.f32 v50, v0  }
0x3fb: {  	v1 =	vadd.f32 v51, v1;
	v56 =	vld [tilespmem:s25+$0x260]  }
0x3fc: {  	v57 =	vld [tilespmem:s23+$0x2E0];
	v0 =	vadd.f32 v52, v0  }
0x3fd: {  	v1 =	vadd.f32 v53, v1;
	v58 =	vld [tilespmem:s25+$0x2A0]  }
0x3fe: {  	v59 =	vld [tilespmem:s23+$0x320];
	v0 =	vadd.f32 v54, v0  }
0x3ff: {  	v1 =	vadd.f32 v55, v1;
	v60 =	vld [tilespmem:s25+$0x2E0]  }
0x400: {  	v0 =	vadd.f32 v56, v0  }
0x401: {  	v1 =	vadd.f32 v57, v1;
	v61 =	vld [tilespmem:s25+$0x320]  }
0x402: {  	v0 =	vadd.f32 v58, v0  }
0x403: {  	v6 =	vld [tilespmem:s24+$0x2F0];
	v1 =	vadd.f32 v59, v1  }
0x404: {  	v62 =	vld [tilespmem:s24+$0x270];
	v0 =	vadd.f32 v60, v0  }
0x405: {  	[tilespmem:s26+$0x176A0] =	vst v1;
	v63 =	vld [tilespmem:s24+$0x2B0]  }
0x406: {  	v1 =	vld [tilespmem:s23+$0xFFFFFCF0];
	v0 =	vadd.f32 v61, v0  }
0x407: {  	v17 =	vld [tilespmem:s23+$0xFFFFFD30]  }
0x408: {  	v12 =	vld [tilespmem:s23+$0xFFFFFD70];
	[tilespmem:s28+$0x176A0] =	vst v0  }
0x409: {  	v0 =	vld [tilespmem:s25+$0xFFFFFCF0]  }
0x40a: {  	v18 =	vld [tilespmem:s25+$0xFFFFFD30]  }
0x40b: {  	v14 =	vld [tilespmem:s23+$0xFFFFFDB0]  }
0x40c: {  	v13 =	vld [tilespmem:s25+$0xFFFFFD70]  }
0x40d: {  	v16 =	vld [tilespmem:s24+$0x330]  }
0x40e: {  	v1 =	vadd.f32 v17, v1;
	v19 =	vld [tilespmem:s25+$0xFFFFFDB0]  }
0x40f: {  	v20 =	vld [tilespmem:s23+$0xFFFFFDF0];
	v0 =	vadd.f32 v18, v0  }
0x410: {  	v1 =	vadd.f32 v12, v1;
	v21 =	vld [tilespmem:s25+$0xFFFFFDF0]  }
0x411: {  	v22 =	vld [tilespmem:s23+$0xFFFFFE30];
	v0 =	vadd.f32 v13, v0  }
0x412: {  	v1 =	vadd.f32 v14, v1;
	v23 =	vld [tilespmem:s25+$0xFFFFFE30]  }
0x413: {  	v24 =	vld [tilespmem:s23+$0xFFFFFE70];
	v0 =	vadd.f32 v19, v0  }
0x414: {  	v1 =	vadd.f32 v20, v1;
	v25 =	vld [tilespmem:s25+$0xFFFFFE70]  }
0x415: {  	v26 =	vld [tilespmem:s23+$0xFFFFFEB0];
	v0 =	vadd.f32 v21, v0  }
0x416: {  	v1 =	vadd.f32 v22, v1;
	v27 =	vld [tilespmem:s25+$0xFFFFFEB0]  }
0x417: {  	v28 =	vld [tilespmem:s23+$0xFFFFFEF0];
	v0 =	vadd.f32 v23, v0  }
0x418: {  	v1 =	vadd.f32 v24, v1;
	v29 =	vld [tilespmem:s25+$0xFFFFFEF0]  }
0x419: {  	v30 =	vld [tilespmem:s23+$0xFFFFFF30];
	v0 =	vadd.f32 v25, v0  }
0x41a: {  	v1 =	vadd.f32 v26, v1;
	v31 =	vld [tilespmem:s25+$0xFFFFFF30]  }
0x41b: {  	v32 =	vld [tilespmem:s23+$0xFFFFFF70];
	v0 =	vadd.f32 v27, v0  }
0x41c: {  	v1 =	vadd.f32 v28, v1;
	v33 =	vld [tilespmem:s25+$0xFFFFFF70]  }
0x41d: {  	v34 =	vld [tilespmem:s23+$0xFFFFFFB0];
	v0 =	vadd.f32 v29, v0  }
0x41e: {  	v1 =	vadd.f32 v30, v1;
	v35 =	vld [tilespmem:s25+$0xFFFFFFB0]  }
0x41f: {  	v36 =	vld [tilespmem:s23+$0xFFFFFFF0];
	v0 =	vadd.f32 v31, v0  }
0x420: {  	v1 =	vadd.f32 v32, v1;
	v37 =	vld [tilespmem:s25+$0xFFFFFFF0]  }
0x421: {  	v38 =	vld [tilespmem:s23+$0x30];
	v0 =	vadd.f32 v33, v0  }
0x422: {  	v1 =	vadd.f32 v34, v1;
	v39 =	vld [tilespmem:s25+$0x30]  }
0x423: {  	v40 =	vld [tilespmem:s23+$0x70];
	v0 =	vadd.f32 v35, v0  }
0x424: {  	v1 =	vadd.f32 v36, v1;
	v41 =	vld [tilespmem:s25+$0x70]  }
0x425: {  	v42 =	vld [tilespmem:s23+$0xB0];
	v0 =	vadd.f32 v37, v0  }
0x426: {  	v1 =	vadd.f32 v38, v1;
	v43 =	vld [tilespmem:s25+$0xB0]  }
0x427: {  	v44 =	vld [tilespmem:s23+$0xF0];
	v0 =	vadd.f32 v39, v0  }
0x428: {  	v1 =	vadd.f32 v40, v1;
	v45 =	vld [tilespmem:s25+$0xF0]  }
0x429: {  	v46 =	vld [tilespmem:s23+$0x130];
	v0 =	vadd.f32 v41, v0  }
0x42a: {  	v1 =	vadd.f32 v42, v1;
	v47 =	vld [tilespmem:s25+$0x130]  }
0x42b: {  	v48 =	vld [tilespmem:s23+$0x170];
	v0 =	vadd.f32 v43, v0  }
0x42c: {  	v1 =	vadd.f32 v44, v1;
	v49 =	vld [tilespmem:s25+$0x170]  }
0x42d: {  	v50 =	vld [tilespmem:s23+$0x1B0];
	v0 =	vadd.f32 v45, v0  }
0x42e: {  	v1 =	vadd.f32 v46, v1;
	v51 =	vld [tilespmem:s25+$0x1B0]  }
0x42f: {  	v52 =	vld [tilespmem:s23+$0x1F0];
	v0 =	vadd.f32 v47, v0  }
0x430: {  	v1 =	vadd.f32 v48, v1;
	v53 =	vld [tilespmem:s25+$0x1F0]  }
0x431: {  	v3 =	vadd.f32 v3, v5;
	v54 =	vld [tilespmem:s23+$0x230];
	v0 =	vadd.f32 v49, v0  }
0x432: {  	v1 =	vadd.f32 v50, v1;
	v55 =	vld [tilespmem:s25+$0x230]  }
0x433: {  	v2 =	vadd.f32 v2, v3;
	v56 =	vld [tilespmem:s23+$0x270];
	v0 =	vadd.f32 v51, v0  }
0x434: {  	v1 =	vadd.f32 v52, v1;
	v57 =	vld [tilespmem:s25+$0x270]  }
0x435: {  	v2 =	vadd.f32 v4, v2;
	v58 =	vld [tilespmem:s23+$0x2B0];
	v0 =	vadd.f32 v53, v0  }
0x436: {  	v1 =	vadd.f32 v54, v1;
	v59 =	vld [tilespmem:s25+$0x2B0]  }
0x437: {  	v2 =	vadd.f32 v62, v2;
	v60 =	vld [tilespmem:s23+$0x2F0];
	v0 =	vadd.f32 v55, v0  }
0x438: {  	v1 =	vadd.f32 v56, v1;
	v61 =	vld [tilespmem:s25+$0x2F0]  }
0x439: {  	v62 =	vld [tilespmem:s23+$0x330];
	v2 =	vadd.f32 v63, v2;
	v0 =	vadd.f32 v57, v0  }
0x43a: {  	v1 =	vadd.f32 v58, v1;
	v63 =	vld [tilespmem:s25+$0x330]  }
0x43b: {  	v2 =	vadd.f32 v6, v2;
	v0 =	vadd.f32 v59, v0  }
0x43c: {  	v1 =	vadd.f32 v60, v1  }
0x43d: {  	v2 =	vadd.f32 v16, v2;
	v0 =	vadd.f32 v61, v0  }
0x43e: {  	v1 =	vadd.f32 v62, v1  }
0x43f: {  	[tilespmem:s22+$0x176B0] =	vst v2;
	v0 =	vadd.f32 v63, v0  }
0x440: {  	s21 =	sadd.s32 @!p0 $0x4E0, s21;
	s31 =	sshll.u32 s20, $0x8;
	[tilespmem:s26+$0x176B0] =	vst v1  }
0x441: {  	s20 =	sadd.s32 $0x1, s20;
	s22 =	simm.s32 @!p0 $0x1A0;
	s23 =	simm.s32 @!p0 $0x10A80;
	[tilespmem:s28+$0x176B0] =	vst v0  }
0x442: {  	[tilespmem:s23], [sflag:$0x2] =	stream.indirect.gather @!p0 [hbm4b:s4+s22], $0x40, s21, s22, $0xb8;
	[tilespmem:$0x17A80] =	vst v63  }
0x443: {  	p0 =	sne.s32 s20, $0x32  }
.Ltmp2:
0x444: {  	_ = 	snop;
	(pc) =	sbr.rel @p0 .LBB2_2-.Ltmp2, $3  }
0x445: {  	_ =	sdelay $0x1  }
0x446: {  	s21 =	sadd.s32 s8, s31  }
0x447: {  	[hbm4b:s21+s3] =	stream.linear.scatter [tilespmem:s16], [sflag:$0x4], $0x400, $0x38;
	[tilespmem:$0x17A80] =	vst v63  }
0x448: {  	s19 =	sadd.s32 $0x1, s19  }
0x449: {  	_ =	swait.ge [sflag:s17], $0x400;
	p0 =	sne.s32 s19, s7  }
.Ltmp3:
0x44a: {  	[sflag:s17] =	ssyncset.done $0x0;
	(pc) =	sbr.rel @p0 .LBB2_1-.Ltmp3, $4  }
0x44b: {  	[sflag:s17] =	ssyncadd.s32 $0xFFFFFC00  }
0x44c: {  	_ =	swait.ge [sflag:s18], $0x400  }
0x44d: {  	[sflag:s18] =	ssyncset.done $0x0  }
0x44e: {  	[sflag:s18] =	ssyncadd.s32 $0xFFFFFC00  }
0x44f: {  	_ =	sfence.sel $0x180000  }
0x450: {  	[bflag:$0x0] =	sbarrier.arrive $0xFFFF  }
0x451: {  	p0 =	sne.s32 s0, $0x0;
	_ =	strace $0x9000004A  }
0x452: {  	s0 =	sadd.s32 @!p0 $0x100000, s1;
	[bflag:$0x2] =	sbarrier.arrive $0xFFFF  }
0x453: {  	[sflag:s0] =	ssyncadd.tile.s32 @!p0 $0x1;
	_ =	shalt  }
.Lfunc_end2:
_tile_overlayer_lowered:
.L_overlay_start_2:
0x454: {  	(tag) =	ssettag $0x2  }
0x455: {  	s0 =	rddreg [dreg:$0x0];
	s2 =	stileid.u32  }
0x456: {  	s1 =	rddreg [dreg:$0x1];
	p0 =	sne.s32 s2, $0x0  }
0x457: {  	s3 =	rddreg [dreg:$0x2];
	[bflag:$0x3] =	sbarrier.arrive $0xFFFF;
	s2 =	simm.s32 @!p0 $0x1C05  }
0x458: {  	[timem:s3], [sflag:s2] =	dma.local @!p0 [hbm:s0], s1  }
0x459: {  	s0 =	simm.s32 @!p0 $0x5  }
0x45a: {  	_ =	swait.ge @!p0 [sflag:s0], s1  }
0x45b: {  	s1 =	ssub.s32 @!p0 $0x0, s1;
	[sflag:s0] =	ssyncset.done @!p0 $0x0  }
0x45c: {  	[sflag:s0] =	ssyncadd.s32 @!p0 s1  }
0x45d: {  	[bflag:$0x3] =	sbarrier.arrive $0xFFFF  }
0x45e: {  	_ =	shalt  }

</sc_bundles>
